<compile_context>
chip_gen: v7x
topology: tpu7x:2x2x1
jax: 0.10.2.dev20260603
libtpu: 0.0.44.dev20260713+nightly
codegen_flags: <defaults>
</compile_context>

<pallas_src>
import functools

import jax
import jax.numpy as jnp
from jax import lax
from jax.experimental import pallas as pl
from jax.experimental.pallas import tpu as pltpu
from jax.experimental.pallas import tpu_sc as plsc

_B, _S, _D = 4, 4096, 2048
_R = _B * _S
_NW = 32
_ROWS_PER_W = _R // _NW
_CHUNK = 16
_NCHUNK = _ROWS_PER_W // _CHUNK
_NBUF = 3


def _permute_rows(x2d, perm32):
    mesh = plsc.VectorSubcoreMesh(core_axis_name="c", subcore_axis_name="s")

    @functools.partial(
        pl.kernel,
        mesh=mesh,
        out_type=jax.ShapeDtypeStruct((_R, _D), jnp.float32),
        scratch_types=(
            [pltpu.VMEM((_ROWS_PER_W,), jnp.int32)]
            + [pltpu.VMEM((_CHUNK, _D), jnp.float32)] * _NBUF
            + [pltpu.SemaphoreType.DMA] * (2 * _NBUF)
        ),
    )
    def k(x_hbm, perm_hbm, out_hbm, idx_all, *bufs_and_sems):
        rows = bufs_and_sems[:_NBUF]
        gsem = bufs_and_sems[_NBUF:2 * _NBUF]
        ssem = bufs_and_sems[2 * _NBUF:]
        wid = lax.axis_index("s") * 2 + lax.axis_index("c")
        base = wid * _ROWS_PER_W
        row_off = (base // _S) * _S
        pbase = base - row_off
        pltpu.sync_copy(perm_hbm.at[pl.ds(pbase, _ROWS_PER_W)], idx_all)
        for i in range(_ROWS_PER_W // 16):
            idx_all[pl.ds(i * 16, 16)] = idx_all[pl.ds(i * 16, 16)] + row_off

        def gather(c):
            return pltpu.async_copy(
                x_hbm.at[idx_all.at[pl.ds(c * _CHUNK, _CHUNK)]],
                rows[c % _NBUF], gsem[c % _NBUF])

        gh = [None] * _NCHUNK
        sh = [None] * _NCHUNK
        for g in range(min(_NBUF - 1, _NCHUNK)):
            gh[g] = gather(g)
        for c in range(_NCHUNK):
            g = c + _NBUF - 1
            if g < _NCHUNK:
                if g >= _NBUF:
                    sh[g - _NBUF].wait()
                gh[g] = gather(g)
            gh[c].wait()
            sh[c] = pltpu.async_copy(
                rows[c % _NBUF], out_hbm.at[pl.ds(base + c * _CHUNK, _CHUNK)],
                ssem[c % _NBUF])
        for c in range(max(0, _NCHUNK - _NBUF), _NCHUNK):
            sh[c].wait()

    return k(x2d, perm32)


def kernel(x, perm_indices):
    x2d = x.reshape(_R, _D)
    perm32 = perm_indices.astype(jnp.int32)
    out = _permute_rows(x2d, perm32)
    return out.reshape(_B, _S, _D)

# --- scband reference (transcript-rebuilt; emitter-appended) ---
"""Pipeline reference for scband-permutation-random-24902220382331 (READ-ONLY COPY).

The authoritative reference and input builder live on the scoring server;
editing this copy changes nothing except your own understanding.
"""

import jax, jax.numpy as jnp
import numpy as np


def setup_inputs(seed: int = 0) -> dict:
    key = jax.random.key(seed)
    k1, k2 = jax.random.split(key)
    x = jax.random.normal(k1, (4, 4096, 2048), dtype=jnp.float32)
    # Fixed random permutation buffer (analog of torch.randperm with fixed seed)
    perm_indices = jax.random.permutation(k2, 4096)
    return {"x": x, "perm_indices": perm_indices}


def reference(x, perm_indices):
    # PermutationRandom.forward with dim=1, inverse=False:
    # torch.index_select(x, 1, perm_indices)
    return jnp.take(x, perm_indices, axis=1)

if __name__ == "__main__":
    import jax
    _d = setup_inputs()
    print(jax.jit(kernel)(*tuple(_d.values())))

</pallas_src>

<mosaic_0001>
#map = affine_map<(d0, d1) -> (0, 0)>
#map1 = affine_map<(d0, d1) -> (0)>
module attributes {stable_mosaic.version = 14 : i64} {
  func.func @k(%arg0: i32, %arg1: i32, %arg2: memref<16384x2048xf32, #tpu.memory_space<hbm>>, %arg3: memref<4096xi32, #tpu.memory_space<hbm>>, %arg4: memref<16384x2048xf32, #tpu.memory_space<hbm>>, %arg5: memref<512xi32, #tpu.memory_space<vmem>>, %arg6: memref<16x2048xf32, #tpu.memory_space<vmem>>, %arg7: memref<16x2048xf32, #tpu.memory_space<vmem>>, %arg8: memref<16x2048xf32, #tpu.memory_space<vmem>>, %arg9: memref<!tpu.dma_semaphore, #tpu.memory_space<semaphore_mem>>, %arg10: memref<!tpu.dma_semaphore, #tpu.memory_space<semaphore_mem>>, %arg11: memref<!tpu.dma_semaphore, #tpu.memory_space<semaphore_mem>>, %arg12: memref<!tpu.dma_semaphore, #tpu.memory_space<semaphore_mem>>, %arg13: memref<!tpu.dma_semaphore, #tpu.memory_space<semaphore_mem>>, %arg14: memref<!tpu.dma_semaphore, #tpu.memory_space<semaphore_mem>>) attributes {dimension_semantics = [#tpu.dimension_semantics<core_parallel>, #tpu.dimension_semantics<subcore_parallel>], iteration_bounds = array<i64: 2, 16>, scalar_prefetch = 0 : i64, scratch_operands = 10 : i64, tpu.core_type = #tpu.core_type<sc_vector_subcore>, window_params = [{transform_indices = #map}, {transform_indices = #map1}, {transform_indices = #map}]} {
    %mul3A = arith.constant 2 : i32
    %mul3A_0 = arith.muli %arg1, %mul3A : i32
    %add3A = arith.addi %mul3A_0, %arg0 : i32
    %mul3A_1 = arith.constant 512 : i32
    %mul3A_2 = arith.muli %add3A, %mul3A_1 : i32
    %jit3A = arith.constant 4096 : i32
    %div3A = arith.divsi %mul3A_2, %jit3A : i32
    %sign3A = arith.constant 0 : i32
    %sign3A_3 = arith.cmpi sgt, %mul3A_2, %sign3A : i32
    %sign3A_4 = arith.extui %sign3A_3 : i1 to i32
    %sign3A_5 = arith.constant 0 : i32
    %sign3A_6 = arith.cmpi slt, %mul3A_2, %sign3A_5 : i32
    %sign3A_7 = arith.extui %sign3A_6 : i1 to i32
    %sign3A_8 = arith.subi %sign3A_4, %sign3A_7 : i32
    %sign3A_9 = arith.constant 0 : i32
    %sign3A_10 = arith.cmpi sgt, %jit3A, %sign3A_9 : i32
    %sign3A_11 = arith.extui %sign3A_10 : i1 to i32
    %sign3A_12 = arith.constant 0 : i32
    %sign3A_13 = arith.cmpi slt, %jit3A, %sign3A_12 : i32
    %sign3A_14 = arith.extui %sign3A_13 : i1 to i32
    %sign3A_15 = arith.subi %sign3A_11, %sign3A_14 : i32
    %ne3A = arith.cmpi ne, %sign3A_8, %sign3A_15 : i32
    %rem3A = arith.remsi %mul3A_2, %jit3A : i32
    %ne3A_16 = arith.constant 0 : i32
    %ne3A_17 = arith.cmpi ne, %rem3A, %ne3A_16 : i32
    %and3A = arith.andi %ne3A, %ne3A_17 : i1
    %sub3A = arith.constant 1 : i32
    %sub3A_18 = arith.subi %div3A, %sub3A : i32
    %select_n3A = arith.select %and3A, %sub3A_18, %div3A : i32
    %mul3A_19 = arith.constant 4096 : i32
    %mul3A_20 = arith.muli %select_n3A, %mul3A_19 : i32
    %sub3A_21 = arith.subi %mul3A_2, %mul3A_20 : i32
    "tpu.region"() ({
      %run_scoped3A = tpu.sem_alloc : memref<!tpu.dma_semaphore, #tpu.memory_space<semaphore_mem>>
      %dma_start3A_946 = tpu.memref_slice %arg3[%sub3A_21] : memref<4096xi32, #tpu.memory_space<hbm>> -> memref<512xi32, #tpu.memory_space<hbm>>
      %dma_start3A_947 = tpu.memref_slice %arg3[%sub3A_21] : memref<4096xi32, #tpu.memory_space<hbm>> -> memref<512xi32, #tpu.memory_space<hbm>>
      tpu.enqueue_dma source(%dma_start3A_947 : memref<512xi32, #tpu.memory_space<hbm>>) target(%arg5 : memref<512xi32, #tpu.memory_space<vmem>>) target_semaphore(%run_scoped3A : memref<!tpu.dma_semaphore, #tpu.memory_space<semaphore_mem>>)
      %dma_wait3A_948 = tpu.memref_slice %arg3[%sub3A_21] : memref<4096xi32, #tpu.memory_space<hbm>> -> memref<512xi32, #tpu.memory_space<hbm>>
      %dma_wait3A_949 = tpu.memref_slice %arg3[%sub3A_21] : memref<4096xi32, #tpu.memory_space<hbm>> -> memref<512xi32, #tpu.memory_space<hbm>>
      tpu.wait_dma2 semaphore(%run_scoped3A : memref<!tpu.dma_semaphore, #tpu.memory_space<semaphore_mem>>) src(%dma_wait3A_949 : memref<512xi32, #tpu.memory_space<hbm>>) dst(%arg5 : memref<512xi32, #tpu.memory_space<vmem>>)
      tpu.yield
    }) : () -> ()
    %get3A = arith.constant 0 : index
    %get3A_22 = tpu.vector_load %arg5[%get3A] {strides = array<i32>} : memref<512xi32, #tpu.memory_space<vmem>>, vector<16xi32>,
    %get3A_23 = vector.shape_cast %get3A_22 : vector<16xi32> to vector<16xi32>
    %add3A_24 = vector.broadcast %mul3A_20 : i32 to vector<16xi32>
    %add3A_25 = arith.addi %get3A_23, %add3A_24 : vector<16xi32>
    %swap3A = arith.constant 0 : index
    %swap3A_26 = tpu.vector_load %arg5[%swap3A] {strides = array<i32>} : memref<512xi32, #tpu.memory_space<vmem>>, vector<16xi32>,
    %swap3A_27 = vector.shape_cast %swap3A_26 : vector<16xi32> to vector<16xi32>
    %swap3A_28 = vector.shape_cast %add3A_25 : vector<16xi32> to vector<16xi32>
    tpu.vector_store %arg5[%swap3A], %swap3A_28 {strides = array<i32>} : memref<512xi32, #tpu.memory_space<vmem>>, vector<16xi32>,
    %get3A_29 = arith.constant 16 : index
    %get3A_30 = tpu.vector_load %arg5[%get3A_29] {strides = array<i32>} : memref<512xi32, #tpu.memory_space<vmem>>, vector<16xi32>,
    %get3A_31 = vector.shape_cast %get3A_30 : vector<16xi32> to vector<16xi32>
    %add3A_32 = vector.broadcast %mul3A_20 : i32 to vector<16xi32>
    %add3A_33 = arith.addi %get3A_31, %add3A_32 : vector<16xi32>
    %swap3A_34 = arith.constant 16 : index
    %swap3A_35 = tpu.vector_load %arg5[%swap3A_34] {strides = array<i32>} : memref<512xi32, #tpu.memory_space<vmem>>, vector<16xi32>,
    %swap3A_36 = vector.shape_cast %swap3A_35 : vector<16xi32> to vector<16xi32>
    %swap3A_37 = vector.shape_cast %add3A_33 : vector<16xi32> to vector<16xi32>
    tpu.vector_store %arg5[%swap3A_34], %swap3A_37 {strides = array<i32>} : memref<512xi32, #tpu.memory_space<vmem>>, vector<16xi32>,
    %get3A_38 = arith.constant 32 : index
    %get3A_39 = tpu.vector_load %arg5[%get3A_38] {strides = array<i32>} : memref<512xi32, #tpu.memory_space<vmem>>, vector<16xi32>,
    %get3A_40 = vector.shape_cast %get3A_39 : vector<16xi32> to vector<16xi32>
    %add3A_41 = vector.broadcast %mul3A_20 : i32 to vector<16xi32>
    %add3A_42 = arith.addi %get3A_40, %add3A_41 : vector<16xi32>
    %swap3A_43 = arith.constant 32 : index
    %swap3A_44 = tpu.vector_load %arg5[%swap3A_43] {strides = array<i32>} : memref<512xi32, #tpu.memory_space<vmem>>, vector<16xi32>,
    %swap3A_45 = vector.shape_cast %swap3A_44 : vector<16xi32> to vector<16xi32>
    %swap3A_46 = vector.shape_cast %add3A_42 : vector<16xi32> to vector<16xi32>
    tpu.vector_store %arg5[%swap3A_43], %swap3A_46 {strides = array<i32>} : memref<512xi32, #tpu.memory_space<vmem>>, vector<16xi32>,
    %get3A_47 = arith.constant 48 : index
    %get3A_48 = tpu.vector_load %arg5[%get3A_47] {strides = array<i32>} : memref<512xi32, #tpu.memory_space<vmem>>, vector<16xi32>,
    %get3A_49 = vector.shape_cast %get3A_48 : vector<16xi32> to vector<16xi32>
    %add3A_50 = vector.broadcast %mul3A_20 : i32 to vector<16xi32>
    %add3A_51 = arith.addi %get3A_49, %add3A_50 : vector<16xi32>
    %swap3A_52 = arith.constant 48 : index
    %swap3A_53 = tpu.vector_load %arg5[%swap3A_52] {strides = array<i32>} : memref<512xi32, #tpu.memory_space<vmem>>, vector<16xi32>,
    %swap3A_54 = vector.shape_cast %swap3A_53 : vector<16xi32> to vector<16xi32>
    %swap3A_55 = vector.shape_cast %add3A_51 : vector<16xi32> to vector<16xi32>
    tpu.vector_store %arg5[%swap3A_52], %swap3A_55 {strides = array<i32>} : memref<512xi32, #tpu.memory_space<vmem>>, vector<16xi32>,
    %get3A_56 = arith.constant 64 : index
    %get3A_57 = tpu.vector_load %arg5[%get3A_56] {strides = array<i32>} : memref<512xi32, #tpu.memory_space<vmem>>, vector<16xi32>,
    %get3A_58 = vector.shape_cast %get3A_57 : vector<16xi32> to vector<16xi32>
    %add3A_59 = vector.broadcast %mul3A_20 : i32 to vector<16xi32>
    %add3A_60 = arith.addi %get3A_58, %add3A_59 : vector<16xi32>
    %swap3A_61 = arith.constant 64 : index
    %swap3A_62 = tpu.vector_load %arg5[%swap3A_61] {strides = array<i32>} : memref<512xi32, #tpu.memory_space<vmem>>, vector<16xi32>,
    %swap3A_63 = vector.shape_cast %swap3A_62 : vector<16xi32> to vector<16xi32>
    %swap3A_64 = vector.shape_cast %add3A_60 : vector<16xi32> to vector<16xi32>
    tpu.vector_store %arg5[%swap3A_61], %swap3A_64 {strides = array<i32>} : memref<512xi32, #tpu.memory_space<vmem>>, vector<16xi32>,
    %get3A_65 = arith.constant 80 : index
    %get3A_66 = tpu.vector_load %arg5[%get3A_65] {strides = array<i32>} : memref<512xi32, #tpu.memory_space<vmem>>, vector<16xi32>,
    %get3A_67 = vector.shape_cast %get3A_66 : vector<16xi32> to vector<16xi32>
    %add3A_68 = vector.broadcast %mul3A_20 : i32 to vector<16xi32>
    %add3A_69 = arith.addi %get3A_67, %add3A_68 : vector<16xi32>
    %swap3A_70 = arith.constant 80 : index
    %swap3A_71 = tpu.vector_load %arg5[%swap3A_70] {strides = array<i32>} : memref<512xi32, #tpu.memory_space<vmem>>, vector<16xi32>,
    %swap3A_72 = vector.shape_cast %swap3A_71 : vector<16xi32> to vector<16xi32>
    %swap3A_73 = vector.shape_cast %add3A_69 : vector<16xi32> to vector<16xi32>
    tpu.vector_store %arg5[%swap3A_70], %swap3A_73 {strides = array<i32>} : memref<512xi32, #tpu.memory_space<vmem>>, vector<16xi32>,
    %get3A_74 = arith.constant 96 : index
    %get3A_75 = tpu.vector_load %arg5[%get3A_74] {strides = array<i32>} : memref<512xi32, #tpu.memory_space<vmem>>, vector<16xi32>,
    %get3A_76 = vector.shape_cast %get3A_75 : vector<16xi32> to vector<16xi32>
    %add3A_77 = vector.broadcast %mul3A_20 : i32 to vector<16xi32>
    %add3A_78 = arith.addi %get3A_76, %add3A_77 : vector<16xi32>
    %swap3A_79 = arith.constant 96 : index
    %swap3A_80 = tpu.vector_load %arg5[%swap3A_79] {strides = array<i32>} : memref<512xi32, #tpu.memory_space<vmem>>, vector<16xi32>,
    %swap3A_81 = vector.shape_cast %swap3A_80 : vector<16xi32> to vector<16xi32>
    %swap3A_82 = vector.shape_cast %add3A_78 : vector<16xi32> to vector<16xi32>
    tpu.vector_store %arg5[%swap3A_79], %swap3A_82 {strides = array<i32>} : memref<512xi32, #tpu.memory_space<vmem>>, vector<16xi32>,
    %get3A_83 = arith.constant 112 : index
    %get3A_84 = tpu.vector_load %arg5[%get3A_83] {strides = array<i32>} : memref<512xi32, #tpu.memory_space<vmem>>, vector<16xi32>,
    %get3A_85 = vector.shape_cast %get3A_84 : vector<16xi32> to vector<16xi32>
    %add3A_86 = vector.broadcast %mul3A_20 : i32 to vector<16xi32>
    %add3A_87 = arith.addi %get3A_85, %add3A_86 : vector<16xi32>
    %swap3A_88 = arith.constant 112 : index
    %swap3A_89 = tpu.vector_load %arg5[%swap3A_88] {strides = array<i32>} : memref<512xi32, #tpu.memory_space<vmem>>, vector<16xi32>,
    %swap3A_90 = vector.shape_cast %swap3A_89 : vector<16xi32> to vector<16xi32>
    %swap3A_91 = vector.shape_cast %add3A_87 : vector<16xi32> to vector<16xi32>
    tpu.vector_store %arg5[%swap3A_88], %swap3A_91 {strides = array<i32>} : memref<512xi32, #tpu.memory_space<vmem>>, vector<16xi32>,
    %get3A_92 = arith.constant 128 : index
    %get3A_93 = tpu.vector_load %arg5[%get3A_92] {strides = array<i32>} : memref<512xi32, #tpu.memory_space<vmem>>, vector<16xi32>,
    %get3A_94 = vector.shape_cast %get3A_93 : vector<16xi32> to vector<16xi32>
    %add3A_95 = vector.broadcast %mul3A_20 : i32 to vector<16xi32>
    %add3A_96 = arith.addi %get3A_94, %add3A_95 : vector<16xi32>
    %swap3A_97 = arith.constant 128 : index
    %swap3A_98 = tpu.vector_load %arg5[%swap3A_97] {strides = array<i32>} : memref<512xi32, #tpu.memory_space<vmem>>, vector<16xi32>,
    %swap3A_99 = vector.shape_cast %swap3A_98 : vector<16xi32> to vector<16xi32>
    %swap3A_100 = vector.shape_cast %add3A_96 : vector<16xi32> to vector<16xi32>
    tpu.vector_store %arg5[%swap3A_97], %swap3A_100 {strides = array<i32>} : memref<512xi32, #tpu.memory_space<vmem>>, vector<16xi32>,
    %get3A_101 = arith.constant 144 : index
    %get3A_102 = tpu.vector_load %arg5[%get3A_101] {strides = array<i32>} : memref<512xi32, #tpu.memory_space<vmem>>, vector<16xi32>,
    %get3A_103 = vector.shape_cast %get3A_102 : vector<16xi32> to vector<16xi32>
    %add3A_104 = vector.broadcast %mul3A_20 : i32 to vector<16xi32>
    %add3A_105 = arith.addi %get3A_103, %add3A_104 : vector<16xi32>
    %swap3A_106 = arith.constant 144 : index
    %swap3A_107 = tpu.vector_load %arg5[%swap3A_106] {strides = array<i32>} : memref<512xi32, #tpu.memory_space<vmem>>, vector<16xi32>,
    %swap3A_108 = vector.shape_cast %swap3A_107 : vector<16xi32> to vector<16xi32>
    %swap3A_109 = vector.shape_cast %add3A_105 : vector<16xi32> to vector<16xi32>
    tpu.vector_store %arg5[%swap3A_106], %swap3A_109 {strides = array<i32>} : memref<512xi32, #tpu.memory_space<vmem>>, vector<16xi32>,
    %get3A_110 = arith.constant 160 : index
    %get3A_111 = tpu.vector_load %arg5[%get3A_110] {strides = array<i32>} : memref<512xi32, #tpu.memory_space<vmem>>, vector<16xi32>,
    %get3A_112 = vector.shape_cast %get3A_111 : vector<16xi32> to vector<16xi32>
    %add3A_113 = vector.broadcast %mul3A_20 : i32 to vector<16xi32>
    %add3A_114 = arith.addi %get3A_112, %add3A_113 : vector<16xi32>
    %swap3A_115 = arith.constant 160 : index
    %swap3A_116 = tpu.vector_load %arg5[%swap3A_115] {strides = array<i32>} : memref<512xi32, #tpu.memory_space<vmem>>, vector<16xi32>,
    %swap3A_117 = vector.shape_cast %swap3A_116 : vector<16xi32> to vector<16xi32>
    %swap3A_118 = vector.shape_cast %add3A_114 : vector<16xi32> to vector<16xi32>
    tpu.vector_store %arg5[%swap3A_115], %swap3A_118 {strides = array<i32>} : memref<512xi32, #tpu.memory_space<vmem>>, vector<16xi32>,
    %get3A_119 = arith.constant 176 : index
    %get3A_120 = tpu.vector_load %arg5[%get3A_119] {strides = array<i32>} : memref<512xi32, #tpu.memory_space<vmem>>, vector<16xi32>,
    %get3A_121 = vector.shape_cast %get3A_120 : vector<16xi32> to vector<16xi32>
    %add3A_122 = vector.broadcast %mul3A_20 : i32 to vector<16xi32>
    %add3A_123 = arith.addi %get3A_121, %add3A_122 : vector<16xi32>
    %swap3A_124 = arith.constant 176 : index
    %swap3A_125 = tpu.vector_load %arg5[%swap3A_124] {strides = array<i32>} : memref<512xi32, #tpu.memory_space<vmem>>, vector<16xi32>,
    %swap3A_126 = vector.shape_cast %swap3A_125 : vector<16xi32> to vector<16xi32>
    %swap3A_127 = vector.shape_cast %add3A_123 : vector<16xi32> to vector<16xi32>
    tpu.vector_store %arg5[%swap3A_124], %swap3A_127 {strides = array<i32>} : memref<512xi32, #tpu.memory_space<vmem>>, vector<16xi32>,
    %get3A_128 = arith.constant 192 : index
    %get3A_129 = tpu.vector_load %arg5[%get3A_128] {strides = array<i32>} : memref<512xi32, #tpu.memory_space<vmem>>, vector<16xi32>,
    %get3A_130 = vector.shape_cast %get3A_129 : vector<16xi32> to vector<16xi32>
    %add3A_131 = vector.broadcast %mul3A_20 : i32 to vector<16xi32>
    %add3A_132 = arith.addi %get3A_130, %add3A_131 : vector<16xi32>
    %swap3A_133 = arith.constant 192 : index
    %swap3A_134 = tpu.vector_load %arg5[%swap3A_133] {strides = array<i32>} : memref<512xi32, #tpu.memory_space<vmem>>, vector<16xi32>,
    %swap3A_135 = vector.shape_cast %swap3A_134 : vector<16xi32> to vector<16xi32>
    %swap3A_136 = vector.shape_cast %add3A_132 : vector<16xi32> to vector<16xi32>
    tpu.vector_store %arg5[%swap3A_133], %swap3A_136 {strides = array<i32>} : memref<512xi32, #tpu.memory_space<vmem>>, vector<16xi32>,
    %get3A_137 = arith.constant 208 : index
    %get3A_138 = tpu.vector_load %arg5[%get3A_137] {strides = array<i32>} : memref<512xi32, #tpu.memory_space<vmem>>, vector<16xi32>,
    %get3A_139 = vector.shape_cast %get3A_138 : vector<16xi32> to vector<16xi32>
    %add3A_140 = vector.broadcast %mul3A_20 : i32 to vector<16xi32>
    %add3A_141 = arith.addi %get3A_139, %add3A_140 : vector<16xi32>
    %swap3A_142 = arith.constant 208 : index
    %swap3A_143 = tpu.vector_load %arg5[%swap3A_142] {strides = array<i32>} : memref<512xi32, #tpu.memory_space<vmem>>, vector<16xi32>,
    %swap3A_144 = vector.shape_cast %swap3A_143 : vector<16xi32> to vector<16xi32>
    %swap3A_145 = vector.shape_cast %add3A_141 : vector<16xi32> to vector<16xi32>
    tpu.vector_store %arg5[%swap3A_142], %swap3A_145 {strides = array<i32>} : memref<512xi32, #tpu.memory_space<vmem>>, vector<16xi32>,
    %get3A_146 = arith.constant 224 : index
    %get3A_147 = tpu.vector_load %arg5[%get3A_146] {strides = array<i32>} : memref<512xi32, #tpu.memory_space<vmem>>, vector<16xi32>,
    %get3A_148 = vector.shape_cast %get3A_147 : vector<16xi32> to vector<16xi32>
    %add3A_149 = vector.broadcast %mul3A_20 : i32 to vector<16xi32>
    %add3A_150 = arith.addi %get3A_148, %add3A_149 : vector<16xi32>
    %swap3A_151 = arith.constant 224 : index
    %swap3A_152 = tpu.vector_load %arg5[%swap3A_151] {strides = array<i32>} : memref<512xi32, #tpu.memory_space<vmem>>, vector<16xi32>,
    %swap3A_153 = vector.shape_cast %swap3A_152 : vector<16xi32> to vector<16xi32>
    %swap3A_154 = vector.shape_cast %add3A_150 : vector<16xi32> to vector<16xi32>
    tpu.vector_store %arg5[%swap3A_151], %swap3A_154 {strides = array<i32>} : memref<512xi32, #tpu.memory_space<vmem>>, vector<16xi32>,
    %get3A_155 = arith.constant 240 : index
    %get3A_156 = tpu.vector_load %arg5[%get3A_155] {strides = array<i32>} : memref<512xi32, #tpu.memory_space<vmem>>, vector<16xi32>,
    %get3A_157 = vector.shape_cast %get3A_156 : vector<16xi32> to vector<16xi32>
    %add3A_158 = vector.broadcast %mul3A_20 : i32 to vector<16xi32>
    %add3A_159 = arith.addi %get3A_157, %add3A_158 : vector<16xi32>
    %swap3A_160 = arith.constant 240 : index
    %swap3A_161 = tpu.vector_load %arg5[%swap3A_160] {strides = array<i32>} : memref<512xi32, #tpu.memory_space<vmem>>, vector<16xi32>,
    %swap3A_162 = vector.shape_cast %swap3A_161 : vector<16xi32> to vector<16xi32>
    %swap3A_163 = vector.shape_cast %add3A_159 : vector<16xi32> to vector<16xi32>
    tpu.vector_store %arg5[%swap3A_160], %swap3A_163 {strides = array<i32>} : memref<512xi32, #tpu.memory_space<vmem>>, vector<16xi32>,
    %get3A_164 = arith.constant 256 : index
    %get3A_165 = tpu.vector_load %arg5[%get3A_164] {strides = array<i32>} : memref<512xi32, #tpu.memory_space<vmem>>, vector<16xi32>,
    %get3A_166 = vector.shape_cast %get3A_165 : vector<16xi32> to vector<16xi32>
    %add3A_167 = vector.broadcast %mul3A_20 : i32 to vector<16xi32>
    %add3A_168 = arith.addi %get3A_166, %add3A_167 : vector<16xi32>
    %swap3A_169 = arith.constant 256 : index
    %swap3A_170 = tpu.vector_load %arg5[%swap3A_169] {strides = array<i32>} : memref<512xi32, #tpu.memory_space<vmem>>, vector<16xi32>,
    %swap3A_171 = vector.shape_cast %swap3A_170 : vector<16xi32> to vector<16xi32>
    %swap3A_172 = vector.shape_cast %add3A_168 : vector<16xi32> to vector<16xi32>
    tpu.vector_store %arg5[%swap3A_169], %swap3A_172 {strides = array<i32>} : memref<512xi32, #tpu.memory_space<vmem>>, vector<16xi32>,
    %get3A_173 = arith.constant 272 : index
    %get3A_174 = tpu.vector_load %arg5[%get3A_173] {strides = array<i32>} : memref<512xi32, #tpu.memory_space<vmem>>, vector<16xi32>,
    %get3A_175 = vector.shape_cast %get3A_174 : vector<16xi32> to vector<16xi32>
    %add3A_176 = vector.broadcast %mul3A_20 : i32 to vector<16xi32>
    %add3A_177 = arith.addi %get3A_175, %add3A_176 : vector<16xi32>
    %swap3A_178 = arith.constant 272 : index
    %swap3A_179 = tpu.vector_load %arg5[%swap3A_178] {strides = array<i32>} : memref<512xi32, #tpu.memory_space<vmem>>, vector<16xi32>,
    %swap3A_180 = vector.shape_cast %swap3A_179 : vector<16xi32> to vector<16xi32>
    %swap3A_181 = vector.shape_cast %add3A_177 : vector<16xi32> to vector<16xi32>
    tpu.vector_store %arg5[%swap3A_178], %swap3A_181 {strides = array<i32>} : memref<512xi32, #tpu.memory_space<vmem>>, vector<16xi32>,
    %get3A_182 = arith.constant 288 : index
    %get3A_183 = tpu.vector_load %arg5[%get3A_182] {strides = array<i32>} : memref<512xi32, #tpu.memory_space<vmem>>, vector<16xi32>,
    %get3A_184 = vector.shape_cast %get3A_183 : vector<16xi32> to vector<16xi32>
    %add3A_185 = vector.broadcast %mul3A_20 : i32 to vector<16xi32>
    %add3A_186 = arith.addi %get3A_184, %add3A_185 : vector<16xi32>
    %swap3A_187 = arith.constant 288 : index
    %swap3A_188 = tpu.vector_load %arg5[%swap3A_187] {strides = array<i32>} : memref<512xi32, #tpu.memory_space<vmem>>, vector<16xi32>,
    %swap3A_189 = vector.shape_cast %swap3A_188 : vector<16xi32> to vector<16xi32>
    %swap3A_190 = vector.shape_cast %add3A_186 : vector<16xi32> to vector<16xi32>
    tpu.vector_store %arg5[%swap3A_187], %swap3A_190 {strides = array<i32>} : memref<512xi32, #tpu.memory_space<vmem>>, vector<16xi32>,
    %get3A_191 = arith.constant 304 : index
    %get3A_192 = tpu.vector_load %arg5[%get3A_191] {strides = array<i32>} : memref<512xi32, #tpu.memory_space<vmem>>, vector<16xi32>,
    %get3A_193 = vector.shape_cast %get3A_192 : vector<16xi32> to vector<16xi32>
    %add3A_194 = vector.broadcast %mul3A_20 : i32 to vector<16xi32>
    %add3A_195 = arith.addi %get3A_193, %add3A_194 : vector<16xi32>
    %swap3A_196 = arith.constant 304 : index
    %swap3A_197 = tpu.vector_load %arg5[%swap3A_196] {strides = array<i32>} : memref<512xi32, #tpu.memory_space<vmem>>, vector<16xi32>,
    %swap3A_198 = vector.shape_cast %swap3A_197 : vector<16xi32> to vector<16xi32>
    %swap3A_199 = vector.shape_cast %add3A_195 : vector<16xi32> to vector<16xi32>
    tpu.vector_store %arg5[%swap3A_196], %swap3A_199 {strides = array<i32>} : memref<512xi32, #tpu.memory_space<vmem>>, vector<16xi32>,
    %get3A_200 = arith.constant 320 : index
    %get3A_201 = tpu.vector_load %arg5[%get3A_200] {strides = array<i32>} : memref<512xi32, #tpu.memory_space<vmem>>, vector<16xi32>,
    %get3A_202 = vector.shape_cast %get3A_201 : vector<16xi32> to vector<16xi32>
    %add3A_203 = vector.broadcast %mul3A_20 : i32 to vector<16xi32>
    %add3A_204 = arith.addi %get3A_202, %add3A_203 : vector<16xi32>
    %swap3A_205 = arith.constant 320 : index
    %swap3A_206 = tpu.vector_load %arg5[%swap3A_205] {strides = array<i32>} : memref<512xi32, #tpu.memory_space<vmem>>, vector<16xi32>,
    %swap3A_207 = vector.shape_cast %swap3A_206 : vector<16xi32> to vector<16xi32>
    %swap3A_208 = vector.shape_cast %add3A_204 : vector<16xi32> to vector<16xi32>
    tpu.vector_store %arg5[%swap3A_205], %swap3A_208 {strides = array<i32>} : memref<512xi32, #tpu.memory_space<vmem>>, vector<16xi32>,
    %get3A_209 = arith.constant 336 : index
    %get3A_210 = tpu.vector_load %arg5[%get3A_209] {strides = array<i32>} : memref<512xi32, #tpu.memory_space<vmem>>, vector<16xi32>,
    %get3A_211 = vector.shape_cast %get3A_210 : vector<16xi32> to vector<16xi32>
    %add3A_212 = vector.broadcast %mul3A_20 : i32 to vector<16xi32>
    %add3A_213 = arith.addi %get3A_211, %add3A_212 : vector<16xi32>
    %swap3A_214 = arith.constant 336 : index
    %swap3A_215 = tpu.vector_load %arg5[%swap3A_214] {strides = array<i32>} : memref<512xi32, #tpu.memory_space<vmem>>, vector<16xi32>,
    %swap3A_216 = vector.shape_cast %swap3A_215 : vector<16xi32> to vector<16xi32>
    %swap3A_217 = vector.shape_cast %add3A_213 : vector<16xi32> to vector<16xi32>
    tpu.vector_store %arg5[%swap3A_214], %swap3A_217 {strides = array<i32>} : memref<512xi32, #tpu.memory_space<vmem>>, vector<16xi32>,
    %get3A_218 = arith.constant 352 : index
    %get3A_219 = tpu.vector_load %arg5[%get3A_218] {strides = array<i32>} : memref<512xi32, #tpu.memory_space<vmem>>, vector<16xi32>,
    %get3A_220 = vector.shape_cast %get3A_219 : vector<16xi32> to vector<16xi32>
    %add3A_221 = vector.broadcast %mul3A_20 : i32 to vector<16xi32>
    %add3A_222 = arith.addi %get3A_220, %add3A_221 : vector<16xi32>
    %swap3A_223 = arith.constant 352 : index
    %swap3A_224 = tpu.vector_load %arg5[%swap3A_223] {strides = array<i32>} : memref<512xi32, #tpu.memory_space<vmem>>, vector<16xi32>,
    %swap3A_225 = vector.shape_cast %swap3A_224 : vector<16xi32> to vector<16xi32>
    %swap3A_226 = vector.shape_cast %add3A_222 : vector<16xi32> to vector<16xi32>
    tpu.vector_store %arg5[%swap3A_223], %swap3A_226 {strides = array<i32>} : memref<512xi32, #tpu.memory_space<vmem>>, vector<16xi32>,
    %get3A_227 = arith.constant 368 : index
    %get3A_228 = tpu.vector_load %arg5[%get3A_227] {strides = array<i32>} : memref<512xi32, #tpu.memory_space<vmem>>, vector<16xi32>,
    %get3A_229 = vector.shape_cast %get3A_228 : vector<16xi32> to vector<16xi32>
    %add3A_230 = vector.broadcast %mul3A_20 : i32 to vector<16xi32>
    %add3A_231 = arith.addi %get3A_229, %add3A_230 : vector<16xi32>
    %swap3A_232 = arith.constant 368 : index
    %swap3A_233 = tpu.vector_load %arg5[%swap3A_232] {strides = array<i32>} : memref<512xi32, #tpu.memory_space<vmem>>, vector<16xi32>,
    %swap3A_234 = vector.shape_cast %swap3A_233 : vector<16xi32> to vector<16xi32>
    %swap3A_235 = vector.shape_cast %add3A_231 : vector<16xi32> to vector<16xi32>
    tpu.vector_store %arg5[%swap3A_232], %swap3A_235 {strides = array<i32>} : memref<512xi32, #tpu.memory_space<vmem>>, vector<16xi32>,
    %get3A_236 = arith.constant 384 : index
    %get3A_237 = tpu.vector_load %arg5[%get3A_236] {strides = array<i32>} : memref<512xi32, #tpu.memory_space<vmem>>, vector<16xi32>,
    %get3A_238 = vector.shape_cast %get3A_237 : vector<16xi32> to vector<16xi32>
    %add3A_239 = vector.broadcast %mul3A_20 : i32 to vector<16xi32>
    %add3A_240 = arith.addi %get3A_238, %add3A_239 : vector<16xi32>
    %swap3A_241 = arith.constant 384 : index
    %swap3A_242 = tpu.vector_load %arg5[%swap3A_241] {strides = array<i32>} : memref<512xi32, #tpu.memory_space<vmem>>, vector<16xi32>,
    %swap3A_243 = vector.shape_cast %swap3A_242 : vector<16xi32> to vector<16xi32>
    %swap3A_244 = vector.shape_cast %add3A_240 : vector<16xi32> to vector<16xi32>
    tpu.vector_store %arg5[%swap3A_241], %swap3A_244 {strides = array<i32>} : memref<512xi32, #tpu.memory_space<vmem>>, vector<16xi32>,
    %get3A_245 = arith.constant 400 : index
    %get3A_246 = tpu.vector_load %arg5[%get3A_245] {strides = array<i32>} : memref<512xi32, #tpu.memory_space<vmem>>, vector<16xi32>,
    %get3A_247 = vector.shape_cast %get3A_246 : vector<16xi32> to vector<16xi32>
    %add3A_248 = vector.broadcast %mul3A_20 : i32 to vector<16xi32>
    %add3A_249 = arith.addi %get3A_247, %add3A_248 : vector<16xi32>
    %swap3A_250 = arith.constant 400 : index
    %swap3A_251 = tpu.vector_load %arg5[%swap3A_250] {strides = array<i32>} : memref<512xi32, #tpu.memory_space<vmem>>, vector<16xi32>,
    %swap3A_252 = vector.shape_cast %swap3A_251 : vector<16xi32> to vector<16xi32>
    %swap3A_253 = vector.shape_cast %add3A_249 : vector<16xi32> to vector<16xi32>
    tpu.vector_store %arg5[%swap3A_250], %swap3A_253 {strides = array<i32>} : memref<512xi32, #tpu.memory_space<vmem>>, vector<16xi32>,
    %get3A_254 = arith.constant 416 : index
    %get3A_255 = tpu.vector_load %arg5[%get3A_254] {strides = array<i32>} : memref<512xi32, #tpu.memory_space<vmem>>, vector<16xi32>,
    %get3A_256 = vector.shape_cast %get3A_255 : vector<16xi32> to vector<16xi32>
    %add3A_257 = vector.broadcast %mul3A_20 : i32 to vector<16xi32>
    %add3A_258 = arith.addi %get3A_256, %add3A_257 : vector<16xi32>
    %swap3A_259 = arith.constant 416 : index
    %swap3A_260 = tpu.vector_load %arg5[%swap3A_259] {strides = array<i32>} : memref<512xi32, #tpu.memory_space<vmem>>, vector<16xi32>,
    %swap3A_261 = vector.shape_cast %swap3A_260 : vector<16xi32> to vector<16xi32>
    %swap3A_262 = vector.shape_cast %add3A_258 : vector<16xi32> to vector<16xi32>
    tpu.vector_store %arg5[%swap3A_259], %swap3A_262 {strides = array<i32>} : memref<512xi32, #tpu.memory_space<vmem>>, vector<16xi32>,
    %get3A_263 = arith.constant 432 : index
    %get3A_264 = tpu.vector_load %arg5[%get3A_263] {strides = array<i32>} : memref<512xi32, #tpu.memory_space<vmem>>, vector<16xi32>,
    %get3A_265 = vector.shape_cast %get3A_264 : vector<16xi32> to vector<16xi32>
    %add3A_266 = vector.broadcast %mul3A_20 : i32 to vector<16xi32>
    %add3A_267 = arith.addi %get3A_265, %add3A_266 : vector<16xi32>
    %swap3A_268 = arith.constant 432 : index
    %swap3A_269 = tpu.vector_load %arg5[%swap3A_268] {strides = array<i32>} : memref<512xi32, #tpu.memory_space<vmem>>, vector<16xi32>,
    %swap3A_270 = vector.shape_cast %swap3A_269 : vector<16xi32> to vector<16xi32>
    %swap3A_271 = vector.shape_cast %add3A_267 : vector<16xi32> to vector<16xi32>
    tpu.vector_store %arg5[%swap3A_268], %swap3A_271 {strides = array<i32>} : memref<512xi32, #tpu.memory_space<vmem>>, vector<16xi32>,
    %get3A_272 = arith.constant 448 : index
    %get3A_273 = tpu.vector_load %arg5[%get3A_272] {strides = array<i32>} : memref<512xi32, #tpu.memory_space<vmem>>, vector<16xi32>,
    %get3A_274 = vector.shape_cast %get3A_273 : vector<16xi32> to vector<16xi32>
    %add3A_275 = vector.broadcast %mul3A_20 : i32 to vector<16xi32>
    %add3A_276 = arith.addi %get3A_274, %add3A_275 : vector<16xi32>
    %swap3A_277 = arith.constant 448 : index
    %swap3A_278 = tpu.vector_load %arg5[%swap3A_277] {strides = array<i32>} : memref<512xi32, #tpu.memory_space<vmem>>, vector<16xi32>,
    %swap3A_279 = vector.shape_cast %swap3A_278 : vector<16xi32> to vector<16xi32>
    %swap3A_280 = vector.shape_cast %add3A_276 : vector<16xi32> to vector<16xi32>
    tpu.vector_store %arg5[%swap3A_277], %swap3A_280 {strides = array<i32>} : memref<512xi32, #tpu.memory_space<vmem>>, vector<16xi32>,
    %get3A_281 = arith.constant 464 : index
    %get3A_282 = tpu.vector_load %arg5[%get3A_281] {strides = array<i32>} : memref<512xi32, #tpu.memory_space<vmem>>, vector<16xi32>,
    %get3A_283 = vector.shape_cast %get3A_282 : vector<16xi32> to vector<16xi32>
    %add3A_284 = vector.broadcast %mul3A_20 : i32 to vector<16xi32>
    %add3A_285 = arith.addi %get3A_283, %add3A_284 : vector<16xi32>
    %swap3A_286 = arith.constant 464 : index
    %swap3A_287 = tpu.vector_load %arg5[%swap3A_286] {strides = array<i32>} : memref<512xi32, #tpu.memory_space<vmem>>, vector<16xi32>,
    %swap3A_288 = vector.shape_cast %swap3A_287 : vector<16xi32> to vector<16xi32>
    %swap3A_289 = vector.shape_cast %add3A_285 : vector<16xi32> to vector<16xi32>
    tpu.vector_store %arg5[%swap3A_286], %swap3A_289 {strides = array<i32>} : memref<512xi32, #tpu.memory_space<vmem>>, vector<16xi32>,
    %get3A_290 = arith.constant 480 : index
    %get3A_291 = tpu.vector_load %arg5[%get3A_290] {strides = array<i32>} : memref<512xi32, #tpu.memory_space<vmem>>, vector<16xi32>,
    %get3A_292 = vector.shape_cast %get3A_291 : vector<16xi32> to vector<16xi32>
    %add3A_293 = vector.broadcast %mul3A_20 : i32 to vector<16xi32>
    %add3A_294 = arith.addi %get3A_292, %add3A_293 : vector<16xi32>
    %swap3A_295 = arith.constant 480 : index
    %swap3A_296 = tpu.vector_load %arg5[%swap3A_295] {strides = array<i32>} : memref<512xi32, #tpu.memory_space<vmem>>, vector<16xi32>,
    %swap3A_297 = vector.shape_cast %swap3A_296 : vector<16xi32> to vector<16xi32>
    %swap3A_298 = vector.shape_cast %add3A_294 : vector<16xi32> to vector<16xi32>
    tpu.vector_store %arg5[%swap3A_295], %swap3A_298 {strides = array<i32>} : memref<512xi32, #tpu.memory_space<vmem>>, vector<16xi32>,
    %get3A_299 = arith.constant 496 : index
    %get3A_300 = tpu.vector_load %arg5[%get3A_299] {strides = array<i32>} : memref<512xi32, #tpu.memory_space<vmem>>, vector<16xi32>,
    %get3A_301 = vector.shape_cast %get3A_300 : vector<16xi32> to vector<16xi32>
    %add3A_302 = vector.broadcast %mul3A_20 : i32 to vector<16xi32>
    %add3A_303 = arith.addi %get3A_301, %add3A_302 : vector<16xi32>
    %swap3A_304 = arith.constant 496 : index
    %swap3A_305 = tpu.vector_load %arg5[%swap3A_304] {strides = array<i32>} : memref<512xi32, #tpu.memory_space<vmem>>, vector<16xi32>,
    %swap3A_306 = vector.shape_cast %swap3A_305 : vector<16xi32> to vector<16xi32>
    %swap3A_307 = vector.shape_cast %add3A_303 : vector<16xi32> to vector<16xi32>
    tpu.vector_store %arg5[%swap3A_304], %swap3A_307 {strides = array<i32>} : memref<512xi32, #tpu.memory_space<vmem>>, vector<16xi32>,
    %dma_start3A = arith.constant 0 : i32
    %dma_start3A_308 = tpu.memref_slice %arg5[%dma_start3A] : memref<512xi32, #tpu.memory_space<vmem>> -> memref<16xi32, #tpu.memory_space<vmem>>
    %dma_start3A_309 = arith.constant 0 : i32
    %dma_start3A_310 = arith.constant 0 : i32
    %dma_start3A_311 = tpu.memref_slice %arg2[%dma_start3A_309, %dma_start3A_310] : memref<16384x2048xf32, #tpu.memory_space<hbm>> -> memref<16384x2048xf32, #tpu.memory_space<hbm>>
    tpu.enqueue_indirect_dma source(%dma_start3A_311 : memref<16384x2048xf32, #tpu.memory_space<hbm>>) target(%arg6 : memref<16x2048xf32, #tpu.memory_space<vmem>>) offsets(%dma_start3A_308 : memref<16xi32, #tpu.memory_space<vmem>>) semaphore(%arg9 : memref<!tpu.dma_semaphore, #tpu.memory_space<semaphore_mem>>)
    %dma_start3A_312 = arith.constant 16 : i32
    %dma_start3A_313 = tpu.memref_slice %arg5[%dma_start3A_312] : memref<512xi32, #tpu.memory_space<vmem>> -> memref<16xi32, #tpu.memory_space<vmem>>
    %dma_start3A_314 = arith.constant 0 : i32
    %dma_start3A_315 = arith.constant 0 : i32
    %dma_start3A_316 = tpu.memref_slice %arg2[%dma_start3A_314, %dma_start3A_315] : memref<16384x2048xf32, #tpu.memory_space<hbm>> -> memref<16384x2048xf32, #tpu.memory_space<hbm>>
    tpu.enqueue_indirect_dma source(%dma_start3A_316 : memref<16384x2048xf32, #tpu.memory_space<hbm>>) target(%arg7 : memref<16x2048xf32, #tpu.memory_space<vmem>>) offsets(%dma_start3A_313 : memref<16xi32, #tpu.memory_space<vmem>>) semaphore(%arg10 : memref<!tpu.dma_semaphore, #tpu.memory_space<semaphore_mem>>)
    %dma_start3A_317 = arith.constant 32 : i32
    %dma_start3A_318 = tpu.memref_slice %arg5[%dma_start3A_317] : memref<512xi32, #tpu.memory_space<vmem>> -> memref<16xi32, #tpu.memory_space<vmem>>
    %dma_start3A_319 = arith.constant 0 : i32
    %dma_start3A_320 = arith.constant 0 : i32
    %dma_start3A_321 = tpu.memref_slice %arg2[%dma_start3A_319, %dma_start3A_320] : memref<16384x2048xf32, #tpu.memory_space<hbm>> -> memref<16384x2048xf32, #tpu.memory_space<hbm>>
    tpu.enqueue_indirect_dma source(%dma_start3A_321 : memref<16384x2048xf32, #tpu.memory_space<hbm>>) target(%arg8 : memref<16x2048xf32, #tpu.memory_space<vmem>>) offsets(%dma_start3A_318 : memref<16xi32, #tpu.memory_space<vmem>>) semaphore(%arg11 : memref<!tpu.dma_semaphore, #tpu.memory_space<semaphore_mem>>)
    %dma_wait3A = arith.constant 0 : i32
    %dma_wait3A_322 = tpu.memref_slice %arg5[%dma_wait3A] : memref<512xi32, #tpu.memory_space<vmem>> -> memref<16xi32, #tpu.memory_space<vmem>>
    %dma_wait3A_323 = arith.constant 0 : i32
    %dma_wait3A_324 = arith.constant 0 : i32
    %dma_wait3A_325 = tpu.memref_slice %arg2[%dma_wait3A_323, %dma_wait3A_324] : memref<16384x2048xf32, #tpu.memory_space<hbm>> -> memref<16384x2048xf32, #tpu.memory_space<hbm>>
    tpu.wait_indirect_dma semaphore(%arg9 : memref<!tpu.dma_semaphore, #tpu.memory_space<semaphore_mem>>) src(%dma_wait3A_325 : memref<16384x2048xf32, #tpu.memory_space<hbm>>) dst(%arg6 : memref<16x2048xf32, #tpu.memory_space<vmem>>)
    %add3A_326 = arith.constant 0 : i32
    %add3A_327 = arith.addi %mul3A_2, %add3A_326 : i32
    %dma_start3A_328 = arith.constant 0 : i32
    %dma_start3A_329 = tpu.memref_slice %arg4[%add3A_327, %dma_start3A_328] : memref<16384x2048xf32, #tpu.memory_space<hbm>> -> memref<16x2048xf32, #tpu.memory_space<hbm>>
    %dma_start3A_330 = arith.constant 0 : i32
    %dma_start3A_331 = tpu.memref_slice %arg4[%add3A_327, %dma_start3A_330] : memref<16384x2048xf32, #tpu.memory_space<hbm>> -> memref<16x2048xf32, #tpu.memory_space<hbm>>
    tpu.enqueue_dma source(%arg6 : memref<16x2048xf32, #tpu.memory_space<vmem>>) target(%dma_start3A_331 : memref<16x2048xf32, #tpu.memory_space<hbm>>) target_semaphore(%arg12 : memref<!tpu.dma_semaphore, #tpu.memory_space<semaphore_mem>>)
    %dma_wait3A_332 = arith.constant 0 : i32
    %dma_wait3A_333 = tpu.memref_slice %arg4[%add3A_327, %dma_wait3A_332] : memref<16384x2048xf32, #tpu.memory_space<hbm>> -> memref<16x2048xf32, #tpu.memory_space<hbm>>
    %dma_wait3A_334 = arith.constant 0 : i32
    %dma_wait3A_335 = tpu.memref_slice %arg4[%add3A_327, %dma_wait3A_334] : memref<16384x2048xf32, #tpu.memory_space<hbm>> -> memref<16x2048xf32, #tpu.memory_space<hbm>>
    tpu.wait_dma2 semaphore(%arg12 : memref<!tpu.dma_semaphore, #tpu.memory_space<semaphore_mem>>) src(%arg6 : memref<16x2048xf32, #tpu.memory_space<vmem>>) dst(%dma_wait3A_335 : memref<16x2048xf32, #tpu.memory_space<hbm>>)
    %dma_start3A_336 = arith.constant 48 : i32
    %dma_start3A_337 = tpu.memref_slice %arg5[%dma_start3A_336] : memref<512xi32, #tpu.memory_space<vmem>> -> memref<16xi32, #tpu.memory_space<vmem>>
    %dma_start3A_338 = arith.constant 0 : i32
    %dma_start3A_339 = arith.constant 0 : i32
    %dma_start3A_340 = tpu.memref_slice %arg2[%dma_start3A_338, %dma_start3A_339] : memref<16384x2048xf32, #tpu.memory_space<hbm>> -> memref<16384x2048xf32, #tpu.memory_space<hbm>>
    tpu.enqueue_indirect_dma source(%dma_start3A_340 : memref<16384x2048xf32, #tpu.memory_space<hbm>>) target(%arg6 : memref<16x2048xf32, #tpu.memory_space<vmem>>) offsets(%dma_start3A_337 : memref<16xi32, #tpu.memory_space<vmem>>) semaphore(%arg9 : memref<!tpu.dma_semaphore, #tpu.memory_space<semaphore_mem>>)
    %dma_wait3A_341 = arith.constant 16 : i32
    %dma_wait3A_342 = tpu.memref_slice %arg5[%dma_wait3A_341] : memref<512xi32, #tpu.memory_space<vmem>> -> memref<16xi32, #tpu.memory_space<vmem>>
    %dma_wait3A_343 = arith.constant 0 : i32
    %dma_wait3A_344 = arith.constant 0 : i32
    %dma_wait3A_345 = tpu.memref_slice %arg2[%dma_wait3A_343, %dma_wait3A_344] : memref<16384x2048xf32, #tpu.memory_space<hbm>> -> memref<16384x2048xf32, #tpu.memory_space<hbm>>
    tpu.wait_indirect_dma semaphore(%arg10 : memref<!tpu.dma_semaphore, #tpu.memory_space<semaphore_mem>>) src(%dma_wait3A_345 : memref<16384x2048xf32, #tpu.memory_space<hbm>>) dst(%arg7 : memref<16x2048xf32, #tpu.memory_space<vmem>>)
    %add3A_346 = arith.constant 16 : i32
    %add3A_347 = arith.addi %mul3A_2, %add3A_346 : i32
    %dma_start3A_348 = arith.constant 0 : i32
    %dma_start3A_349 = tpu.memref_slice %arg4[%add3A_347, %dma_start3A_348] : memref<16384x2048xf32, #tpu.memory_space<hbm>> -> memref<16x2048xf32, #tpu.memory_space<hbm>>
    %dma_start3A_350 = arith.constant 0 : i32
    %dma_start3A_351 = tpu.memref_slice %arg4[%add3A_347, %dma_start3A_350] : memref<16384x2048xf32, #tpu.memory_space<hbm>> -> memref<16x2048xf32, #tpu.memory_space<hbm>>
    tpu.enqueue_dma source(%arg7 : memref<16x2048xf32, #tpu.memory_space<vmem>>) target(%dma_start3A_351 : memref<16x2048xf32, #tpu.memory_space<hbm>>) target_semaphore(%arg13 : memref<!tpu.dma_semaphore, #tpu.memory_space<semaphore_mem>>)
    %dma_wait3A_352 = arith.constant 0 : i32
    %dma_wait3A_353 = tpu.memref_slice %arg4[%add3A_347, %dma_wait3A_352] : memref<16384x2048xf32, #tpu.memory_space<hbm>> -> memref<16x2048xf32, #tpu.memory_space<hbm>>
    %dma_wait3A_354 = arith.constant 0 : i32
    %dma_wait3A_355 = tpu.memref_slice %arg4[%add3A_347, %dma_wait3A_354] : memref<16384x2048xf32, #tpu.memory_space<hbm>> -> memref<16x2048xf32, #tpu.memory_space<hbm>>
    tpu.wait_dma2 semaphore(%arg13 : memref<!tpu.dma_semaphore, #tpu.memory_space<semaphore_mem>>) src(%arg7 : memref<16x2048xf32, #tpu.memory_space<vmem>>) dst(%dma_wait3A_355 : memref<16x2048xf32, #tpu.memory_space<hbm>>)
    %dma_start3A_356 = arith.constant 64 : i32
    %dma_start3A_357 = tpu.memref_slice %arg5[%dma_start3A_356] : memref<512xi32, #tpu.memory_space<vmem>> -> memref<16xi32, #tpu.memory_space<vmem>>
    %dma_start3A_358 = arith.constant 0 : i32
    %dma_start3A_359 = arith.constant 0 : i32
    %dma_start3A_360 = tpu.memref_slice %arg2[%dma_start3A_358, %dma_start3A_359] : memref<16384x2048xf32, #tpu.memory_space<hbm>> -> memref<16384x2048xf32, #tpu.memory_space<hbm>>
    tpu.enqueue_indirect_dma source(%dma_start3A_360 : memref<16384x2048xf32, #tpu.memory_space<hbm>>) target(%arg7 : memref<16x2048xf32, #tpu.memory_space<vmem>>) offsets(%dma_start3A_357 : memref<16xi32, #tpu.memory_space<vmem>>) semaphore(%arg10 : memref<!tpu.dma_semaphore, #tpu.memory_space<semaphore_mem>>)
    %dma_wait3A_361 = arith.constant 32 : i32
    %dma_wait3A_362 = tpu.memref_slice %arg5[%dma_wait3A_361] : memref<512xi32, #tpu.memory_space<vmem>> -> memref<16xi32, #tpu.memory_space<vmem>>
    %dma_wait3A_363 = arith.constant 0 : i32
    %dma_wait3A_364 = arith.constant 0 : i32
    %dma_wait3A_365 = tpu.memref_slice %arg2[%dma_wait3A_363, %dma_wait3A_364] : memref<16384x2048xf32, #tpu.memory_space<hbm>> -> memref<16384x2048xf32, #tpu.memory_space<hbm>>
    tpu.wait_indirect_dma semaphore(%arg11 : memref<!tpu.dma_semaphore, #tpu.memory_space<semaphore_mem>>) src(%dma_wait3A_365 : memref<16384x2048xf32, #tpu.memory_space<hbm>>) dst(%arg8 : memref<16x2048xf32, #tpu.memory_space<vmem>>)
    %add3A_366 = arith.constant 32 : i32
    %add3A_367 = arith.addi %mul3A_2, %add3A_366 : i32
    %dma_start3A_368 = arith.constant 0 : i32
    %dma_start3A_369 = tpu.memref_slice %arg4[%add3A_367, %dma_start3A_368] : memref<16384x2048xf32, #tpu.memory_space<hbm>> -> memref<16x2048xf32, #tpu.memory_space<hbm>>
    %dma_start3A_370 = arith.constant 0 : i32
    %dma_start3A_371 = tpu.memref_slice %arg4[%add3A_367, %dma_start3A_370] : memref<16384x2048xf32, #tpu.memory_space<hbm>> -> memref<16x2048xf32, #tpu.memory_space<hbm>>
    tpu.enqueue_dma source(%arg8 : memref<16x2048xf32, #tpu.memory_space<vmem>>) target(%dma_start3A_371 : memref<16x2048xf32, #tpu.memory_space<hbm>>) target_semaphore(%arg14 : memref<!tpu.dma_semaphore, #tpu.memory_space<semaphore_mem>>)
    %dma_wait3A_372 = arith.constant 0 : i32
    %dma_wait3A_373 = tpu.memref_slice %arg4[%add3A_367, %dma_wait3A_372] : memref<16384x2048xf32, #tpu.memory_space<hbm>> -> memref<16x2048xf32, #tpu.memory_space<hbm>>
    %dma_wait3A_374 = arith.constant 0 : i32
    %dma_wait3A_375 = tpu.memref_slice %arg4[%add3A_367, %dma_wait3A_374] : memref<16384x2048xf32, #tpu.memory_space<hbm>> -> memref<16x2048xf32, #tpu.memory_space<hbm>>
    tpu.wait_dma2 semaphore(%arg14 : memref<!tpu.dma_semaphore, #tpu.memory_space<semaphore_mem>>) src(%arg8 : memref<16x2048xf32, #tpu.memory_space<vmem>>) dst(%dma_wait3A_375 : memref<16x2048xf32, #tpu.memory_space<hbm>>)
    %dma_start3A_376 = arith.constant 80 : i32
    %dma_start3A_377 = tpu.memref_slice %arg5[%dma_start3A_376] : memref<512xi32, #tpu.memory_space<vmem>> -> memref<16xi32, #tpu.memory_space<vmem>>
    %dma_start3A_378 = arith.constant 0 : i32
    %dma_start3A_379 = arith.constant 0 : i32
    %dma_start3A_380 = tpu.memref_slice %arg2[%dma_start3A_378, %dma_start3A_379] : memref<16384x2048xf32, #tpu.memory_space<hbm>> -> memref<16384x2048xf32, #tpu.memory_space<hbm>>
    tpu.enqueue_indirect_dma source(%dma_start3A_380 : memref<16384x2048xf32, #tpu.memory_space<hbm>>) target(%arg8 : memref<16x2048xf32, #tpu.memory_space<vmem>>) offsets(%dma_start3A_377 : memref<16xi32, #tpu.memory_space<vmem>>) semaphore(%arg11 : memref<!tpu.dma_semaphore, #tpu.memory_space<semaphore_mem>>)
    %dma_wait3A_381 = arith.constant 48 : i32
    %dma_wait3A_382 = tpu.memref_slice %arg5[%dma_wait3A_381] : memref<512xi32, #tpu.memory_space<vmem>> -> memref<16xi32, #tpu.memory_space<vmem>>
    %dma_wait3A_383 = arith.constant 0 : i32
    %dma_wait3A_384 = arith.constant 0 : i32
    %dma_wait3A_385 = tpu.memref_slice %arg2[%dma_wait3A_383, %dma_wait3A_384] : memref<16384x2048xf32, #tpu.memory_space<hbm>> -> memref<16384x2048xf32, #tpu.memory_space<hbm>>
    tpu.wait_indirect_dma semaphore(%arg9 : memref<!tpu.dma_semaphore, #tpu.memory_space<semaphore_mem>>) src(%dma_wait3A_385 : memref<16384x2048xf32, #tpu.memory_space<hbm>>) dst(%arg6 : memref<16x2048xf32, #tpu.memory_space<vmem>>)
    %add3A_386 = arith.constant 48 : i32
    %add3A_387 = arith.addi %mul3A_2, %add3A_386 : i32
    %dma_start3A_388 = arith.constant 0 : i32
    %dma_start3A_389 = tpu.memref_slice %arg4[%add3A_387, %dma_start3A_388] : memref<16384x2048xf32, #tpu.memory_space<hbm>> -> memref<16x2048xf32, #tpu.memory_space<hbm>>
    %dma_start3A_390 = arith.constant 0 : i32
    %dma_start3A_391 = tpu.memref_slice %arg4[%add3A_387, %dma_start3A_390] : memref<16384x2048xf32, #tpu.memory_space<hbm>> -> memref<16x2048xf32, #tpu.memory_space<hbm>>
    tpu.enqueue_dma source(%arg6 : memref<16x2048xf32, #tpu.memory_space<vmem>>) target(%dma_start3A_391 : memref<16x2048xf32, #tpu.memory_space<hbm>>) target_semaphore(%arg12 : memref<!tpu.dma_semaphore, #tpu.memory_space<semaphore_mem>>)
    %dma_wait3A_392 = arith.constant 0 : i32
    %dma_wait3A_393 = tpu.memref_slice %arg4[%add3A_387, %dma_wait3A_392] : memref<16384x2048xf32, #tpu.memory_space<hbm>> -> memref<16x2048xf32, #tpu.memory_space<hbm>>
    %dma_wait3A_394 = arith.constant 0 : i32
    %dma_wait3A_395 = tpu.memref_slice %arg4[%add3A_387, %dma_wait3A_394] : memref<16384x2048xf32, #tpu.memory_space<hbm>> -> memref<16x2048xf32, #tpu.memory_space<hbm>>
    tpu.wait_dma2 semaphore(%arg12 : memref<!tpu.dma_semaphore, #tpu.memory_space<semaphore_mem>>) src(%arg6 : memref<16x2048xf32, #tpu.memory_space<vmem>>) dst(%dma_wait3A_395 : memref<16x2048xf32, #tpu.memory_space<hbm>>)
    %dma_start3A_396 = arith.constant 96 : i32
    %dma_start3A_397 = tpu.memref_slice %arg5[%dma_start3A_396] : memref<512xi32, #tpu.memory_space<vmem>> -> memref<16xi32, #tpu.memory_space<vmem>>
    %dma_start3A_398 = arith.constant 0 : i32
    %dma_start3A_399 = arith.constant 0 : i32
    %dma_start3A_400 = tpu.memref_slice %arg2[%dma_start3A_398, %dma_start3A_399] : memref<16384x2048xf32, #tpu.memory_space<hbm>> -> memref<16384x2048xf32, #tpu.memory_space<hbm>>
    tpu.enqueue_indirect_dma source(%dma_start3A_400 : memref<16384x2048xf32, #tpu.memory_space<hbm>>) target(%arg6 : memref<16x2048xf32, #tpu.memory_space<vmem>>) offsets(%dma_start3A_397 : memref<16xi32, #tpu.memory_space<vmem>>) semaphore(%arg9 : memref<!tpu.dma_semaphore, #tpu.memory_space<semaphore_mem>>)
    %dma_wait3A_401 = arith.constant 64 : i32
    %dma_wait3A_402 = tpu.memref_slice %arg5[%dma_wait3A_401] : memref<512xi32, #tpu.memory_space<vmem>> -> memref<16xi32, #tpu.memory_space<vmem>>
    %dma_wait3A_403 = arith.constant 0 : i32
    %dma_wait3A_404 = arith.constant 0 : i32
    %dma_wait3A_405 = tpu.memref_slice %arg2[%dma_wait3A_403, %dma_wait3A_404] : memref<16384x2048xf32, #tpu.memory_space<hbm>> -> memref<16384x2048xf32, #tpu.memory_space<hbm>>
    tpu.wait_indirect_dma semaphore(%arg10 : memref<!tpu.dma_semaphore, #tpu.memory_space<semaphore_mem>>) src(%dma_wait3A_405 : memref<16384x2048xf32, #tpu.memory_space<hbm>>) dst(%arg7 : memref<16x2048xf32, #tpu.memory_space<vmem>>)
    %add3A_406 = arith.constant 64 : i32
    %add3A_407 = arith.addi %mul3A_2, %add3A_406 : i32
    %dma_start3A_408 = arith.constant 0 : i32
    %dma_start3A_409 = tpu.memref_slice %arg4[%add3A_407, %dma_start3A_408] : memref<16384x2048xf32, #tpu.memory_space<hbm>> -> memref<16x2048xf32, #tpu.memory_space<hbm>>
    %dma_start3A_410 = arith.constant 0 : i32
    %dma_start3A_411 = tpu.memref_slice %arg4[%add3A_407, %dma_start3A_410] : memref<16384x2048xf32, #tpu.memory_space<hbm>> -> memref<16x2048xf32, #tpu.memory_space<hbm>>
    tpu.enqueue_dma source(%arg7 : memref<16x2048xf32, #tpu.memory_space<vmem>>) target(%dma_start3A_411 : memref<16x2048xf32, #tpu.memory_space<hbm>>) target_semaphore(%arg13 : memref<!tpu.dma_semaphore, #tpu.memory_space<semaphore_mem>>)
    %dma_wait3A_412 = arith.constant 0 : i32
    %dma_wait3A_413 = tpu.memref_slice %arg4[%add3A_407, %dma_wait3A_412] : memref<16384x2048xf32, #tpu.memory_space<hbm>> -> memref<16x2048xf32, #tpu.memory_space<hbm>>
    %dma_wait3A_414 = arith.constant 0 : i32
    %dma_wait3A_415 = tpu.memref_slice %arg4[%add3A_407, %dma_wait3A_414] : memref<16384x2048xf32, #tpu.memory_space<hbm>> -> memref<16x2048xf32, #tpu.memory_space<hbm>>
    tpu.wait_dma2 semaphore(%arg13 : memref<!tpu.dma_semaphore, #tpu.memory_space<semaphore_mem>>) src(%arg7 : memref<16x2048xf32, #tpu.memory_space<vmem>>) dst(%dma_wait3A_415 : memref<16x2048xf32, #tpu.memory_space<hbm>>)
    %dma_start3A_416 = arith.constant 112 : i32
    %dma_start3A_417 = tpu.memref_slice %arg5[%dma_start3A_416] : memref<512xi32, #tpu.memory_space<vmem>> -> memref<16xi32, #tpu.memory_space<vmem>>
    %dma_start3A_418 = arith.constant 0 : i32
    %dma_start3A_419 = arith.constant 0 : i32
    %dma_start3A_420 = tpu.memref_slice %arg2[%dma_start3A_418, %dma_start3A_419] : memref<16384x2048xf32, #tpu.memory_space<hbm>> -> memref<16384x2048xf32, #tpu.memory_space<hbm>>
    tpu.enqueue_indirect_dma source(%dma_start3A_420 : memref<16384x2048xf32, #tpu.memory_space<hbm>>) target(%arg7 : memref<16x2048xf32, #tpu.memory_space<vmem>>) offsets(%dma_start3A_417 : memref<16xi32, #tpu.memory_space<vmem>>) semaphore(%arg10 : memref<!tpu.dma_semaphore, #tpu.memory_space<semaphore_mem>>)
    %dma_wait3A_421 = arith.constant 80 : i32
    %dma_wait3A_422 = tpu.memref_slice %arg5[%dma_wait3A_421] : memref<512xi32, #tpu.memory_space<vmem>> -> memref<16xi32, #tpu.memory_space<vmem>>
    %dma_wait3A_423 = arith.constant 0 : i32
    %dma_wait3A_424 = arith.constant 0 : i32
    %dma_wait3A_425 = tpu.memref_slice %arg2[%dma_wait3A_423, %dma_wait3A_424] : memref<16384x2048xf32, #tpu.memory_space<hbm>> -> memref<16384x2048xf32, #tpu.memory_space<hbm>>
    tpu.wait_indirect_dma semaphore(%arg11 : memref<!tpu.dma_semaphore, #tpu.memory_space<semaphore_mem>>) src(%dma_wait3A_425 : memref<16384x2048xf32, #tpu.memory_space<hbm>>) dst(%arg8 : memref<16x2048xf32, #tpu.memory_space<vmem>>)
    %add3A_426 = arith.constant 80 : i32
    %add3A_427 = arith.addi %mul3A_2, %add3A_426 : i32
    %dma_start3A_428 = arith.constant 0 : i32
    %dma_start3A_429 = tpu.memref_slice %arg4[%add3A_427, %dma_start3A_428] : memref<16384x2048xf32, #tpu.memory_space<hbm>> -> memref<16x2048xf32, #tpu.memory_space<hbm>>
    %dma_start3A_430 = arith.constant 0 : i32
    %dma_start3A_431 = tpu.memref_slice %arg4[%add3A_427, %dma_start3A_430] : memref<16384x2048xf32, #tpu.memory_space<hbm>> -> memref<16x2048xf32, #tpu.memory_space<hbm>>
    tpu.enqueue_dma source(%arg8 : memref<16x2048xf32, #tpu.memory_space<vmem>>) target(%dma_start3A_431 : memref<16x2048xf32, #tpu.memory_space<hbm>>) target_semaphore(%arg14 : memref<!tpu.dma_semaphore, #tpu.memory_space<semaphore_mem>>)
    %dma_wait3A_432 = arith.constant 0 : i32
    %dma_wait3A_433 = tpu.memref_slice %arg4[%add3A_427, %dma_wait3A_432] : memref<16384x2048xf32, #tpu.memory_space<hbm>> -> memref<16x2048xf32, #tpu.memory_space<hbm>>
    %dma_wait3A_434 = arith.constant 0 : i32
    %dma_wait3A_435 = tpu.memref_slice %arg4[%add3A_427, %dma_wait3A_434] : memref<16384x2048xf32, #tpu.memory_space<hbm>> -> memref<16x2048xf32, #tpu.memory_space<hbm>>
    tpu.wait_dma2 semaphore(%arg14 : memref<!tpu.dma_semaphore, #tpu.memory_space<semaphore_mem>>) src(%arg8 : memref<16x2048xf32, #tpu.memory_space<vmem>>) dst(%dma_wait3A_435 : memref<16x2048xf32, #tpu.memory_space<hbm>>)
    %dma_start3A_436 = arith.constant 128 : i32
    %dma_start3A_437 = tpu.memref_slice %arg5[%dma_start3A_436] : memref<512xi32, #tpu.memory_space<vmem>> -> memref<16xi32, #tpu.memory_space<vmem>>
    %dma_start3A_438 = arith.constant 0 : i32
    %dma_start3A_439 = arith.constant 0 : i32
    %dma_start3A_440 = tpu.memref_slice %arg2[%dma_start3A_438, %dma_start3A_439] : memref<16384x2048xf32, #tpu.memory_space<hbm>> -> memref<16384x2048xf32, #tpu.memory_space<hbm>>
    tpu.enqueue_indirect_dma source(%dma_start3A_440 : memref<16384x2048xf32, #tpu.memory_space<hbm>>) target(%arg8 : memref<16x2048xf32, #tpu.memory_space<vmem>>) offsets(%dma_start3A_437 : memref<16xi32, #tpu.memory_space<vmem>>) semaphore(%arg11 : memref<!tpu.dma_semaphore, #tpu.memory_space<semaphore_mem>>)
    %dma_wait3A_441 = arith.constant 96 : i32
    %dma_wait3A_442 = tpu.memref_slice %arg5[%dma_wait3A_441] : memref<512xi32, #tpu.memory_space<vmem>> -> memref<16xi32, #tpu.memory_space<vmem>>
    %dma_wait3A_443 = arith.constant 0 : i32
    %dma_wait3A_444 = arith.constant 0 : i32
    %dma_wait3A_445 = tpu.memref_slice %arg2[%dma_wait3A_443, %dma_wait3A_444] : memref<16384x2048xf32, #tpu.memory_space<hbm>> -> memref<16384x2048xf32, #tpu.memory_space<hbm>>
    tpu.wait_indirect_dma semaphore(%arg9 : memref<!tpu.dma_semaphore, #tpu.memory_space<semaphore_mem>>) src(%dma_wait3A_445 : memref<16384x2048xf32, #tpu.memory_space<hbm>>) dst(%arg6 : memref<16x2048xf32, #tpu.memory_space<vmem>>)
    %add3A_446 = arith.constant 96 : i32
    %add3A_447 = arith.addi %mul3A_2, %add3A_446 : i32
    %dma_start3A_448 = arith.constant 0 : i32
    %dma_start3A_449 = tpu.memref_slice %arg4[%add3A_447, %dma_start3A_448] : memref<16384x2048xf32, #tpu.memory_space<hbm>> -> memref<16x2048xf32, #tpu.memory_space<hbm>>
    %dma_start3A_450 = arith.constant 0 : i32
    %dma_start3A_451 = tpu.memref_slice %arg4[%add3A_447, %dma_start3A_450] : memref<16384x2048xf32, #tpu.memory_space<hbm>> -> memref<16x2048xf32, #tpu.memory_space<hbm>>
    tpu.enqueue_dma source(%arg6 : memref<16x2048xf32, #tpu.memory_space<vmem>>) target(%dma_start3A_451 : memref<16x2048xf32, #tpu.memory_space<hbm>>) target_semaphore(%arg12 : memref<!tpu.dma_semaphore, #tpu.memory_space<semaphore_mem>>)
    %dma_wait3A_452 = arith.constant 0 : i32
    %dma_wait3A_453 = tpu.memref_slice %arg4[%add3A_447, %dma_wait3A_452] : memref<16384x2048xf32, #tpu.memory_space<hbm>> -> memref<16x2048xf32, #tpu.memory_space<hbm>>
    %dma_wait3A_454 = arith.constant 0 : i32
    %dma_wait3A_455 = tpu.memref_slice %arg4[%add3A_447, %dma_wait3A_454] : memref<16384x2048xf32, #tpu.memory_space<hbm>> -> memref<16x2048xf32, #tpu.memory_space<hbm>>
    tpu.wait_dma2 semaphore(%arg12 : memref<!tpu.dma_semaphore, #tpu.memory_space<semaphore_mem>>) src(%arg6 : memref<16x2048xf32, #tpu.memory_space<vmem>>) dst(%dma_wait3A_455 : memref<16x2048xf32, #tpu.memory_space<hbm>>)
    %dma_start3A_456 = arith.constant 144 : i32
    %dma_start3A_457 = tpu.memref_slice %arg5[%dma_start3A_456] : memref<512xi32, #tpu.memory_space<vmem>> -> memref<16xi32, #tpu.memory_space<vmem>>
    %dma_start3A_458 = arith.constant 0 : i32
    %dma_start3A_459 = arith.constant 0 : i32
    %dma_start3A_460 = tpu.memref_slice %arg2[%dma_start3A_458, %dma_start3A_459] : memref<16384x2048xf32, #tpu.memory_space<hbm>> -> memref<16384x2048xf32, #tpu.memory_space<hbm>>
    tpu.enqueue_indirect_dma source(%dma_start3A_460 : memref<16384x2048xf32, #tpu.memory_space<hbm>>) target(%arg6 : memref<16x2048xf32, #tpu.memory_space<vmem>>) offsets(%dma_start3A_457 : memref<16xi32, #tpu.memory_space<vmem>>) semaphore(%arg9 : memref<!tpu.dma_semaphore, #tpu.memory_space<semaphore_mem>>)
    %dma_wait3A_461 = arith.constant 112 : i32
    %dma_wait3A_462 = tpu.memref_slice %arg5[%dma_wait3A_461] : memref<512xi32, #tpu.memory_space<vmem>> -> memref<16xi32, #tpu.memory_space<vmem>>
    %dma_wait3A_463 = arith.constant 0 : i32
    %dma_wait3A_464 = arith.constant 0 : i32
    %dma_wait3A_465 = tpu.memref_slice %arg2[%dma_wait3A_463, %dma_wait3A_464] : memref<16384x2048xf32, #tpu.memory_space<hbm>> -> memref<16384x2048xf32, #tpu.memory_space<hbm>>
    tpu.wait_indirect_dma semaphore(%arg10 : memref<!tpu.dma_semaphore, #tpu.memory_space<semaphore_mem>>) src(%dma_wait3A_465 : memref<16384x2048xf32, #tpu.memory_space<hbm>>) dst(%arg7 : memref<16x2048xf32, #tpu.memory_space<vmem>>)
    %add3A_466 = arith.constant 112 : i32
    %add3A_467 = arith.addi %mul3A_2, %add3A_466 : i32
    %dma_start3A_468 = arith.constant 0 : i32
    %dma_start3A_469 = tpu.memref_slice %arg4[%add3A_467, %dma_start3A_468] : memref<16384x2048xf32, #tpu.memory_space<hbm>> -> memref<16x2048xf32, #tpu.memory_space<hbm>>
    %dma_start3A_470 = arith.constant 0 : i32
    %dma_start3A_471 = tpu.memref_slice %arg4[%add3A_467, %dma_start3A_470] : memref<16384x2048xf32, #tpu.memory_space<hbm>> -> memref<16x2048xf32, #tpu.memory_space<hbm>>
    tpu.enqueue_dma source(%arg7 : memref<16x2048xf32, #tpu.memory_space<vmem>>) target(%dma_start3A_471 : memref<16x2048xf32, #tpu.memory_space<hbm>>) target_semaphore(%arg13 : memref<!tpu.dma_semaphore, #tpu.memory_space<semaphore_mem>>)
    %dma_wait3A_472 = arith.constant 0 : i32
    %dma_wait3A_473 = tpu.memref_slice %arg4[%add3A_467, %dma_wait3A_472] : memref<16384x2048xf32, #tpu.memory_space<hbm>> -> memref<16x2048xf32, #tpu.memory_space<hbm>>
    %dma_wait3A_474 = arith.constant 0 : i32
    %dma_wait3A_475 = tpu.memref_slice %arg4[%add3A_467, %dma_wait3A_474] : memref<16384x2048xf32, #tpu.memory_space<hbm>> -> memref<16x2048xf32, #tpu.memory_space<hbm>>
    tpu.wait_dma2 semaphore(%arg13 : memref<!tpu.dma_semaphore, #tpu.memory_space<semaphore_mem>>) src(%arg7 : memref<16x2048xf32, #tpu.memory_space<vmem>>) dst(%dma_wait3A_475 : memref<16x2048xf32, #tpu.memory_space<hbm>>)
    %dma_start3A_476 = arith.constant 160 : i32
    %dma_start3A_477 = tpu.memref_slice %arg5[%dma_start3A_476] : memref<512xi32, #tpu.memory_space<vmem>> -> memref<16xi32, #tpu.memory_space<vmem>>
    %dma_start3A_478 = arith.constant 0 : i32
    %dma_start3A_479 = arith.constant 0 : i32
    %dma_start3A_480 = tpu.memref_slice %arg2[%dma_start3A_478, %dma_start3A_479] : memref<16384x2048xf32, #tpu.memory_space<hbm>> -> memref<16384x2048xf32, #tpu.memory_space<hbm>>
    tpu.enqueue_indirect_dma source(%dma_start3A_480 : memref<16384x2048xf32, #tpu.memory_space<hbm>>) target(%arg7 : memref<16x2048xf32, #tpu.memory_space<vmem>>) offsets(%dma_start3A_477 : memref<16xi32, #tpu.memory_space<vmem>>) semaphore(%arg10 : memref<!tpu.dma_semaphore, #tpu.memory_space<semaphore_mem>>)
    %dma_wait3A_481 = arith.constant 128 : i32
    %dma_wait3A_482 = tpu.memref_slice %arg5[%dma_wait3A_481] : memref<512xi32, #tpu.memory_space<vmem>> -> memref<16xi32, #tpu.memory_space<vmem>>
    %dma_wait3A_483 = arith.constant 0 : i32
    %dma_wait3A_484 = arith.constant 0 : i32
    %dma_wait3A_485 = tpu.memref_slice %arg2[%dma_wait3A_483, %dma_wait3A_484] : memref<16384x2048xf32, #tpu.memory_space<hbm>> -> memref<16384x2048xf32, #tpu.memory_space<hbm>>
    tpu.wait_indirect_dma semaphore(%arg11 : memref<!tpu.dma_semaphore, #tpu.memory_space<semaphore_mem>>) src(%dma_wait3A_485 : memref<16384x2048xf32, #tpu.memory_space<hbm>>) dst(%arg8 : memref<16x2048xf32, #tpu.memory_space<vmem>>)
    %add3A_486 = arith.constant 128 : i32
    %add3A_487 = arith.addi %mul3A_2, %add3A_486 : i32
    %dma_start3A_488 = arith.constant 0 : i32
    %dma_start3A_489 = tpu.memref_slice %arg4[%add3A_487, %dma_start3A_488] : memref<16384x2048xf32, #tpu.memory_space<hbm>> -> memref<16x2048xf32, #tpu.memory_space<hbm>>
    %dma_start3A_490 = arith.constant 0 : i32
    %dma_start3A_491 = tpu.memref_slice %arg4[%add3A_487, %dma_start3A_490] : memref<16384x2048xf32, #tpu.memory_space<hbm>> -> memref<16x2048xf32, #tpu.memory_space<hbm>>
    tpu.enqueue_dma source(%arg8 : memref<16x2048xf32, #tpu.memory_space<vmem>>) target(%dma_start3A_491 : memref<16x2048xf32, #tpu.memory_space<hbm>>) target_semaphore(%arg14 : memref<!tpu.dma_semaphore, #tpu.memory_space<semaphore_mem>>)
    %dma_wait3A_492 = arith.constant 0 : i32
    %dma_wait3A_493 = tpu.memref_slice %arg4[%add3A_487, %dma_wait3A_492] : memref<16384x2048xf32, #tpu.memory_space<hbm>> -> memref<16x2048xf32, #tpu.memory_space<hbm>>
    %dma_wait3A_494 = arith.constant 0 : i32
    %dma_wait3A_495 = tpu.memref_slice %arg4[%add3A_487, %dma_wait3A_494] : memref<16384x2048xf32, #tpu.memory_space<hbm>> -> memref<16x2048xf32, #tpu.memory_space<hbm>>
    tpu.wait_dma2 semaphore(%arg14 : memref<!tpu.dma_semaphore, #tpu.memory_space<semaphore_mem>>) src(%arg8 : memref<16x2048xf32, #tpu.memory_space<vmem>>) dst(%dma_wait3A_495 : memref<16x2048xf32, #tpu.memory_space<hbm>>)
    %dma_start3A_496 = arith.constant 176 : i32
    %dma_start3A_497 = tpu.memref_slice %arg5[%dma_start3A_496] : memref<512xi32, #tpu.memory_space<vmem>> -> memref<16xi32, #tpu.memory_space<vmem>>
    %dma_start3A_498 = arith.constant 0 : i32
    %dma_start3A_499 = arith.constant 0 : i32
    %dma_start3A_500 = tpu.memref_slice %arg2[%dma_start3A_498, %dma_start3A_499] : memref<16384x2048xf32, #tpu.memory_space<hbm>> -> memref<16384x2048xf32, #tpu.memory_space<hbm>>
    tpu.enqueue_indirect_dma source(%dma_start3A_500 : memref<16384x2048xf32, #tpu.memory_space<hbm>>) target(%arg8 : memref<16x2048xf32, #tpu.memory_space<vmem>>) offsets(%dma_start3A_497 : memref<16xi32, #tpu.memory_space<vmem>>) semaphore(%arg11 : memref<!tpu.dma_semaphore, #tpu.memory_space<semaphore_mem>>)
    %dma_wait3A_501 = arith.constant 144 : i32
    %dma_wait3A_502 = tpu.memref_slice %arg5[%dma_wait3A_501] : memref<512xi32, #tpu.memory_space<vmem>> -> memref<16xi32, #tpu.memory_space<vmem>>
    %dma_wait3A_503 = arith.constant 0 : i32
    %dma_wait3A_504 = arith.constant 0 : i32
    %dma_wait3A_505 = tpu.memref_slice %arg2[%dma_wait3A_503, %dma_wait3A_504] : memref<16384x2048xf32, #tpu.memory_space<hbm>> -> memref<16384x2048xf32, #tpu.memory_space<hbm>>
    tpu.wait_indirect_dma semaphore(%arg9 : memref<!tpu.dma_semaphore, #tpu.memory_space<semaphore_mem>>) src(%dma_wait3A_505 : memref<16384x2048xf32, #tpu.memory_space<hbm>>) dst(%arg6 : memref<16x2048xf32, #tpu.memory_space<vmem>>)
    %add3A_506 = arith.constant 144 : i32
    %add3A_507 = arith.addi %mul3A_2, %add3A_506 : i32
    %dma_start3A_508 = arith.constant 0 : i32
    %dma_start3A_509 = tpu.memref_slice %arg4[%add3A_507, %dma_start3A_508] : memref<16384x2048xf32, #tpu.memory_space<hbm>> -> memref<16x2048xf32, #tpu.memory_space<hbm>>
    %dma_start3A_510 = arith.constant 0 : i32
    %dma_start3A_511 = tpu.memref_slice %arg4[%add3A_507, %dma_start3A_510] : memref<16384x2048xf32, #tpu.memory_space<hbm>> -> memref<16x2048xf32, #tpu.memory_space<hbm>>
    tpu.enqueue_dma source(%arg6 : memref<16x2048xf32, #tpu.memory_space<vmem>>) target(%dma_start3A_511 : memref<16x2048xf32, #tpu.memory_space<hbm>>) target_semaphore(%arg12 : memref<!tpu.dma_semaphore, #tpu.memory_space<semaphore_mem>>)
    %dma_wait3A_512 = arith.constant 0 : i32
    %dma_wait3A_513 = tpu.memref_slice %arg4[%add3A_507, %dma_wait3A_512] : memref<16384x2048xf32, #tpu.memory_space<hbm>> -> memref<16x2048xf32, #tpu.memory_space<hbm>>
    %dma_wait3A_514 = arith.constant 0 : i32
    %dma_wait3A_515 = tpu.memref_slice %arg4[%add3A_507, %dma_wait3A_514] : memref<16384x2048xf32, #tpu.memory_space<hbm>> -> memref<16x2048xf32, #tpu.memory_space<hbm>>
    tpu.wait_dma2 semaphore(%arg12 : memref<!tpu.dma_semaphore, #tpu.memory_space<semaphore_mem>>) src(%arg6 : memref<16x2048xf32, #tpu.memory_space<vmem>>) dst(%dma_wait3A_515 : memref<16x2048xf32, #tpu.memory_space<hbm>>)
    %dma_start3A_516 = arith.constant 192 : i32
    %dma_start3A_517 = tpu.memref_slice %arg5[%dma_start3A_516] : memref<512xi32, #tpu.memory_space<vmem>> -> memref<16xi32, #tpu.memory_space<vmem>>
    %dma_start3A_518 = arith.constant 0 : i32
    %dma_start3A_519 = arith.constant 0 : i32
    %dma_start3A_520 = tpu.memref_slice %arg2[%dma_start3A_518, %dma_start3A_519] : memref<16384x2048xf32, #tpu.memory_space<hbm>> -> memref<16384x2048xf32, #tpu.memory_space<hbm>>
    tpu.enqueue_indirect_dma source(%dma_start3A_520 : memref<16384x2048xf32, #tpu.memory_space<hbm>>) target(%arg6 : memref<16x2048xf32, #tpu.memory_space<vmem>>) offsets(%dma_start3A_517 : memref<16xi32, #tpu.memory_space<vmem>>) semaphore(%arg9 : memref<!tpu.dma_semaphore, #tpu.memory_space<semaphore_mem>>)
    %dma_wait3A_521 = arith.constant 160 : i32
    %dma_wait3A_522 = tpu.memref_slice %arg5[%dma_wait3A_521] : memref<512xi32, #tpu.memory_space<vmem>> -> memref<16xi32, #tpu.memory_space<vmem>>
    %dma_wait3A_523 = arith.constant 0 : i32
    %dma_wait3A_524 = arith.constant 0 : i32
    %dma_wait3A_525 = tpu.memref_slice %arg2[%dma_wait3A_523, %dma_wait3A_524] : memref<16384x2048xf32, #tpu.memory_space<hbm>> -> memref<16384x2048xf32, #tpu.memory_space<hbm>>
    tpu.wait_indirect_dma semaphore(%arg10 : memref<!tpu.dma_semaphore, #tpu.memory_space<semaphore_mem>>) src(%dma_wait3A_525 : memref<16384x2048xf32, #tpu.memory_space<hbm>>) dst(%arg7 : memref<16x2048xf32, #tpu.memory_space<vmem>>)
    %add3A_526 = arith.constant 160 : i32
    %add3A_527 = arith.addi %mul3A_2, %add3A_526 : i32
    %dma_start3A_528 = arith.constant 0 : i32
    %dma_start3A_529 = tpu.memref_slice %arg4[%add3A_527, %dma_start3A_528] : memref<16384x2048xf32, #tpu.memory_space<hbm>> -> memref<16x2048xf32, #tpu.memory_space<hbm>>
    %dma_start3A_530 = arith.constant 0 : i32
    %dma_start3A_531 = tpu.memref_slice %arg4[%add3A_527, %dma_start3A_530] : memref<16384x2048xf32, #tpu.memory_space<hbm>> -> memref<16x2048xf32, #tpu.memory_space<hbm>>
    tpu.enqueue_dma source(%arg7 : memref<16x2048xf32, #tpu.memory_space<vmem>>) target(%dma_start3A_531 : memref<16x2048xf32, #tpu.memory_space<hbm>>) target_semaphore(%arg13 : memref<!tpu.dma_semaphore, #tpu.memory_space<semaphore_mem>>)
    %dma_wait3A_532 = arith.constant 0 : i32
    %dma_wait3A_533 = tpu.memref_slice %arg4[%add3A_527, %dma_wait3A_532] : memref<16384x2048xf32, #tpu.memory_space<hbm>> -> memref<16x2048xf32, #tpu.memory_space<hbm>>
    %dma_wait3A_534 = arith.constant 0 : i32
    %dma_wait3A_535 = tpu.memref_slice %arg4[%add3A_527, %dma_wait3A_534] : memref<16384x2048xf32, #tpu.memory_space<hbm>> -> memref<16x2048xf32, #tpu.memory_space<hbm>>
    tpu.wait_dma2 semaphore(%arg13 : memref<!tpu.dma_semaphore, #tpu.memory_space<semaphore_mem>>) src(%arg7 : memref<16x2048xf32, #tpu.memory_space<vmem>>) dst(%dma_wait3A_535 : memref<16x2048xf32, #tpu.memory_space<hbm>>)
    %dma_start3A_536 = arith.constant 208 : i32
    %dma_start3A_537 = tpu.memref_slice %arg5[%dma_start3A_536] : memref<512xi32, #tpu.memory_space<vmem>> -> memref<16xi32, #tpu.memory_space<vmem>>
    %dma_start3A_538 = arith.constant 0 : i32
    %dma_start3A_539 = arith.constant 0 : i32
    %dma_start3A_540 = tpu.memref_slice %arg2[%dma_start3A_538, %dma_start3A_539] : memref<16384x2048xf32, #tpu.memory_space<hbm>> -> memref<16384x2048xf32, #tpu.memory_space<hbm>>
    tpu.enqueue_indirect_dma source(%dma_start3A_540 : memref<16384x2048xf32, #tpu.memory_space<hbm>>) target(%arg7 : memref<16x2048xf32, #tpu.memory_space<vmem>>) offsets(%dma_start3A_537 : memref<16xi32, #tpu.memory_space<vmem>>) semaphore(%arg10 : memref<!tpu.dma_semaphore, #tpu.memory_space<semaphore_mem>>)
    %dma_wait3A_541 = arith.constant 176 : i32
    %dma_wait3A_542 = tpu.memref_slice %arg5[%dma_wait3A_541] : memref<512xi32, #tpu.memory_space<vmem>> -> memref<16xi32, #tpu.memory_space<vmem>>
    %dma_wait3A_543 = arith.constant 0 : i32
    %dma_wait3A_544 = arith.constant 0 : i32
    %dma_wait3A_545 = tpu.memref_slice %arg2[%dma_wait3A_543, %dma_wait3A_544] : memref<16384x2048xf32, #tpu.memory_space<hbm>> -> memref<16384x2048xf32, #tpu.memory_space<hbm>>
    tpu.wait_indirect_dma semaphore(%arg11 : memref<!tpu.dma_semaphore, #tpu.memory_space<semaphore_mem>>) src(%dma_wait3A_545 : memref<16384x2048xf32, #tpu.memory_space<hbm>>) dst(%arg8 : memref<16x2048xf32, #tpu.memory_space<vmem>>)
    %add3A_546 = arith.constant 176 : i32
    %add3A_547 = arith.addi %mul3A_2, %add3A_546 : i32
    %dma_start3A_548 = arith.constant 0 : i32
    %dma_start3A_549 = tpu.memref_slice %arg4[%add3A_547, %dma_start3A_548] : memref<16384x2048xf32, #tpu.memory_space<hbm>> -> memref<16x2048xf32, #tpu.memory_space<hbm>>
    %dma_start3A_550 = arith.constant 0 : i32
    %dma_start3A_551 = tpu.memref_slice %arg4[%add3A_547, %dma_start3A_550] : memref<16384x2048xf32, #tpu.memory_space<hbm>> -> memref<16x2048xf32, #tpu.memory_space<hbm>>
    tpu.enqueue_dma source(%arg8 : memref<16x2048xf32, #tpu.memory_space<vmem>>) target(%dma_start3A_551 : memref<16x2048xf32, #tpu.memory_space<hbm>>) target_semaphore(%arg14 : memref<!tpu.dma_semaphore, #tpu.memory_space<semaphore_mem>>)
    %dma_wait3A_552 = arith.constant 0 : i32
    %dma_wait3A_553 = tpu.memref_slice %arg4[%add3A_547, %dma_wait3A_552] : memref<16384x2048xf32, #tpu.memory_space<hbm>> -> memref<16x2048xf32, #tpu.memory_space<hbm>>
    %dma_wait3A_554 = arith.constant 0 : i32
    %dma_wait3A_555 = tpu.memref_slice %arg4[%add3A_547, %dma_wait3A_554] : memref<16384x2048xf32, #tpu.memory_space<hbm>> -> memref<16x2048xf32, #tpu.memory_space<hbm>>
    tpu.wait_dma2 semaphore(%arg14 : memref<!tpu.dma_semaphore, #tpu.memory_space<semaphore_mem>>) src(%arg8 : memref<16x2048xf32, #tpu.memory_space<vmem>>) dst(%dma_wait3A_555 : memref<16x2048xf32, #tpu.memory_space<hbm>>)
    %dma_start3A_556 = arith.constant 224 : i32
    %dma_start3A_557 = tpu.memref_slice %arg5[%dma_start3A_556] : memref<512xi32, #tpu.memory_space<vmem>> -> memref<16xi32, #tpu.memory_space<vmem>>
    %dma_start3A_558 = arith.constant 0 : i32
    %dma_start3A_559 = arith.constant 0 : i32
    %dma_start3A_560 = tpu.memref_slice %arg2[%dma_start3A_558, %dma_start3A_559] : memref<16384x2048xf32, #tpu.memory_space<hbm>> -> memref<16384x2048xf32, #tpu.memory_space<hbm>>
    tpu.enqueue_indirect_dma source(%dma_start3A_560 : memref<16384x2048xf32, #tpu.memory_space<hbm>>) target(%arg8 : memref<16x2048xf32, #tpu.memory_space<vmem>>) offsets(%dma_start3A_557 : memref<16xi32, #tpu.memory_space<vmem>>) semaphore(%arg11 : memref<!tpu.dma_semaphore, #tpu.memory_space<semaphore_mem>>)
    %dma_wait3A_561 = arith.constant 192 : i32
    %dma_wait3A_562 = tpu.memref_slice %arg5[%dma_wait3A_561] : memref<512xi32, #tpu.memory_space<vmem>> -> memref<16xi32, #tpu.memory_space<vmem>>
    %dma_wait3A_563 = arith.constant 0 : i32
    %dma_wait3A_564 = arith.constant 0 : i32
    %dma_wait3A_565 = tpu.memref_slice %arg2[%dma_wait3A_563, %dma_wait3A_564] : memref<16384x2048xf32, #tpu.memory_space<hbm>> -> memref<16384x2048xf32, #tpu.memory_space<hbm>>
    tpu.wait_indirect_dma semaphore(%arg9 : memref<!tpu.dma_semaphore, #tpu.memory_space<semaphore_mem>>) src(%dma_wait3A_565 : memref<16384x2048xf32, #tpu.memory_space<hbm>>) dst(%arg6 : memref<16x2048xf32, #tpu.memory_space<vmem>>)
    %add3A_566 = arith.constant 192 : i32
    %add3A_567 = arith.addi %mul3A_2, %add3A_566 : i32
    %dma_start3A_568 = arith.constant 0 : i32
    %dma_start3A_569 = tpu.memref_slice %arg4[%add3A_567, %dma_start3A_568] : memref<16384x2048xf32, #tpu.memory_space<hbm>> -> memref<16x2048xf32, #tpu.memory_space<hbm>>
    %dma_start3A_570 = arith.constant 0 : i32
    %dma_start3A_571 = tpu.memref_slice %arg4[%add3A_567, %dma_start3A_570] : memref<16384x2048xf32, #tpu.memory_space<hbm>> -> memref<16x2048xf32, #tpu.memory_space<hbm>>
    tpu.enqueue_dma source(%arg6 : memref<16x2048xf32, #tpu.memory_space<vmem>>) target(%dma_start3A_571 : memref<16x2048xf32, #tpu.memory_space<hbm>>) target_semaphore(%arg12 : memref<!tpu.dma_semaphore, #tpu.memory_space<semaphore_mem>>)
    %dma_wait3A_572 = arith.constant 0 : i32
    %dma_wait3A_573 = tpu.memref_slice %arg4[%add3A_567, %dma_wait3A_572] : memref<16384x2048xf32, #tpu.memory_space<hbm>> -> memref<16x2048xf32, #tpu.memory_space<hbm>>
    %dma_wait3A_574 = arith.constant 0 : i32
    %dma_wait3A_575 = tpu.memref_slice %arg4[%add3A_567, %dma_wait3A_574] : memref<16384x2048xf32, #tpu.memory_space<hbm>> -> memref<16x2048xf32, #tpu.memory_space<hbm>>
    tpu.wait_dma2 semaphore(%arg12 : memref<!tpu.dma_semaphore, #tpu.memory_space<semaphore_mem>>) src(%arg6 : memref<16x2048xf32, #tpu.memory_space<vmem>>) dst(%dma_wait3A_575 : memref<16x2048xf32, #tpu.memory_space<hbm>>)
    %dma_start3A_576 = arith.constant 240 : i32
    %dma_start3A_577 = tpu.memref_slice %arg5[%dma_start3A_576] : memref<512xi32, #tpu.memory_space<vmem>> -> memref<16xi32, #tpu.memory_space<vmem>>
    %dma_start3A_578 = arith.constant 0 : i32
    %dma_start3A_579 = arith.constant 0 : i32
    %dma_start3A_580 = tpu.memref_slice %arg2[%dma_start3A_578, %dma_start3A_579] : memref<16384x2048xf32, #tpu.memory_space<hbm>> -> memref<16384x2048xf32, #tpu.memory_space<hbm>>
    tpu.enqueue_indirect_dma source(%dma_start3A_580 : memref<16384x2048xf32, #tpu.memory_space<hbm>>) target(%arg6 : memref<16x2048xf32, #tpu.memory_space<vmem>>) offsets(%dma_start3A_577 : memref<16xi32, #tpu.memory_space<vmem>>) semaphore(%arg9 : memref<!tpu.dma_semaphore, #tpu.memory_space<semaphore_mem>>)
    %dma_wait3A_581 = arith.constant 208 : i32
    %dma_wait3A_582 = tpu.memref_slice %arg5[%dma_wait3A_581] : memref<512xi32, #tpu.memory_space<vmem>> -> memref<16xi32, #tpu.memory_space<vmem>>
    %dma_wait3A_583 = arith.constant 0 : i32
    %dma_wait3A_584 = arith.constant 0 : i32
    %dma_wait3A_585 = tpu.memref_slice %arg2[%dma_wait3A_583, %dma_wait3A_584] : memref<16384x2048xf32, #tpu.memory_space<hbm>> -> memref<16384x2048xf32, #tpu.memory_space<hbm>>
    tpu.wait_indirect_dma semaphore(%arg10 : memref<!tpu.dma_semaphore, #tpu.memory_space<semaphore_mem>>) src(%dma_wait3A_585 : memref<16384x2048xf32, #tpu.memory_space<hbm>>) dst(%arg7 : memref<16x2048xf32, #tpu.memory_space<vmem>>)
    %add3A_586 = arith.constant 208 : i32
    %add3A_587 = arith.addi %mul3A_2, %add3A_586 : i32
    %dma_start3A_588 = arith.constant 0 : i32
    %dma_start3A_589 = tpu.memref_slice %arg4[%add3A_587, %dma_start3A_588] : memref<16384x2048xf32, #tpu.memory_space<hbm>> -> memref<16x2048xf32, #tpu.memory_space<hbm>>
    %dma_start3A_590 = arith.constant 0 : i32
    %dma_start3A_591 = tpu.memref_slice %arg4[%add3A_587, %dma_start3A_590] : memref<16384x2048xf32, #tpu.memory_space<hbm>> -> memref<16x2048xf32, #tpu.memory_space<hbm>>
    tpu.enqueue_dma source(%arg7 : memref<16x2048xf32, #tpu.memory_space<vmem>>) target(%dma_start3A_591 : memref<16x2048xf32, #tpu.memory_space<hbm>>) target_semaphore(%arg13 : memref<!tpu.dma_semaphore, #tpu.memory_space<semaphore_mem>>)
    %dma_wait3A_592 = arith.constant 0 : i32
    %dma_wait3A_593 = tpu.memref_slice %arg4[%add3A_587, %dma_wait3A_592] : memref<16384x2048xf32, #tpu.memory_space<hbm>> -> memref<16x2048xf32, #tpu.memory_space<hbm>>
    %dma_wait3A_594 = arith.constant 0 : i32
    %dma_wait3A_595 = tpu.memref_slice %arg4[%add3A_587, %dma_wait3A_594] : memref<16384x2048xf32, #tpu.memory_space<hbm>> -> memref<16x2048xf32, #tpu.memory_space<hbm>>
    tpu.wait_dma2 semaphore(%arg13 : memref<!tpu.dma_semaphore, #tpu.memory_space<semaphore_mem>>) src(%arg7 : memref<16x2048xf32, #tpu.memory_space<vmem>>) dst(%dma_wait3A_595 : memref<16x2048xf32, #tpu.memory_space<hbm>>)
    %dma_start3A_596 = arith.constant 256 : i32
    %dma_start3A_597 = tpu.memref_slice %arg5[%dma_start3A_596] : memref<512xi32, #tpu.memory_space<vmem>> -> memref<16xi32, #tpu.memory_space<vmem>>
    %dma_start3A_598 = arith.constant 0 : i32
    %dma_start3A_599 = arith.constant 0 : i32
    %dma_start3A_600 = tpu.memref_slice %arg2[%dma_start3A_598, %dma_start3A_599] : memref<16384x2048xf32, #tpu.memory_space<hbm>> -> memref<16384x2048xf32, #tpu.memory_space<hbm>>
    tpu.enqueue_indirect_dma source(%dma_start3A_600 : memref<16384x2048xf32, #tpu.memory_space<hbm>>) target(%arg7 : memref<16x2048xf32, #tpu.memory_space<vmem>>) offsets(%dma_start3A_597 : memref<16xi32, #tpu.memory_space<vmem>>) semaphore(%arg10 : memref<!tpu.dma_semaphore, #tpu.memory_space<semaphore_mem>>)
    %dma_wait3A_601 = arith.constant 224 : i32
    %dma_wait3A_602 = tpu.memref_slice %arg5[%dma_wait3A_601] : memref<512xi32, #tpu.memory_space<vmem>> -> memref<16xi32, #tpu.memory_space<vmem>>
    %dma_wait3A_603 = arith.constant 0 : i32
    %dma_wait3A_604 = arith.constant 0 : i32
    %dma_wait3A_605 = tpu.memref_slice %arg2[%dma_wait3A_603, %dma_wait3A_604] : memref<16384x2048xf32, #tpu.memory_space<hbm>> -> memref<16384x2048xf32, #tpu.memory_space<hbm>>
    tpu.wait_indirect_dma semaphore(%arg11 : memref<!tpu.dma_semaphore, #tpu.memory_space<semaphore_mem>>) src(%dma_wait3A_605 : memref<16384x2048xf32, #tpu.memory_space<hbm>>) dst(%arg8 : memref<16x2048xf32, #tpu.memory_space<vmem>>)
    %add3A_606 = arith.constant 224 : i32
    %add3A_607 = arith.addi %mul3A_2, %add3A_606 : i32
    %dma_start3A_608 = arith.constant 0 : i32
    %dma_start3A_609 = tpu.memref_slice %arg4[%add3A_607, %dma_start3A_608] : memref<16384x2048xf32, #tpu.memory_space<hbm>> -> memref<16x2048xf32, #tpu.memory_space<hbm>>
    %dma_start3A_610 = arith.constant 0 : i32
    %dma_start3A_611 = tpu.memref_slice %arg4[%add3A_607, %dma_start3A_610] : memref<16384x2048xf32, #tpu.memory_space<hbm>> -> memref<16x2048xf32, #tpu.memory_space<hbm>>
    tpu.enqueue_dma source(%arg8 : memref<16x2048xf32, #tpu.memory_space<vmem>>) target(%dma_start3A_611 : memref<16x2048xf32, #tpu.memory_space<hbm>>) target_semaphore(%arg14 : memref<!tpu.dma_semaphore, #tpu.memory_space<semaphore_mem>>)
    %dma_wait3A_612 = arith.constant 0 : i32
    %dma_wait3A_613 = tpu.memref_slice %arg4[%add3A_607, %dma_wait3A_612] : memref<16384x2048xf32, #tpu.memory_space<hbm>> -> memref<16x2048xf32, #tpu.memory_space<hbm>>
    %dma_wait3A_614 = arith.constant 0 : i32
    %dma_wait3A_615 = tpu.memref_slice %arg4[%add3A_607, %dma_wait3A_614] : memref<16384x2048xf32, #tpu.memory_space<hbm>> -> memref<16x2048xf32, #tpu.memory_space<hbm>>
    tpu.wait_dma2 semaphore(%arg14 : memref<!tpu.dma_semaphore, #tpu.memory_space<semaphore_mem>>) src(%arg8 : memref<16x2048xf32, #tpu.memory_space<vmem>>) dst(%dma_wait3A_615 : memref<16x2048xf32, #tpu.memory_space<hbm>>)
    %dma_start3A_616 = arith.constant 272 : i32
    %dma_start3A_617 = tpu.memref_slice %arg5[%dma_start3A_616] : memref<512xi32, #tpu.memory_space<vmem>> -> memref<16xi32, #tpu.memory_space<vmem>>
    %dma_start3A_618 = arith.constant 0 : i32
    %dma_start3A_619 = arith.constant 0 : i32
    %dma_start3A_620 = tpu.memref_slice %arg2[%dma_start3A_618, %dma_start3A_619] : memref<16384x2048xf32, #tpu.memory_space<hbm>> -> memref<16384x2048xf32, #tpu.memory_space<hbm>>
    tpu.enqueue_indirect_dma source(%dma_start3A_620 : memref<16384x2048xf32, #tpu.memory_space<hbm>>) target(%arg8 : memref<16x2048xf32, #tpu.memory_space<vmem>>) offsets(%dma_start3A_617 : memref<16xi32, #tpu.memory_space<vmem>>) semaphore(%arg11 : memref<!tpu.dma_semaphore, #tpu.memory_space<semaphore_mem>>)
    %dma_wait3A_621 = arith.constant 240 : i32
    %dma_wait3A_622 = tpu.memref_slice %arg5[%dma_wait3A_621] : memref<512xi32, #tpu.memory_space<vmem>> -> memref<16xi32, #tpu.memory_space<vmem>>
    %dma_wait3A_623 = arith.constant 0 : i32
    %dma_wait3A_624 = arith.constant 0 : i32
    %dma_wait3A_625 = tpu.memref_slice %arg2[%dma_wait3A_623, %dma_wait3A_624] : memref<16384x2048xf32, #tpu.memory_space<hbm>> -> memref<16384x2048xf32, #tpu.memory_space<hbm>>
    tpu.wait_indirect_dma semaphore(%arg9 : memref<!tpu.dma_semaphore, #tpu.memory_space<semaphore_mem>>) src(%dma_wait3A_625 : memref<16384x2048xf32, #tpu.memory_space<hbm>>) dst(%arg6 : memref<16x2048xf32, #tpu.memory_space<vmem>>)
    %add3A_626 = arith.constant 240 : i32
    %add3A_627 = arith.addi %mul3A_2, %add3A_626 : i32
    %dma_start3A_628 = arith.constant 0 : i32
    %dma_start3A_629 = tpu.memref_slice %arg4[%add3A_627, %dma_start3A_628] : memref<16384x2048xf32, #tpu.memory_space<hbm>> -> memref<16x2048xf32, #tpu.memory_space<hbm>>
    %dma_start3A_630 = arith.constant 0 : i32
    %dma_start3A_631 = tpu.memref_slice %arg4[%add3A_627, %dma_start3A_630] : memref<16384x2048xf32, #tpu.memory_space<hbm>> -> memref<16x2048xf32, #tpu.memory_space<hbm>>
    tpu.enqueue_dma source(%arg6 : memref<16x2048xf32, #tpu.memory_space<vmem>>) target(%dma_start3A_631 : memref<16x2048xf32, #tpu.memory_space<hbm>>) target_semaphore(%arg12 : memref<!tpu.dma_semaphore, #tpu.memory_space<semaphore_mem>>)
    %dma_wait3A_632 = arith.constant 0 : i32
    %dma_wait3A_633 = tpu.memref_slice %arg4[%add3A_627, %dma_wait3A_632] : memref<16384x2048xf32, #tpu.memory_space<hbm>> -> memref<16x2048xf32, #tpu.memory_space<hbm>>
    %dma_wait3A_634 = arith.constant 0 : i32
    %dma_wait3A_635 = tpu.memref_slice %arg4[%add3A_627, %dma_wait3A_634] : memref<16384x2048xf32, #tpu.memory_space<hbm>> -> memref<16x2048xf32, #tpu.memory_space<hbm>>
    tpu.wait_dma2 semaphore(%arg12 : memref<!tpu.dma_semaphore, #tpu.memory_space<semaphore_mem>>) src(%arg6 : memref<16x2048xf32, #tpu.memory_space<vmem>>) dst(%dma_wait3A_635 : memref<16x2048xf32, #tpu.memory_space<hbm>>)
    %dma_start3A_636 = arith.constant 288 : i32
    %dma_start3A_637 = tpu.memref_slice %arg5[%dma_start3A_636] : memref<512xi32, #tpu.memory_space<vmem>> -> memref<16xi32, #tpu.memory_space<vmem>>
    %dma_start3A_638 = arith.constant 0 : i32
    %dma_start3A_639 = arith.constant 0 : i32
    %dma_start3A_640 = tpu.memref_slice %arg2[%dma_start3A_638, %dma_start3A_639] : memref<16384x2048xf32, #tpu.memory_space<hbm>> -> memref<16384x2048xf32, #tpu.memory_space<hbm>>
    tpu.enqueue_indirect_dma source(%dma_start3A_640 : memref<16384x2048xf32, #tpu.memory_space<hbm>>) target(%arg6 : memref<16x2048xf32, #tpu.memory_space<vmem>>) offsets(%dma_start3A_637 : memref<16xi32, #tpu.memory_space<vmem>>) semaphore(%arg9 : memref<!tpu.dma_semaphore, #tpu.memory_space<semaphore_mem>>)
    %dma_wait3A_641 = arith.constant 256 : i32
    %dma_wait3A_642 = tpu.memref_slice %arg5[%dma_wait3A_641] : memref<512xi32, #tpu.memory_space<vmem>> -> memref<16xi32, #tpu.memory_space<vmem>>
    %dma_wait3A_643 = arith.constant 0 : i32
    %dma_wait3A_644 = arith.constant 0 : i32
    %dma_wait3A_645 = tpu.memref_slice %arg2[%dma_wait3A_643, %dma_wait3A_644] : memref<16384x2048xf32, #tpu.memory_space<hbm>> -> memref<16384x2048xf32, #tpu.memory_space<hbm>>
    tpu.wait_indirect_dma semaphore(%arg10 : memref<!tpu.dma_semaphore, #tpu.memory_space<semaphore_mem>>) src(%dma_wait3A_645 : memref<16384x2048xf32, #tpu.memory_space<hbm>>) dst(%arg7 : memref<16x2048xf32, #tpu.memory_space<vmem>>)
    %add3A_646 = arith.constant 256 : i32
    %add3A_647 = arith.addi %mul3A_2, %add3A_646 : i32
    %dma_start3A_648 = arith.constant 0 : i32
    %dma_start3A_649 = tpu.memref_slice %arg4[%add3A_647, %dma_start3A_648] : memref<16384x2048xf32, #tpu.memory_space<hbm>> -> memref<16x2048xf32, #tpu.memory_space<hbm>>
    %dma_start3A_650 = arith.constant 0 : i32
    %dma_start3A_651 = tpu.memref_slice %arg4[%add3A_647, %dma_start3A_650] : memref<16384x2048xf32, #tpu.memory_space<hbm>> -> memref<16x2048xf32, #tpu.memory_space<hbm>>
    tpu.enqueue_dma source(%arg7 : memref<16x2048xf32, #tpu.memory_space<vmem>>) target(%dma_start3A_651 : memref<16x2048xf32, #tpu.memory_space<hbm>>) target_semaphore(%arg13 : memref<!tpu.dma_semaphore, #tpu.memory_space<semaphore_mem>>)
    %dma_wait3A_652 = arith.constant 0 : i32
    %dma_wait3A_653 = tpu.memref_slice %arg4[%add3A_647, %dma_wait3A_652] : memref<16384x2048xf32, #tpu.memory_space<hbm>> -> memref<16x2048xf32, #tpu.memory_space<hbm>>
    %dma_wait3A_654 = arith.constant 0 : i32
    %dma_wait3A_655 = tpu.memref_slice %arg4[%add3A_647, %dma_wait3A_654] : memref<16384x2048xf32, #tpu.memory_space<hbm>> -> memref<16x2048xf32, #tpu.memory_space<hbm>>
    tpu.wait_dma2 semaphore(%arg13 : memref<!tpu.dma_semaphore, #tpu.memory_space<semaphore_mem>>) src(%arg7 : memref<16x2048xf32, #tpu.memory_space<vmem>>) dst(%dma_wait3A_655 : memref<16x2048xf32, #tpu.memory_space<hbm>>)
    %dma_start3A_656 = arith.constant 304 : i32
    %dma_start3A_657 = tpu.memref_slice %arg5[%dma_start3A_656] : memref<512xi32, #tpu.memory_space<vmem>> -> memref<16xi32, #tpu.memory_space<vmem>>
    %dma_start3A_658 = arith.constant 0 : i32
    %dma_start3A_659 = arith.constant 0 : i32
    %dma_start3A_660 = tpu.memref_slice %arg2[%dma_start3A_658, %dma_start3A_659] : memref<16384x2048xf32, #tpu.memory_space<hbm>> -> memref<16384x2048xf32, #tpu.memory_space<hbm>>
    tpu.enqueue_indirect_dma source(%dma_start3A_660 : memref<16384x2048xf32, #tpu.memory_space<hbm>>) target(%arg7 : memref<16x2048xf32, #tpu.memory_space<vmem>>) offsets(%dma_start3A_657 : memref<16xi32, #tpu.memory_space<vmem>>) semaphore(%arg10 : memref<!tpu.dma_semaphore, #tpu.memory_space<semaphore_mem>>)
    %dma_wait3A_661 = arith.constant 272 : i32
    %dma_wait3A_662 = tpu.memref_slice %arg5[%dma_wait3A_661] : memref<512xi32, #tpu.memory_space<vmem>> -> memref<16xi32, #tpu.memory_space<vmem>>
    %dma_wait3A_663 = arith.constant 0 : i32
    %dma_wait3A_664 = arith.constant 0 : i32
    %dma_wait3A_665 = tpu.memref_slice %arg2[%dma_wait3A_663, %dma_wait3A_664] : memref<16384x2048xf32, #tpu.memory_space<hbm>> -> memref<16384x2048xf32, #tpu.memory_space<hbm>>
    tpu.wait_indirect_dma semaphore(%arg11 : memref<!tpu.dma_semaphore, #tpu.memory_space<semaphore_mem>>) src(%dma_wait3A_665 : memref<16384x2048xf32, #tpu.memory_space<hbm>>) dst(%arg8 : memref<16x2048xf32, #tpu.memory_space<vmem>>)
    %add3A_666 = arith.constant 272 : i32
    %add3A_667 = arith.addi %mul3A_2, %add3A_666 : i32
    %dma_start3A_668 = arith.constant 0 : i32
    %dma_start3A_669 = tpu.memref_slice %arg4[%add3A_667, %dma_start3A_668] : memref<16384x2048xf32, #tpu.memory_space<hbm>> -> memref<16x2048xf32, #tpu.memory_space<hbm>>
    %dma_start3A_670 = arith.constant 0 : i32
    %dma_start3A_671 = tpu.memref_slice %arg4[%add3A_667, %dma_start3A_670] : memref<16384x2048xf32, #tpu.memory_space<hbm>> -> memref<16x2048xf32, #tpu.memory_space<hbm>>
    tpu.enqueue_dma source(%arg8 : memref<16x2048xf32, #tpu.memory_space<vmem>>) target(%dma_start3A_671 : memref<16x2048xf32, #tpu.memory_space<hbm>>) target_semaphore(%arg14 : memref<!tpu.dma_semaphore, #tpu.memory_space<semaphore_mem>>)
    %dma_wait3A_672 = arith.constant 0 : i32
    %dma_wait3A_673 = tpu.memref_slice %arg4[%add3A_667, %dma_wait3A_672] : memref<16384x2048xf32, #tpu.memory_space<hbm>> -> memref<16x2048xf32, #tpu.memory_space<hbm>>
    %dma_wait3A_674 = arith.constant 0 : i32
    %dma_wait3A_675 = tpu.memref_slice %arg4[%add3A_667, %dma_wait3A_674] : memref<16384x2048xf32, #tpu.memory_space<hbm>> -> memref<16x2048xf32, #tpu.memory_space<hbm>>
    tpu.wait_dma2 semaphore(%arg14 : memref<!tpu.dma_semaphore, #tpu.memory_space<semaphore_mem>>) src(%arg8 : memref<16x2048xf32, #tpu.memory_space<vmem>>) dst(%dma_wait3A_675 : memref<16x2048xf32, #tpu.memory_space<hbm>>)
    %dma_start3A_676 = arith.constant 320 : i32
    %dma_start3A_677 = tpu.memref_slice %arg5[%dma_start3A_676] : memref<512xi32, #tpu.memory_space<vmem>> -> memref<16xi32, #tpu.memory_space<vmem>>
    %dma_start3A_678 = arith.constant 0 : i32
    %dma_start3A_679 = arith.constant 0 : i32
    %dma_start3A_680 = tpu.memref_slice %arg2[%dma_start3A_678, %dma_start3A_679] : memref<16384x2048xf32, #tpu.memory_space<hbm>> -> memref<16384x2048xf32, #tpu.memory_space<hbm>>
    tpu.enqueue_indirect_dma source(%dma_start3A_680 : memref<16384x2048xf32, #tpu.memory_space<hbm>>) target(%arg8 : memref<16x2048xf32, #tpu.memory_space<vmem>>) offsets(%dma_start3A_677 : memref<16xi32, #tpu.memory_space<vmem>>) semaphore(%arg11 : memref<!tpu.dma_semaphore, #tpu.memory_space<semaphore_mem>>)
    %dma_wait3A_681 = arith.constant 288 : i32
    %dma_wait3A_682 = tpu.memref_slice %arg5[%dma_wait3A_681] : memref<512xi32, #tpu.memory_space<vmem>> -> memref<16xi32, #tpu.memory_space<vmem>>
    %dma_wait3A_683 = arith.constant 0 : i32
    %dma_wait3A_684 = arith.constant 0 : i32
    %dma_wait3A_685 = tpu.memref_slice %arg2[%dma_wait3A_683, %dma_wait3A_684] : memref<16384x2048xf32, #tpu.memory_space<hbm>> -> memref<16384x2048xf32, #tpu.memory_space<hbm>>
    tpu.wait_indirect_dma semaphore(%arg9 : memref<!tpu.dma_semaphore, #tpu.memory_space<semaphore_mem>>) src(%dma_wait3A_685 : memref<16384x2048xf32, #tpu.memory_space<hbm>>) dst(%arg6 : memref<16x2048xf32, #tpu.memory_space<vmem>>)
    %add3A_686 = arith.constant 288 : i32
    %add3A_687 = arith.addi %mul3A_2, %add3A_686 : i32
    %dma_start3A_688 = arith.constant 0 : i32
    %dma_start3A_689 = tpu.memref_slice %arg4[%add3A_687, %dma_start3A_688] : memref<16384x2048xf32, #tpu.memory_space<hbm>> -> memref<16x2048xf32, #tpu.memory_space<hbm>>
    %dma_start3A_690 = arith.constant 0 : i32
    %dma_start3A_691 = tpu.memref_slice %arg4[%add3A_687, %dma_start3A_690] : memref<16384x2048xf32, #tpu.memory_space<hbm>> -> memref<16x2048xf32, #tpu.memory_space<hbm>>
    tpu.enqueue_dma source(%arg6 : memref<16x2048xf32, #tpu.memory_space<vmem>>) target(%dma_start3A_691 : memref<16x2048xf32, #tpu.memory_space<hbm>>) target_semaphore(%arg12 : memref<!tpu.dma_semaphore, #tpu.memory_space<semaphore_mem>>)
    %dma_wait3A_692 = arith.constant 0 : i32
    %dma_wait3A_693 = tpu.memref_slice %arg4[%add3A_687, %dma_wait3A_692] : memref<16384x2048xf32, #tpu.memory_space<hbm>> -> memref<16x2048xf32, #tpu.memory_space<hbm>>
    %dma_wait3A_694 = arith.constant 0 : i32
    %dma_wait3A_695 = tpu.memref_slice %arg4[%add3A_687, %dma_wait3A_694] : memref<16384x2048xf32, #tpu.memory_space<hbm>> -> memref<16x2048xf32, #tpu.memory_space<hbm>>
    tpu.wait_dma2 semaphore(%arg12 : memref<!tpu.dma_semaphore, #tpu.memory_space<semaphore_mem>>) src(%arg6 : memref<16x2048xf32, #tpu.memory_space<vmem>>) dst(%dma_wait3A_695 : memref<16x2048xf32, #tpu.memory_space<hbm>>)
    %dma_start3A_696 = arith.constant 336 : i32
    %dma_start3A_697 = tpu.memref_slice %arg5[%dma_start3A_696] : memref<512xi32, #tpu.memory_space<vmem>> -> memref<16xi32, #tpu.memory_space<vmem>>
    %dma_start3A_698 = arith.constant 0 : i32
    %dma_start3A_699 = arith.constant 0 : i32
    %dma_start3A_700 = tpu.memref_slice %arg2[%dma_start3A_698, %dma_start3A_699] : memref<16384x2048xf32, #tpu.memory_space<hbm>> -> memref<16384x2048xf32, #tpu.memory_space<hbm>>
    tpu.enqueue_indirect_dma source(%dma_start3A_700 : memref<16384x2048xf32, #tpu.memory_space<hbm>>) target(%arg6 : memref<16x2048xf32, #tpu.memory_space<vmem>>) offsets(%dma_start3A_697 : memref<16xi32, #tpu.memory_space<vmem>>) semaphore(%arg9 : memref<!tpu.dma_semaphore, #tpu.memory_space<semaphore_mem>>)
    %dma_wait3A_701 = arith.constant 304 : i32
    %dma_wait3A_702 = tpu.memref_slice %arg5[%dma_wait3A_701] : memref<512xi32, #tpu.memory_space<vmem>> -> memref<16xi32, #tpu.memory_space<vmem>>
    %dma_wait3A_703 = arith.constant 0 : i32
    %dma_wait3A_704 = arith.constant 0 : i32
    %dma_wait3A_705 = tpu.memref_slice %arg2[%dma_wait3A_703, %dma_wait3A_704] : memref<16384x2048xf32, #tpu.memory_space<hbm>> -> memref<16384x2048xf32, #tpu.memory_space<hbm>>
    tpu.wait_indirect_dma semaphore(%arg10 : memref<!tpu.dma_semaphore, #tpu.memory_space<semaphore_mem>>) src(%dma_wait3A_705 : memref<16384x2048xf32, #tpu.memory_space<hbm>>) dst(%arg7 : memref<16x2048xf32, #tpu.memory_space<vmem>>)
    %add3A_706 = arith.constant 304 : i32
    %add3A_707 = arith.addi %mul3A_2, %add3A_706 : i32
    %dma_start3A_708 = arith.constant 0 : i32
    %dma_start3A_709 = tpu.memref_slice %arg4[%add3A_707, %dma_start3A_708] : memref<16384x2048xf32, #tpu.memory_space<hbm>> -> memref<16x2048xf32, #tpu.memory_space<hbm>>
    %dma_start3A_710 = arith.constant 0 : i32
    %dma_start3A_711 = tpu.memref_slice %arg4[%add3A_707, %dma_start3A_710] : memref<16384x2048xf32, #tpu.memory_space<hbm>> -> memref<16x2048xf32, #tpu.memory_space<hbm>>
    tpu.enqueue_dma source(%arg7 : memref<16x2048xf32, #tpu.memory_space<vmem>>) target(%dma_start3A_711 : memref<16x2048xf32, #tpu.memory_space<hbm>>) target_semaphore(%arg13 : memref<!tpu.dma_semaphore, #tpu.memory_space<semaphore_mem>>)
    %dma_wait3A_712 = arith.constant 0 : i32
    %dma_wait3A_713 = tpu.memref_slice %arg4[%add3A_707, %dma_wait3A_712] : memref<16384x2048xf32, #tpu.memory_space<hbm>> -> memref<16x2048xf32, #tpu.memory_space<hbm>>
    %dma_wait3A_714 = arith.constant 0 : i32
    %dma_wait3A_715 = tpu.memref_slice %arg4[%add3A_707, %dma_wait3A_714] : memref<16384x2048xf32, #tpu.memory_space<hbm>> -> memref<16x2048xf32, #tpu.memory_space<hbm>>
    tpu.wait_dma2 semaphore(%arg13 : memref<!tpu.dma_semaphore, #tpu.memory_space<semaphore_mem>>) src(%arg7 : memref<16x2048xf32, #tpu.memory_space<vmem>>) dst(%dma_wait3A_715 : memref<16x2048xf32, #tpu.memory_space<hbm>>)
    %dma_start3A_716 = arith.constant 352 : i32
    %dma_start3A_717 = tpu.memref_slice %arg5[%dma_start3A_716] : memref<512xi32, #tpu.memory_space<vmem>> -> memref<16xi32, #tpu.memory_space<vmem>>
    %dma_start3A_718 = arith.constant 0 : i32
    %dma_start3A_719 = arith.constant 0 : i32
    %dma_start3A_720 = tpu.memref_slice %arg2[%dma_start3A_718, %dma_start3A_719] : memref<16384x2048xf32, #tpu.memory_space<hbm>> -> memref<16384x2048xf32, #tpu.memory_space<hbm>>
    tpu.enqueue_indirect_dma source(%dma_start3A_720 : memref<16384x2048xf32, #tpu.memory_space<hbm>>) target(%arg7 : memref<16x2048xf32, #tpu.memory_space<vmem>>) offsets(%dma_start3A_717 : memref<16xi32, #tpu.memory_space<vmem>>) semaphore(%arg10 : memref<!tpu.dma_semaphore, #tpu.memory_space<semaphore_mem>>)
    %dma_wait3A_721 = arith.constant 320 : i32
    %dma_wait3A_722 = tpu.memref_slice %arg5[%dma_wait3A_721] : memref<512xi32, #tpu.memory_space<vmem>> -> memref<16xi32, #tpu.memory_space<vmem>>
    %dma_wait3A_723 = arith.constant 0 : i32
    %dma_wait3A_724 = arith.constant 0 : i32
    %dma_wait3A_725 = tpu.memref_slice %arg2[%dma_wait3A_723, %dma_wait3A_724] : memref<16384x2048xf32, #tpu.memory_space<hbm>> -> memref<16384x2048xf32, #tpu.memory_space<hbm>>
    tpu.wait_indirect_dma semaphore(%arg11 : memref<!tpu.dma_semaphore, #tpu.memory_space<semaphore_mem>>) src(%dma_wait3A_725 : memref<16384x2048xf32, #tpu.memory_space<hbm>>) dst(%arg8 : memref<16x2048xf32, #tpu.memory_space<vmem>>)
    %add3A_726 = arith.constant 320 : i32
    %add3A_727 = arith.addi %mul3A_2, %add3A_726 : i32
    %dma_start3A_728 = arith.constant 0 : i32
    %dma_start3A_729 = tpu.memref_slice %arg4[%add3A_727, %dma_start3A_728] : memref<16384x2048xf32, #tpu.memory_space<hbm>> -> memref<16x2048xf32, #tpu.memory_space<hbm>>
    %dma_start3A_730 = arith.constant 0 : i32
    %dma_start3A_731 = tpu.memref_slice %arg4[%add3A_727, %dma_start3A_730] : memref<16384x2048xf32, #tpu.memory_space<hbm>> -> memref<16x2048xf32, #tpu.memory_space<hbm>>
    tpu.enqueue_dma source(%arg8 : memref<16x2048xf32, #tpu.memory_space<vmem>>) target(%dma_start3A_731 : memref<16x2048xf32, #tpu.memory_space<hbm>>) target_semaphore(%arg14 : memref<!tpu.dma_semaphore, #tpu.memory_space<semaphore_mem>>)
    %dma_wait3A_732 = arith.constant 0 : i32
    %dma_wait3A_733 = tpu.memref_slice %arg4[%add3A_727, %dma_wait3A_732] : memref<16384x2048xf32, #tpu.memory_space<hbm>> -> memref<16x2048xf32, #tpu.memory_space<hbm>>
    %dma_wait3A_734 = arith.constant 0 : i32
    %dma_wait3A_735 = tpu.memref_slice %arg4[%add3A_727, %dma_wait3A_734] : memref<16384x2048xf32, #tpu.memory_space<hbm>> -> memref<16x2048xf32, #tpu.memory_space<hbm>>
    tpu.wait_dma2 semaphore(%arg14 : memref<!tpu.dma_semaphore, #tpu.memory_space<semaphore_mem>>) src(%arg8 : memref<16x2048xf32, #tpu.memory_space<vmem>>) dst(%dma_wait3A_735 : memref<16x2048xf32, #tpu.memory_space<hbm>>)
    %dma_start3A_736 = arith.constant 368 : i32
    %dma_start3A_737 = tpu.memref_slice %arg5[%dma_start3A_736] : memref<512xi32, #tpu.memory_space<vmem>> -> memref<16xi32, #tpu.memory_space<vmem>>
    %dma_start3A_738 = arith.constant 0 : i32
    %dma_start3A_739 = arith.constant 0 : i32
    %dma_start3A_740 = tpu.memref_slice %arg2[%dma_start3A_738, %dma_start3A_739] : memref<16384x2048xf32, #tpu.memory_space<hbm>> -> memref<16384x2048xf32, #tpu.memory_space<hbm>>
    tpu.enqueue_indirect_dma source(%dma_start3A_740 : memref<16384x2048xf32, #tpu.memory_space<hbm>>) target(%arg8 : memref<16x2048xf32, #tpu.memory_space<vmem>>) offsets(%dma_start3A_737 : memref<16xi32, #tpu.memory_space<vmem>>) semaphore(%arg11 : memref<!tpu.dma_semaphore, #tpu.memory_space<semaphore_mem>>)
    %dma_wait3A_741 = arith.constant 336 : i32
    %dma_wait3A_742 = tpu.memref_slice %arg5[%dma_wait3A_741] : memref<512xi32, #tpu.memory_space<vmem>> -> memref<16xi32, #tpu.memory_space<vmem>>
    %dma_wait3A_743 = arith.constant 0 : i32
    %dma_wait3A_744 = arith.constant 0 : i32
    %dma_wait3A_745 = tpu.memref_slice %arg2[%dma_wait3A_743, %dma_wait3A_744] : memref<16384x2048xf32, #tpu.memory_space<hbm>> -> memref<16384x2048xf32, #tpu.memory_space<hbm>>
    tpu.wait_indirect_dma semaphore(%arg9 : memref<!tpu.dma_semaphore, #tpu.memory_space<semaphore_mem>>) src(%dma_wait3A_745 : memref<16384x2048xf32, #tpu.memory_space<hbm>>) dst(%arg6 : memref<16x2048xf32, #tpu.memory_space<vmem>>)
    %add3A_746 = arith.constant 336 : i32
    %add3A_747 = arith.addi %mul3A_2, %add3A_746 : i32
    %dma_start3A_748 = arith.constant 0 : i32
    %dma_start3A_749 = tpu.memref_slice %arg4[%add3A_747, %dma_start3A_748] : memref<16384x2048xf32, #tpu.memory_space<hbm>> -> memref<16x2048xf32, #tpu.memory_space<hbm>>
    %dma_start3A_750 = arith.constant 0 : i32
    %dma_start3A_751 = tpu.memref_slice %arg4[%add3A_747, %dma_start3A_750] : memref<16384x2048xf32, #tpu.memory_space<hbm>> -> memref<16x2048xf32, #tpu.memory_space<hbm>>
    tpu.enqueue_dma source(%arg6 : memref<16x2048xf32, #tpu.memory_space<vmem>>) target(%dma_start3A_751 : memref<16x2048xf32, #tpu.memory_space<hbm>>) target_semaphore(%arg12 : memref<!tpu.dma_semaphore, #tpu.memory_space<semaphore_mem>>)
    %dma_wait3A_752 = arith.constant 0 : i32
    %dma_wait3A_753 = tpu.memref_slice %arg4[%add3A_747, %dma_wait3A_752] : memref<16384x2048xf32, #tpu.memory_space<hbm>> -> memref<16x2048xf32, #tpu.memory_space<hbm>>
    %dma_wait3A_754 = arith.constant 0 : i32
    %dma_wait3A_755 = tpu.memref_slice %arg4[%add3A_747, %dma_wait3A_754] : memref<16384x2048xf32, #tpu.memory_space<hbm>> -> memref<16x2048xf32, #tpu.memory_space<hbm>>
    tpu.wait_dma2 semaphore(%arg12 : memref<!tpu.dma_semaphore, #tpu.memory_space<semaphore_mem>>) src(%arg6 : memref<16x2048xf32, #tpu.memory_space<vmem>>) dst(%dma_wait3A_755 : memref<16x2048xf32, #tpu.memory_space<hbm>>)
    %dma_start3A_756 = arith.constant 384 : i32
    %dma_start3A_757 = tpu.memref_slice %arg5[%dma_start3A_756] : memref<512xi32, #tpu.memory_space<vmem>> -> memref<16xi32, #tpu.memory_space<vmem>>
    %dma_start3A_758 = arith.constant 0 : i32
    %dma_start3A_759 = arith.constant 0 : i32
    %dma_start3A_760 = tpu.memref_slice %arg2[%dma_start3A_758, %dma_start3A_759] : memref<16384x2048xf32, #tpu.memory_space<hbm>> -> memref<16384x2048xf32, #tpu.memory_space<hbm>>
    tpu.enqueue_indirect_dma source(%dma_start3A_760 : memref<16384x2048xf32, #tpu.memory_space<hbm>>) target(%arg6 : memref<16x2048xf32, #tpu.memory_space<vmem>>) offsets(%dma_start3A_757 : memref<16xi32, #tpu.memory_space<vmem>>) semaphore(%arg9 : memref<!tpu.dma_semaphore, #tpu.memory_space<semaphore_mem>>)
    %dma_wait3A_761 = arith.constant 352 : i32
    %dma_wait3A_762 = tpu.memref_slice %arg5[%dma_wait3A_761] : memref<512xi32, #tpu.memory_space<vmem>> -> memref<16xi32, #tpu.memory_space<vmem>>
    %dma_wait3A_763 = arith.constant 0 : i32
    %dma_wait3A_764 = arith.constant 0 : i32
    %dma_wait3A_765 = tpu.memref_slice %arg2[%dma_wait3A_763, %dma_wait3A_764] : memref<16384x2048xf32, #tpu.memory_space<hbm>> -> memref<16384x2048xf32, #tpu.memory_space<hbm>>
    tpu.wait_indirect_dma semaphore(%arg10 : memref<!tpu.dma_semaphore, #tpu.memory_space<semaphore_mem>>) src(%dma_wait3A_765 : memref<16384x2048xf32, #tpu.memory_space<hbm>>) dst(%arg7 : memref<16x2048xf32, #tpu.memory_space<vmem>>)
    %add3A_766 = arith.constant 352 : i32
    %add3A_767 = arith.addi %mul3A_2, %add3A_766 : i32
    %dma_start3A_768 = arith.constant 0 : i32
    %dma_start3A_769 = tpu.memref_slice %arg4[%add3A_767, %dma_start3A_768] : memref<16384x2048xf32, #tpu.memory_space<hbm>> -> memref<16x2048xf32, #tpu.memory_space<hbm>>
    %dma_start3A_770 = arith.constant 0 : i32
    %dma_start3A_771 = tpu.memref_slice %arg4[%add3A_767, %dma_start3A_770] : memref<16384x2048xf32, #tpu.memory_space<hbm>> -> memref<16x2048xf32, #tpu.memory_space<hbm>>
    tpu.enqueue_dma source(%arg7 : memref<16x2048xf32, #tpu.memory_space<vmem>>) target(%dma_start3A_771 : memref<16x2048xf32, #tpu.memory_space<hbm>>) target_semaphore(%arg13 : memref<!tpu.dma_semaphore, #tpu.memory_space<semaphore_mem>>)
    %dma_wait3A_772 = arith.constant 0 : i32
    %dma_wait3A_773 = tpu.memref_slice %arg4[%add3A_767, %dma_wait3A_772] : memref<16384x2048xf32, #tpu.memory_space<hbm>> -> memref<16x2048xf32, #tpu.memory_space<hbm>>
    %dma_wait3A_774 = arith.constant 0 : i32
    %dma_wait3A_775 = tpu.memref_slice %arg4[%add3A_767, %dma_wait3A_774] : memref<16384x2048xf32, #tpu.memory_space<hbm>> -> memref<16x2048xf32, #tpu.memory_space<hbm>>
    tpu.wait_dma2 semaphore(%arg13 : memref<!tpu.dma_semaphore, #tpu.memory_space<semaphore_mem>>) src(%arg7 : memref<16x2048xf32, #tpu.memory_space<vmem>>) dst(%dma_wait3A_775 : memref<16x2048xf32, #tpu.memory_space<hbm>>)
    %dma_start3A_776 = arith.constant 400 : i32
    %dma_start3A_777 = tpu.memref_slice %arg5[%dma_start3A_776] : memref<512xi32, #tpu.memory_space<vmem>> -> memref<16xi32, #tpu.memory_space<vmem>>
    %dma_start3A_778 = arith.constant 0 : i32
    %dma_start3A_779 = arith.constant 0 : i32
    %dma_start3A_780 = tpu.memref_slice %arg2[%dma_start3A_778, %dma_start3A_779] : memref<16384x2048xf32, #tpu.memory_space<hbm>> -> memref<16384x2048xf32, #tpu.memory_space<hbm>>
    tpu.enqueue_indirect_dma source(%dma_start3A_780 : memref<16384x2048xf32, #tpu.memory_space<hbm>>) target(%arg7 : memref<16x2048xf32, #tpu.memory_space<vmem>>) offsets(%dma_start3A_777 : memref<16xi32, #tpu.memory_space<vmem>>) semaphore(%arg10 : memref<!tpu.dma_semaphore, #tpu.memory_space<semaphore_mem>>)
    %dma_wait3A_781 = arith.constant 368 : i32
    %dma_wait3A_782 = tpu.memref_slice %arg5[%dma_wait3A_781] : memref<512xi32, #tpu.memory_space<vmem>> -> memref<16xi32, #tpu.memory_space<vmem>>
    %dma_wait3A_783 = arith.constant 0 : i32
    %dma_wait3A_784 = arith.constant 0 : i32
    %dma_wait3A_785 = tpu.memref_slice %arg2[%dma_wait3A_783, %dma_wait3A_784] : memref<16384x2048xf32, #tpu.memory_space<hbm>> -> memref<16384x2048xf32, #tpu.memory_space<hbm>>
    tpu.wait_indirect_dma semaphore(%arg11 : memref<!tpu.dma_semaphore, #tpu.memory_space<semaphore_mem>>) src(%dma_wait3A_785 : memref<16384x2048xf32, #tpu.memory_space<hbm>>) dst(%arg8 : memref<16x2048xf32, #tpu.memory_space<vmem>>)
    %add3A_786 = arith.constant 368 : i32
    %add3A_787 = arith.addi %mul3A_2, %add3A_786 : i32
    %dma_start3A_788 = arith.constant 0 : i32
    %dma_start3A_789 = tpu.memref_slice %arg4[%add3A_787, %dma_start3A_788] : memref<16384x2048xf32, #tpu.memory_space<hbm>> -> memref<16x2048xf32, #tpu.memory_space<hbm>>
    %dma_start3A_790 = arith.constant 0 : i32
    %dma_start3A_791 = tpu.memref_slice %arg4[%add3A_787, %dma_start3A_790] : memref<16384x2048xf32, #tpu.memory_space<hbm>> -> memref<16x2048xf32, #tpu.memory_space<hbm>>
    tpu.enqueue_dma source(%arg8 : memref<16x2048xf32, #tpu.memory_space<vmem>>) target(%dma_start3A_791 : memref<16x2048xf32, #tpu.memory_space<hbm>>) target_semaphore(%arg14 : memref<!tpu.dma_semaphore, #tpu.memory_space<semaphore_mem>>)
    %dma_wait3A_792 = arith.constant 0 : i32
    %dma_wait3A_793 = tpu.memref_slice %arg4[%add3A_787, %dma_wait3A_792] : memref<16384x2048xf32, #tpu.memory_space<hbm>> -> memref<16x2048xf32, #tpu.memory_space<hbm>>
    %dma_wait3A_794 = arith.constant 0 : i32
    %dma_wait3A_795 = tpu.memref_slice %arg4[%add3A_787, %dma_wait3A_794] : memref<16384x2048xf32, #tpu.memory_space<hbm>> -> memref<16x2048xf32, #tpu.memory_space<hbm>>
    tpu.wait_dma2 semaphore(%arg14 : memref<!tpu.dma_semaphore, #tpu.memory_space<semaphore_mem>>) src(%arg8 : memref<16x2048xf32, #tpu.memory_space<vmem>>) dst(%dma_wait3A_795 : memref<16x2048xf32, #tpu.memory_space<hbm>>)
    %dma_start3A_796 = arith.constant 416 : i32
    %dma_start3A_797 = tpu.memref_slice %arg5[%dma_start3A_796] : memref<512xi32, #tpu.memory_space<vmem>> -> memref<16xi32, #tpu.memory_space<vmem>>
    %dma_start3A_798 = arith.constant 0 : i32
    %dma_start3A_799 = arith.constant 0 : i32
    %dma_start3A_800 = tpu.memref_slice %arg2[%dma_start3A_798, %dma_start3A_799] : memref<16384x2048xf32, #tpu.memory_space<hbm>> -> memref<16384x2048xf32, #tpu.memory_space<hbm>>
    tpu.enqueue_indirect_dma source(%dma_start3A_800 : memref<16384x2048xf32, #tpu.memory_space<hbm>>) target(%arg8 : memref<16x2048xf32, #tpu.memory_space<vmem>>) offsets(%dma_start3A_797 : memref<16xi32, #tpu.memory_space<vmem>>) semaphore(%arg11 : memref<!tpu.dma_semaphore, #tpu.memory_space<semaphore_mem>>)
    %dma_wait3A_801 = arith.constant 384 : i32
    %dma_wait3A_802 = tpu.memref_slice %arg5[%dma_wait3A_801] : memref<512xi32, #tpu.memory_space<vmem>> -> memref<16xi32, #tpu.memory_space<vmem>>
    %dma_wait3A_803 = arith.constant 0 : i32
    %dma_wait3A_804 = arith.constant 0 : i32
    %dma_wait3A_805 = tpu.memref_slice %arg2[%dma_wait3A_803, %dma_wait3A_804] : memref<16384x2048xf32, #tpu.memory_space<hbm>> -> memref<16384x2048xf32, #tpu.memory_space<hbm>>
    tpu.wait_indirect_dma semaphore(%arg9 : memref<!tpu.dma_semaphore, #tpu.memory_space<semaphore_mem>>) src(%dma_wait3A_805 : memref<16384x2048xf32, #tpu.memory_space<hbm>>) dst(%arg6 : memref<16x2048xf32, #tpu.memory_space<vmem>>)
    %add3A_806 = arith.constant 384 : i32
    %add3A_807 = arith.addi %mul3A_2, %add3A_806 : i32
    %dma_start3A_808 = arith.constant 0 : i32
    %dma_start3A_809 = tpu.memref_slice %arg4[%add3A_807, %dma_start3A_808] : memref<16384x2048xf32, #tpu.memory_space<hbm>> -> memref<16x2048xf32, #tpu.memory_space<hbm>>
    %dma_start3A_810 = arith.constant 0 : i32
    %dma_start3A_811 = tpu.memref_slice %arg4[%add3A_807, %dma_start3A_810] : memref<16384x2048xf32, #tpu.memory_space<hbm>> -> memref<16x2048xf32, #tpu.memory_space<hbm>>
    tpu.enqueue_dma source(%arg6 : memref<16x2048xf32, #tpu.memory_space<vmem>>) target(%dma_start3A_811 : memref<16x2048xf32, #tpu.memory_space<hbm>>) target_semaphore(%arg12 : memref<!tpu.dma_semaphore, #tpu.memory_space<semaphore_mem>>)
    %dma_wait3A_812 = arith.constant 0 : i32
    %dma_wait3A_813 = tpu.memref_slice %arg4[%add3A_807, %dma_wait3A_812] : memref<16384x2048xf32, #tpu.memory_space<hbm>> -> memref<16x2048xf32, #tpu.memory_space<hbm>>
    %dma_wait3A_814 = arith.constant 0 : i32
    %dma_wait3A_815 = tpu.memref_slice %arg4[%add3A_807, %dma_wait3A_814] : memref<16384x2048xf32, #tpu.memory_space<hbm>> -> memref<16x2048xf32, #tpu.memory_space<hbm>>
    tpu.wait_dma2 semaphore(%arg12 : memref<!tpu.dma_semaphore, #tpu.memory_space<semaphore_mem>>) src(%arg6 : memref<16x2048xf32, #tpu.memory_space<vmem>>) dst(%dma_wait3A_815 : memref<16x2048xf32, #tpu.memory_space<hbm>>)
    %dma_start3A_816 = arith.constant 432 : i32
    %dma_start3A_817 = tpu.memref_slice %arg5[%dma_start3A_816] : memref<512xi32, #tpu.memory_space<vmem>> -> memref<16xi32, #tpu.memory_space<vmem>>
    %dma_start3A_818 = arith.constant 0 : i32
    %dma_start3A_819 = arith.constant 0 : i32
    %dma_start3A_820 = tpu.memref_slice %arg2[%dma_start3A_818, %dma_start3A_819] : memref<16384x2048xf32, #tpu.memory_space<hbm>> -> memref<16384x2048xf32, #tpu.memory_space<hbm>>
    tpu.enqueue_indirect_dma source(%dma_start3A_820 : memref<16384x2048xf32, #tpu.memory_space<hbm>>) target(%arg6 : memref<16x2048xf32, #tpu.memory_space<vmem>>) offsets(%dma_start3A_817 : memref<16xi32, #tpu.memory_space<vmem>>) semaphore(%arg9 : memref<!tpu.dma_semaphore, #tpu.memory_space<semaphore_mem>>)
    %dma_wait3A_821 = arith.constant 400 : i32
    %dma_wait3A_822 = tpu.memref_slice %arg5[%dma_wait3A_821] : memref<512xi32, #tpu.memory_space<vmem>> -> memref<16xi32, #tpu.memory_space<vmem>>
    %dma_wait3A_823 = arith.constant 0 : i32
    %dma_wait3A_824 = arith.constant 0 : i32
    %dma_wait3A_825 = tpu.memref_slice %arg2[%dma_wait3A_823, %dma_wait3A_824] : memref<16384x2048xf32, #tpu.memory_space<hbm>> -> memref<16384x2048xf32, #tpu.memory_space<hbm>>
    tpu.wait_indirect_dma semaphore(%arg10 : memref<!tpu.dma_semaphore, #tpu.memory_space<semaphore_mem>>) src(%dma_wait3A_825 : memref<16384x2048xf32, #tpu.memory_space<hbm>>) dst(%arg7 : memref<16x2048xf32, #tpu.memory_space<vmem>>)
    %add3A_826 = arith.constant 400 : i32
    %add3A_827 = arith.addi %mul3A_2, %add3A_826 : i32
    %dma_start3A_828 = arith.constant 0 : i32
    %dma_start3A_829 = tpu.memref_slice %arg4[%add3A_827, %dma_start3A_828] : memref<16384x2048xf32, #tpu.memory_space<hbm>> -> memref<16x2048xf32, #tpu.memory_space<hbm>>
    %dma_start3A_830 = arith.constant 0 : i32
    %dma_start3A_831 = tpu.memref_slice %arg4[%add3A_827, %dma_start3A_830] : memref<16384x2048xf32, #tpu.memory_space<hbm>> -> memref<16x2048xf32, #tpu.memory_space<hbm>>
    tpu.enqueue_dma source(%arg7 : memref<16x2048xf32, #tpu.memory_space<vmem>>) target(%dma_start3A_831 : memref<16x2048xf32, #tpu.memory_space<hbm>>) target_semaphore(%arg13 : memref<!tpu.dma_semaphore, #tpu.memory_space<semaphore_mem>>)
    %dma_wait3A_832 = arith.constant 0 : i32
    %dma_wait3A_833 = tpu.memref_slice %arg4[%add3A_827, %dma_wait3A_832] : memref<16384x2048xf32, #tpu.memory_space<hbm>> -> memref<16x2048xf32, #tpu.memory_space<hbm>>
    %dma_wait3A_834 = arith.constant 0 : i32
    %dma_wait3A_835 = tpu.memref_slice %arg4[%add3A_827, %dma_wait3A_834] : memref<16384x2048xf32, #tpu.memory_space<hbm>> -> memref<16x2048xf32, #tpu.memory_space<hbm>>
    tpu.wait_dma2 semaphore(%arg13 : memref<!tpu.dma_semaphore, #tpu.memory_space<semaphore_mem>>) src(%arg7 : memref<16x2048xf32, #tpu.memory_space<vmem>>) dst(%dma_wait3A_835 : memref<16x2048xf32, #tpu.memory_space<hbm>>)
    %dma_start3A_836 = arith.constant 448 : i32
    %dma_start3A_837 = tpu.memref_slice %arg5[%dma_start3A_836] : memref<512xi32, #tpu.memory_space<vmem>> -> memref<16xi32, #tpu.memory_space<vmem>>
    %dma_start3A_838 = arith.constant 0 : i32
    %dma_start3A_839 = arith.constant 0 : i32
    %dma_start3A_840 = tpu.memref_slice %arg2[%dma_start3A_838, %dma_start3A_839] : memref<16384x2048xf32, #tpu.memory_space<hbm>> -> memref<16384x2048xf32, #tpu.memory_space<hbm>>
    tpu.enqueue_indirect_dma source(%dma_start3A_840 : memref<16384x2048xf32, #tpu.memory_space<hbm>>) target(%arg7 : memref<16x2048xf32, #tpu.memory_space<vmem>>) offsets(%dma_start3A_837 : memref<16xi32, #tpu.memory_space<vmem>>) semaphore(%arg10 : memref<!tpu.dma_semaphore, #tpu.memory_space<semaphore_mem>>)
    %dma_wait3A_841 = arith.constant 416 : i32
    %dma_wait3A_842 = tpu.memref_slice %arg5[%dma_wait3A_841] : memref<512xi32, #tpu.memory_space<vmem>> -> memref<16xi32, #tpu.memory_space<vmem>>
    %dma_wait3A_843 = arith.constant 0 : i32
    %dma_wait3A_844 = arith.constant 0 : i32
    %dma_wait3A_845 = tpu.memref_slice %arg2[%dma_wait3A_843, %dma_wait3A_844] : memref<16384x2048xf32, #tpu.memory_space<hbm>> -> memref<16384x2048xf32, #tpu.memory_space<hbm>>
    tpu.wait_indirect_dma semaphore(%arg11 : memref<!tpu.dma_semaphore, #tpu.memory_space<semaphore_mem>>) src(%dma_wait3A_845 : memref<16384x2048xf32, #tpu.memory_space<hbm>>) dst(%arg8 : memref<16x2048xf32, #tpu.memory_space<vmem>>)
    %add3A_846 = arith.constant 416 : i32
    %add3A_847 = arith.addi %mul3A_2, %add3A_846 : i32
    %dma_start3A_848 = arith.constant 0 : i32
    %dma_start3A_849 = tpu.memref_slice %arg4[%add3A_847, %dma_start3A_848] : memref<16384x2048xf32, #tpu.memory_space<hbm>> -> memref<16x2048xf32, #tpu.memory_space<hbm>>
    %dma_start3A_850 = arith.constant 0 : i32
    %dma_start3A_851 = tpu.memref_slice %arg4[%add3A_847, %dma_start3A_850] : memref<16384x2048xf32, #tpu.memory_space<hbm>> -> memref<16x2048xf32, #tpu.memory_space<hbm>>
    tpu.enqueue_dma source(%arg8 : memref<16x2048xf32, #tpu.memory_space<vmem>>) target(%dma_start3A_851 : memref<16x2048xf32, #tpu.memory_space<hbm>>) target_semaphore(%arg14 : memref<!tpu.dma_semaphore, #tpu.memory_space<semaphore_mem>>)
    %dma_wait3A_852 = arith.constant 0 : i32
    %dma_wait3A_853 = tpu.memref_slice %arg4[%add3A_847, %dma_wait3A_852] : memref<16384x2048xf32, #tpu.memory_space<hbm>> -> memref<16x2048xf32, #tpu.memory_space<hbm>>
    %dma_wait3A_854 = arith.constant 0 : i32
    %dma_wait3A_855 = tpu.memref_slice %arg4[%add3A_847, %dma_wait3A_854] : memref<16384x2048xf32, #tpu.memory_space<hbm>> -> memref<16x2048xf32, #tpu.memory_space<hbm>>
    tpu.wait_dma2 semaphore(%arg14 : memref<!tpu.dma_semaphore, #tpu.memory_space<semaphore_mem>>) src(%arg8 : memref<16x2048xf32, #tpu.memory_space<vmem>>) dst(%dma_wait3A_855 : memref<16x2048xf32, #tpu.memory_space<hbm>>)
    %dma_start3A_856 = arith.constant 464 : i32
    %dma_start3A_857 = tpu.memref_slice %arg5[%dma_start3A_856] : memref<512xi32, #tpu.memory_space<vmem>> -> memref<16xi32, #tpu.memory_space<vmem>>
    %dma_start3A_858 = arith.constant 0 : i32
    %dma_start3A_859 = arith.constant 0 : i32
    %dma_start3A_860 = tpu.memref_slice %arg2[%dma_start3A_858, %dma_start3A_859] : memref<16384x2048xf32, #tpu.memory_space<hbm>> -> memref<16384x2048xf32, #tpu.memory_space<hbm>>
    tpu.enqueue_indirect_dma source(%dma_start3A_860 : memref<16384x2048xf32, #tpu.memory_space<hbm>>) target(%arg8 : memref<16x2048xf32, #tpu.memory_space<vmem>>) offsets(%dma_start3A_857 : memref<16xi32, #tpu.memory_space<vmem>>) semaphore(%arg11 : memref<!tpu.dma_semaphore, #tpu.memory_space<semaphore_mem>>)
    %dma_wait3A_861 = arith.constant 432 : i32
    %dma_wait3A_862 = tpu.memref_slice %arg5[%dma_wait3A_861] : memref<512xi32, #tpu.memory_space<vmem>> -> memref<16xi32, #tpu.memory_space<vmem>>
    %dma_wait3A_863 = arith.constant 0 : i32
    %dma_wait3A_864 = arith.constant 0 : i32
    %dma_wait3A_865 = tpu.memref_slice %arg2[%dma_wait3A_863, %dma_wait3A_864] : memref<16384x2048xf32, #tpu.memory_space<hbm>> -> memref<16384x2048xf32, #tpu.memory_space<hbm>>
    tpu.wait_indirect_dma semaphore(%arg9 : memref<!tpu.dma_semaphore, #tpu.memory_space<semaphore_mem>>) src(%dma_wait3A_865 : memref<16384x2048xf32, #tpu.memory_space<hbm>>) dst(%arg6 : memref<16x2048xf32, #tpu.memory_space<vmem>>)
    %add3A_866 = arith.constant 432 : i32
    %add3A_867 = arith.addi %mul3A_2, %add3A_866 : i32
    %dma_start3A_868 = arith.constant 0 : i32
    %dma_start3A_869 = tpu.memref_slice %arg4[%add3A_867, %dma_start3A_868] : memref<16384x2048xf32, #tpu.memory_space<hbm>> -> memref<16x2048xf32, #tpu.memory_space<hbm>>
    %dma_start3A_870 = arith.constant 0 : i32
    %dma_start3A_871 = tpu.memref_slice %arg4[%add3A_867, %dma_start3A_870] : memref<16384x2048xf32, #tpu.memory_space<hbm>> -> memref<16x2048xf32, #tpu.memory_space<hbm>>
    tpu.enqueue_dma source(%arg6 : memref<16x2048xf32, #tpu.memory_space<vmem>>) target(%dma_start3A_871 : memref<16x2048xf32, #tpu.memory_space<hbm>>) target_semaphore(%arg12 : memref<!tpu.dma_semaphore, #tpu.memory_space<semaphore_mem>>)
    %dma_wait3A_872 = arith.constant 0 : i32
    %dma_wait3A_873 = tpu.memref_slice %arg4[%add3A_867, %dma_wait3A_872] : memref<16384x2048xf32, #tpu.memory_space<hbm>> -> memref<16x2048xf32, #tpu.memory_space<hbm>>
    %dma_wait3A_874 = arith.constant 0 : i32
    %dma_wait3A_875 = tpu.memref_slice %arg4[%add3A_867, %dma_wait3A_874] : memref<16384x2048xf32, #tpu.memory_space<hbm>> -> memref<16x2048xf32, #tpu.memory_space<hbm>>
    tpu.wait_dma2 semaphore(%arg12 : memref<!tpu.dma_semaphore, #tpu.memory_space<semaphore_mem>>) src(%arg6 : memref<16x2048xf32, #tpu.memory_space<vmem>>) dst(%dma_wait3A_875 : memref<16x2048xf32, #tpu.memory_space<hbm>>)
    %dma_start3A_876 = arith.constant 480 : i32
    %dma_start3A_877 = tpu.memref_slice %arg5[%dma_start3A_876] : memref<512xi32, #tpu.memory_space<vmem>> -> memref<16xi32, #tpu.memory_space<vmem>>
    %dma_start3A_878 = arith.constant 0 : i32
    %dma_start3A_879 = arith.constant 0 : i32
    %dma_start3A_880 = tpu.memref_slice %arg2[%dma_start3A_878, %dma_start3A_879] : memref<16384x2048xf32, #tpu.memory_space<hbm>> -> memref<16384x2048xf32, #tpu.memory_space<hbm>>
    tpu.enqueue_indirect_dma source(%dma_start3A_880 : memref<16384x2048xf32, #tpu.memory_space<hbm>>) target(%arg6 : memref<16x2048xf32, #tpu.memory_space<vmem>>) offsets(%dma_start3A_877 : memref<16xi32, #tpu.memory_space<vmem>>) semaphore(%arg9 : memref<!tpu.dma_semaphore, #tpu.memory_space<semaphore_mem>>)
    %dma_wait3A_881 = arith.constant 448 : i32
    %dma_wait3A_882 = tpu.memref_slice %arg5[%dma_wait3A_881] : memref<512xi32, #tpu.memory_space<vmem>> -> memref<16xi32, #tpu.memory_space<vmem>>
    %dma_wait3A_883 = arith.constant 0 : i32
    %dma_wait3A_884 = arith.constant 0 : i32
    %dma_wait3A_885 = tpu.memref_slice %arg2[%dma_wait3A_883, %dma_wait3A_884] : memref<16384x2048xf32, #tpu.memory_space<hbm>> -> memref<16384x2048xf32, #tpu.memory_space<hbm>>
    tpu.wait_indirect_dma semaphore(%arg10 : memref<!tpu.dma_semaphore, #tpu.memory_space<semaphore_mem>>) src(%dma_wait3A_885 : memref<16384x2048xf32, #tpu.memory_space<hbm>>) dst(%arg7 : memref<16x2048xf32, #tpu.memory_space<vmem>>)
    %add3A_886 = arith.constant 448 : i32
    %add3A_887 = arith.addi %mul3A_2, %add3A_886 : i32
    %dma_start3A_888 = arith.constant 0 : i32
    %dma_start3A_889 = tpu.memref_slice %arg4[%add3A_887, %dma_start3A_888] : memref<16384x2048xf32, #tpu.memory_space<hbm>> -> memref<16x2048xf32, #tpu.memory_space<hbm>>
    %dma_start3A_890 = arith.constant 0 : i32
    %dma_start3A_891 = tpu.memref_slice %arg4[%add3A_887, %dma_start3A_890] : memref<16384x2048xf32, #tpu.memory_space<hbm>> -> memref<16x2048xf32, #tpu.memory_space<hbm>>
    tpu.enqueue_dma source(%arg7 : memref<16x2048xf32, #tpu.memory_space<vmem>>) target(%dma_start3A_891 : memref<16x2048xf32, #tpu.memory_space<hbm>>) target_semaphore(%arg13 : memref<!tpu.dma_semaphore, #tpu.memory_space<semaphore_mem>>)
    %dma_wait3A_892 = arith.constant 0 : i32
    %dma_wait3A_893 = tpu.memref_slice %arg4[%add3A_887, %dma_wait3A_892] : memref<16384x2048xf32, #tpu.memory_space<hbm>> -> memref<16x2048xf32, #tpu.memory_space<hbm>>
    %dma_wait3A_894 = arith.constant 0 : i32
    %dma_wait3A_895 = tpu.memref_slice %arg4[%add3A_887, %dma_wait3A_894] : memref<16384x2048xf32, #tpu.memory_space<hbm>> -> memref<16x2048xf32, #tpu.memory_space<hbm>>
    tpu.wait_dma2 semaphore(%arg13 : memref<!tpu.dma_semaphore, #tpu.memory_space<semaphore_mem>>) src(%arg7 : memref<16x2048xf32, #tpu.memory_space<vmem>>) dst(%dma_wait3A_895 : memref<16x2048xf32, #tpu.memory_space<hbm>>)
    %dma_start3A_896 = arith.constant 496 : i32
    %dma_start3A_897 = tpu.memref_slice %arg5[%dma_start3A_896] : memref<512xi32, #tpu.memory_space<vmem>> -> memref<16xi32, #tpu.memory_space<vmem>>
    %dma_start3A_898 = arith.constant 0 : i32
    %dma_start3A_899 = arith.constant 0 : i32
    %dma_start3A_900 = tpu.memref_slice %arg2[%dma_start3A_898, %dma_start3A_899] : memref<16384x2048xf32, #tpu.memory_space<hbm>> -> memref<16384x2048xf32, #tpu.memory_space<hbm>>
    tpu.enqueue_indirect_dma source(%dma_start3A_900 : memref<16384x2048xf32, #tpu.memory_space<hbm>>) target(%arg7 : memref<16x2048xf32, #tpu.memory_space<vmem>>) offsets(%dma_start3A_897 : memref<16xi32, #tpu.memory_space<vmem>>) semaphore(%arg10 : memref<!tpu.dma_semaphore, #tpu.memory_space<semaphore_mem>>)
    %dma_wait3A_901 = arith.constant 464 : i32
    %dma_wait3A_902 = tpu.memref_slice %arg5[%dma_wait3A_901] : memref<512xi32, #tpu.memory_space<vmem>> -> memref<16xi32, #tpu.memory_space<vmem>>
    %dma_wait3A_903 = arith.constant 0 : i32
    %dma_wait3A_904 = arith.constant 0 : i32
    %dma_wait3A_905 = tpu.memref_slice %arg2[%dma_wait3A_903, %dma_wait3A_904] : memref<16384x2048xf32, #tpu.memory_space<hbm>> -> memref<16384x2048xf32, #tpu.memory_space<hbm>>
    tpu.wait_indirect_dma semaphore(%arg11 : memref<!tpu.dma_semaphore, #tpu.memory_space<semaphore_mem>>) src(%dma_wait3A_905 : memref<16384x2048xf32, #tpu.memory_space<hbm>>) dst(%arg8 : memref<16x2048xf32, #tpu.memory_space<vmem>>)
    %add3A_906 = arith.constant 464 : i32
    %add3A_907 = arith.addi %mul3A_2, %add3A_906 : i32
    %dma_start3A_908 = arith.constant 0 : i32
    %dma_start3A_909 = tpu.memref_slice %arg4[%add3A_907, %dma_start3A_908] : memref<16384x2048xf32, #tpu.memory_space<hbm>> -> memref<16x2048xf32, #tpu.memory_space<hbm>>
    %dma_start3A_910 = arith.constant 0 : i32
    %dma_start3A_911 = tpu.memref_slice %arg4[%add3A_907, %dma_start3A_910] : memref<16384x2048xf32, #tpu.memory_space<hbm>> -> memref<16x2048xf32, #tpu.memory_space<hbm>>
    tpu.enqueue_dma source(%arg8 : memref<16x2048xf32, #tpu.memory_space<vmem>>) target(%dma_start3A_911 : memref<16x2048xf32, #tpu.memory_space<hbm>>) target_semaphore(%arg14 : memref<!tpu.dma_semaphore, #tpu.memory_space<semaphore_mem>>)
    %dma_wait3A_912 = arith.constant 480 : i32
    %dma_wait3A_913 = tpu.memref_slice %arg5[%dma_wait3A_912] : memref<512xi32, #tpu.memory_space<vmem>> -> memref<16xi32, #tpu.memory_space<vmem>>
    %dma_wait3A_914 = arith.constant 0 : i32
    %dma_wait3A_915 = arith.constant 0 : i32
    %dma_wait3A_916 = tpu.memref_slice %arg2[%dma_wait3A_914, %dma_wait3A_915] : memref<16384x2048xf32, #tpu.memory_space<hbm>> -> memref<16384x2048xf32, #tpu.memory_space<hbm>>
    tpu.wait_indirect_dma semaphore(%arg9 : memref<!tpu.dma_semaphore, #tpu.memory_space<semaphore_mem>>) src(%dma_wait3A_916 : memref<16384x2048xf32, #tpu.memory_space<hbm>>) dst(%arg6 : memref<16x2048xf32, #tpu.memory_space<vmem>>)
    %add3A_917 = arith.constant 480 : i32
    %add3A_918 = arith.addi %mul3A_2, %add3A_917 : i32
    %dma_start3A_919 = arith.constant 0 : i32
    %dma_start3A_920 = tpu.memref_slice %arg4[%add3A_918, %dma_start3A_919] : memref<16384x2048xf32, #tpu.memory_space<hbm>> -> memref<16x2048xf32, #tpu.memory_space<hbm>>
    %dma_start3A_921 = arith.constant 0 : i32
    %dma_start3A_922 = tpu.memref_slice %arg4[%add3A_918, %dma_start3A_921] : memref<16384x2048xf32, #tpu.memory_space<hbm>> -> memref<16x2048xf32, #tpu.memory_space<hbm>>
    tpu.enqueue_dma source(%arg6 : memref<16x2048xf32, #tpu.memory_space<vmem>>) target(%dma_start3A_922 : memref<16x2048xf32, #tpu.memory_space<hbm>>) target_semaphore(%arg12 : memref<!tpu.dma_semaphore, #tpu.memory_space<semaphore_mem>>)
    %dma_wait3A_923 = arith.constant 496 : i32
    %dma_wait3A_924 = tpu.memref_slice %arg5[%dma_wait3A_923] : memref<512xi32, #tpu.memory_space<vmem>> -> memref<16xi32, #tpu.memory_space<vmem>>
    %dma_wait3A_925 = arith.constant 0 : i32
    %dma_wait3A_926 = arith.constant 0 : i32
    %dma_wait3A_927 = tpu.memref_slice %arg2[%dma_wait3A_925, %dma_wait3A_926] : memref<16384x2048xf32, #tpu.memory_space<hbm>> -> memref<16384x2048xf32, #tpu.memory_space<hbm>>
    tpu.wait_indirect_dma semaphore(%arg10 : memref<!tpu.dma_semaphore, #tpu.memory_space<semaphore_mem>>) src(%dma_wait3A_927 : memref<16384x2048xf32, #tpu.memory_space<hbm>>) dst(%arg7 : memref<16x2048xf32, #tpu.memory_space<vmem>>)
    %add3A_928 = arith.constant 496 : i32
    %add3A_929 = arith.addi %mul3A_2, %add3A_928 : i32
    %dma_start3A_930 = arith.constant 0 : i32
    %dma_start3A_931 = tpu.memref_slice %arg4[%add3A_929, %dma_start3A_930] : memref<16384x2048xf32, #tpu.memory_space<hbm>> -> memref<16x2048xf32, #tpu.memory_space<hbm>>
    %dma_start3A_932 = arith.constant 0 : i32
    %dma_start3A_933 = tpu.memref_slice %arg4[%add3A_929, %dma_start3A_932] : memref<16384x2048xf32, #tpu.memory_space<hbm>> -> memref<16x2048xf32, #tpu.memory_space<hbm>>
    tpu.enqueue_dma source(%arg7 : memref<16x2048xf32, #tpu.memory_space<vmem>>) target(%dma_start3A_933 : memref<16x2048xf32, #tpu.memory_space<hbm>>) target_semaphore(%arg13 : memref<!tpu.dma_semaphore, #tpu.memory_space<semaphore_mem>>)
    %dma_wait3A_934 = arith.constant 0 : i32
    %dma_wait3A_935 = tpu.memref_slice %arg4[%add3A_907, %dma_wait3A_934] : memref<16384x2048xf32, #tpu.memory_space<hbm>> -> memref<16x2048xf32, #tpu.memory_space<hbm>>
    %dma_wait3A_936 = arith.constant 0 : i32
    %dma_wait3A_937 = tpu.memref_slice %arg4[%add3A_907, %dma_wait3A_936] : memref<16384x2048xf32, #tpu.memory_space<hbm>> -> memref<16x2048xf32, #tpu.memory_space<hbm>>
    tpu.wait_dma2 semaphore(%arg14 : memref<!tpu.dma_semaphore, #tpu.memory_space<semaphore_mem>>) src(%arg8 : memref<16x2048xf32, #tpu.memory_space<vmem>>) dst(%dma_wait3A_937 : memref<16x2048xf32, #tpu.memory_space<hbm>>)
    %dma_wait3A_938 = arith.constant 0 : i32
    %dma_wait3A_939 = tpu.memref_slice %arg4[%add3A_918, %dma_wait3A_938] : memref<16384x2048xf32, #tpu.memory_space<hbm>> -> memref<16x2048xf32, #tpu.memory_space<hbm>>
    %dma_wait3A_940 = arith.constant 0 : i32
    %dma_wait3A_941 = tpu.memref_slice %arg4[%add3A_918, %dma_wait3A_940] : memref<16384x2048xf32, #tpu.memory_space<hbm>> -> memref<16x2048xf32, #tpu.memory_space<hbm>>
    tpu.wait_dma2 semaphore(%arg12 : memref<!tpu.dma_semaphore, #tpu.memory_space<semaphore_mem>>) src(%arg6 : memref<16x2048xf32, #tpu.memory_space<vmem>>) dst(%dma_wait3A_941 : memref<16x2048xf32, #tpu.memory_space<hbm>>)
    %dma_wait3A_942 = arith.constant 0 : i32
    %dma_wait3A_943 = tpu.memref_slice %arg4[%add3A_929, %dma_wait3A_942] : memref<16384x2048xf32, #tpu.memory_space<hbm>> -> memref<16x2048xf32, #tpu.memory_space<hbm>>
    %dma_wait3A_944 = arith.constant 0 : i32
    %dma_wait3A_945 = tpu.memref_slice %arg4[%add3A_929, %dma_wait3A_944] : memref<16384x2048xf32, #tpu.memory_space<hbm>> -> memref<16x2048xf32, #tpu.memory_space<hbm>>
    tpu.wait_dma2 semaphore(%arg13 : memref<!tpu.dma_semaphore, #tpu.memory_space<semaphore_mem>>) src(%arg7 : memref<16x2048xf32, #tpu.memory_space<vmem>>) dst(%dma_wait3A_945 : memref<16x2048xf32, #tpu.memory_space<hbm>>)
    return
  }
}

</mosaic_0001>

<sc_bundles>
// kernel: kernel.3.cloned.1.call-start
scs
__scs_entry_jumppad:
0x0: {  	(pc) =	sbr.rel $0x88, $3  }
0x1: {  	(tag) =	ssettag $0x0;
	lr =	simm.s32 $0x1  }
0x2: {  	[smem:$0x3F9F] =	sst lr;
	_ =	strace $0xD0000000  }
0x3: {  	_ = 	snop  }
0x4: {  	_ = 	snop  }
0x5: {  	_ = 	snop  }
0x6: {  	_ = 	snop  }
0x7: {  	_ = 	snop  }
__scs_overlays_trampoline_lowered:
0x8: {  	[smem:$0x3FAE] =	sst s0  }
0x9: {  	[smem:$0x3FAF] =	sst s1  }
0xa: {  	[smem:$0x3FB0] =	sst s2  }
0xb: {  	[smem:$0x3FB1] =	sst s3  }
0xc: {  	[smem:$0x3FB2] =	sst s4  }
0xd: {  	[smem:$0x3FB3] =	sst s5  }
0xe: {  	[smem:$0x3FB4] =	sst s6  }
0xf: {  	[smem:$0x3FB5] =	sst s7  }
0x10: {  	[smem:$0x3FB6] =	sst s8  }
0x11: {  	[smem:$0x3FB7] =	sst s9;
	s0 =	simm.s32 @!p0 $0x0  }
0x12: {  	s1 =	sld [smem:$0x3F9D];
	s0 =	simm.s32 @p0 $0x1  }
0x13: {  	[smem:$0x3FB8] =	sst s0;
	s0 =	simm.s32 @!p1 $0x0  }
0x14: {  	s2 =	sld [smem:$0x3F9C];
	s0 =	simm.s32 @p1 $0x1  }
0x15: {  	[smem:$0x3FB9] =	sst s0;
	s0 =	simm.s32 @!p2 $0x0  }
0x16: {  	s3 =	sld [smem:$0x3FDB];
	s0 =	simm.s32 @p2 $0x1  }
0x17: {  	s4 =	simm.s32 $0x1BF5;
	[smem:$0x3FBB] =	sst s0  }
0x18: {  	s0 =	sld [smem:$0x3F9E];
	_ =	swait.ge [sflag:s4], $0x0  }
0x19: {  	s7 =	sld [smem:$0x3F9F]  }
0x1a: {  	s8 =	sadd.s32 $0xFFFFE003, lr  }
0x1b: {  	s9 =	sadd.s32 $0xFFFFFEF7, lr;
	s5 =	simm.s32 $0xFFFFFFFF;
	p2 =	slt.u32 s8, $0xFFFFF086  }
0x1c: {  	p1 =	slt.u32 s9, $0xF7A;
	s5 =	simm.s32 @!p2 $0x0  }
0x1d: {  	s5 =	simm.s32 @p1 $0x1;
	p0 =	seq.s32 s7, s2  }
0x1e: {  	s7 =	smul.u32 @!p0 $0xF7A, s2;
	p2 =	seq.s32 @!p0 s5, $0x0  }
0x1f: {  	s9 =	smul.u32 $0xF7A, s1;
	s8 =	simm.s32 @!p0 $0x1BF5;
	p2 =	por !p2, p0  }
0x20: {  	[sflag:s8] =	ssyncset.s32 @!p0 $0xFFFFF086;
	s6 =	sadd.s32 @!p0 s3, s7;
	s7 =	simm.s32 @!p0 $0x108  }
0x21: {  	s3 =	sadd.s32 s3, s9;
	s6 =	sadd.s32 @!p0 $0x88, s6;
	s7 =	simm.s32 @p2 $0x1082  }
0x22: {  	[simem:s7], [sflag:s8] =	dma.local @!p0 [hbm:s6], $0xF7A  }
0x23: {  	s9 =	sor.u32 $0xD0000000, s2;
	s6 =	simm.s32 $0x108;
	_ =	swait.ge @!p0 [sflag:s8], $0x0  }
0x24: {  	s3 =	sadd.s32 $0x88, s3;
	s6 =	simm.s32 @!p1 $0x1082;
	[sflag:s4] =	ssyncset.s32 $0xFFFFF086  }
0x25: {  	[simem:s6], [sflag:s4] =	dma.local [hbm:s3], $0xF7A  }
0x26: {  	[smem:$0x3F9F] =	sst s1;
	(tag) =	ssettag s2;
	_ =	strace s9  }
0x27: {  	s1 =	sld [smem:$0x3FAF]  }
0x28: {  	s2 =	sld [smem:$0x3FB0]  }
0x29: {  	s4 =	sld [smem:$0x3FB2]  }
0x2a: {  	p0 =	seq.s32 s5, $0x0;
	s5 =	sld [smem:$0x3FB3]  }
0x2b: {  	s6 =	sld [smem:$0x3FB4]  }
0x2c: {  	s7 =	sld [smem:$0x3FB5]  }
0x2d: {  	s3 =	simm.s32 $0x108;
	s8 =	sld [smem:$0x3FB6]  }
0x2e: {  	s3 =	simm.s32 @!p0 $0x1082;
	s9 =	sld [smem:$0x3FB7]  }
0x2f: {  	lr =	sadd.s32 s0, s3;
	s0 =	sld [smem:$0x3FAE]  }
0x30: {  	s3 =	sld [smem:$0x3FB1]  }
0x31: {  	[smem:$0x3FBA] =	sst s10  }
0x32: {  	s10 =	sld [smem:$0x3FB8];
	_ =	sdelay $0x3  }
0x33: {  	p0 =	seq.s32 s10, $0x1;
	s10 =	sld [smem:$0x3FBA];
	_ =	sdelay $0x3  }
0x34: {  	[smem:$0x3FBA] =	sst s10  }
0x35: {  	s10 =	sld [smem:$0x3FB9];
	_ =	sdelay $0x3  }
0x36: {  	p1 =	seq.s32 s10, $0x1;
	s10 =	sld [smem:$0x3FBA];
	_ =	sdelay $0x3  }
0x37: {  	[smem:$0x3FBA] =	sst s10  }
0x38: {  	s10 =	sld [smem:$0x3FBB]  }
0x39: {  	_ = 	snop;
	(pc) =	sbr.ind lr, $3  }
0x3a: {  	_ = 	snop  }
0x3b: {  	_ = 	snop  }
0x3c: {  	p2 =	seq.s32 s10, $0x1;
	s10 =	sld [smem:$0x3FBA]  }
0x3d: {  	_ =	shalt  }
0x3e: {  	_ =	shalt  }
0x3f: {  	_ =	shalt  }
0x40: {  	_ =	shalt  }
0x41: {  	_ =	shalt  }
0x42: {  	_ =	shalt  }
0x43: {  	_ =	shalt  }
0x44: {  	_ =	shalt  }
0x45: {  	_ =	shalt  }
0x46: {  	_ =	shalt  }
0x47: {  	_ =	shalt  }
0x48: {  	_ =	shalt  }
0x49: {  	_ =	shalt  }
0x4a: {  	_ =	shalt  }
0x4b: {  	_ =	shalt  }
0x4c: {  	_ =	shalt  }
0x4d: {  	_ =	shalt  }
0x4e: {  	_ =	shalt  }
0x4f: {  	_ =	shalt  }
0x50: {  	_ =	shalt  }
0x51: {  	_ =	shalt  }
0x52: {  	_ =	shalt  }
0x53: {  	_ =	shalt  }
0x54: {  	_ =	shalt  }
0x55: {  	_ =	shalt  }
0x56: {  	_ =	shalt  }
0x57: {  	_ =	shalt  }
0x58: {  	_ =	shalt  }
0x59: {  	_ =	shalt  }
0x5a: {  	_ =	shalt  }
0x5b: {  	_ =	shalt  }
0x5c: {  	_ =	shalt  }
0x5d: {  	_ =	shalt  }
0x5e: {  	_ =	shalt  }
0x5f: {  	_ =	shalt  }
0x60: {  	_ =	shalt  }
0x61: {  	_ =	shalt  }
0x62: {  	_ =	shalt  }
0x63: {  	_ =	shalt  }
0x64: {  	_ =	shalt  }
0x65: {  	_ =	shalt  }
0x66: {  	_ =	shalt  }
0x67: {  	_ =	shalt  }
0x68: {  	_ =	shalt  }
0x69: {  	_ =	shalt  }
0x6a: {  	_ =	shalt  }
0x6b: {  	_ =	shalt  }
0x6c: {  	_ =	shalt  }
0x6d: {  	_ =	shalt  }
0x6e: {  	_ =	shalt  }
0x6f: {  	_ =	shalt  }
0x70: {  	_ =	shalt  }
0x71: {  	_ =	shalt  }
0x72: {  	_ =	shalt  }
0x73: {  	_ =	shalt  }
0x74: {  	_ =	shalt  }
0x75: {  	_ =	shalt  }
0x76: {  	_ =	shalt  }
0x77: {  	_ =	shalt  }
0x78: {  	_ =	shalt  }
0x79: {  	_ =	shalt  }
0x7a: {  	_ =	shalt  }
0x7b: {  	_ =	shalt  }
0x7c: {  	_ =	shalt  }
0x7d: {  	_ =	shalt  }
0x7e: {  	_ =	shalt  }
0x7f: {  	_ =	shalt  }
0x80: {  	_ =	shalt  }
0x81: {  	_ =	shalt  }
0x82: {  	_ =	shalt  }
0x83: {  	_ =	shalt  }
0x84: {  	_ =	shalt  }
0x85: {  	_ =	shalt  }
0x86: {  	_ =	shalt  }
0x87: {  	_ =	shalt  }
.Lfunc_end0:
.L_simem_size_0:
called_computation_lowered:
.L_overlay_start_0:
0x88: {  	s2 =	sld [smem:$0x3FD9]  }
0x89: {  	s3 =	sld [smem:$0x3FFE];
	_ =	sdelay $0x1  }
0x8a: {  	s1 =	srdreg.scid  }
0x8b: {  	s0 =	sand.u32 $0x1, s1  }
0x8c: {  	s18 =	sshll.u32 s0, $0xA;
	s2 =	sadd.s32 s3, s2  }
0x8d: {  	s2 =	sadd.s32 s2, s18  }
0x8e: {  	[smem:$0x3FC6] =	sst s2  }
0x8f: {  	_ = 	snop  }
0x90: {  	s2 =	sld [smem:$0x3FC9]  }
0x91: {  	s19 =	sld [smem:$0x3FC8]  }
0x92: {  	s4 =	sld [smem:$0x3FD0];
	(tm) =	ssettm $0x1  }
0x93: {  	s5 =	sld [smem:$0x3FFB];
	_ =	sdelay $0x3  }
0x94: {  	_ =	strace s5  }
0x95: {  	s5 =	sld [smem:$0x3FFC];
	_ =	sdelay $0x3  }
0x96: {  	_ =	strace s5  }
0x97: {  	s5 =	sld [smem:$0x3FFD];
	_ =	sdelay $0x3  }
0x98: {  	_ =	strace s5  }
0x99: {  	_ =	strace $0x8FFFFFFF  }
0x9a: {  	s20 =	sld [smem:$0x3FDB];
	_ =	sdelay $0x1  }
0x9b: {  	s6 =	simm.s32 $_scs_section_size  }
0x9c: {  	s7 =	simm.s32 $_size__tile_overlayer_lowered;
	s8 =	simm.s32 $_tile_overlayer_lowered  }
0x9d: {  	s23 =	simm.s32 $0x1BFF;
	s22 =	sshll.u32 s8, $0x1;
	s5 =	sadd.s32 s6, s20  }
0x9e: {  	s9 =	simm.s32 $0x0;
	s21 =	sshll.u32 s7, $0x1;
	s7 =	sadd.s32 s22, s5  }
0x9f: {  	[timem:s9], [sflag:s23] =	dma.local [hbm:s7], s21  }
0xa0: {  	_ =	swait.ge [sflag:s23], s21  }
0xa1: {  	s6 =	ssub.s32 $0x0, s21;
	[sflag:s23] =	ssyncset.done $0x0  }
0xa2: {  	[sflag:s23] =	ssyncadd.s32 s6;
	_ =	sdelay $0x1  }
0xa3: {  	s24 =	simm.s32 $0x1B8B  }
0xa4: {  	_ =	swait.ge [sflag:s24], $0x1  }
0xa5: {  	[sflag:s24] =	ssyncset.done $0x0  }
0xa6: {  	s25 =	simm.s32 $0x1B8E;
	[sflag:s24] =	ssyncadd.s32 $0xFFFFFFFF  }
0xa7: {  	s26 =	simm.s32 $execute0_lowered;
	[smem:$0x3FD2] =	sst s25  }
0xa8: {  	s6 =	sshll.u32 s26, $0x1;
	_ =	strace $0x80000046;
	[dreg:$0x1] =	wrdreg $0xFFFFFFFF  }
0xa9: {  	s28 =	simm.s32 $_size_execute0_lowered;
	s5 =	sadd.s32 s5, s6;
	[dreg:$0x0] =	wrdreg $0x0  }
0xaa: {  	s6 =	sshll.u32 s28, $0x1;
	[dreg:$0x2] =	wrdreg s5  }
0xab: {  	[dreg:$0x3] =	wrdreg s6  }
0xac: {  	[dreg:$0x4] =	wrdreg $0xC0  }
0xad: {  	_ =	task [dreg:s9], $0x5FFFF  }
0xae: {  	[dreg:$0x1] =	wrdreg $0xFFFFFFFF  }
0xaf: {  	[dreg:$0x0] =	wrdreg $0x60  }
0xb0: {  	[dreg:$0x2] =	wrdreg s2  }
0xb1: {  	[dreg:$0x3] =	wrdreg s19  }
0xb2: {  	[dreg:$0x4] =	wrdreg s4  }
0xb3: {  	[dreg:$0x5] =	wrdreg $0x9  }
0xb4: {  	_ =	task.clear_ibuf [dreg:s9], $0x6FFFF;
	_ =	strace $0x90000046  }
0xb5: {  	s29 =	simm.s32 $0x9;
	_ =	strace $0x80000048  }
0xb6: {  	_ =	swait.ge [sflag:s29], $0x1  }
0xb7: {  	[sflag:s29] =	ssyncadd.s32 $0xFFFFFFFF  }
0xb8: {  	_ =	strace $0x90000048  }
0xb9: {  	_ =	sfence  }
0xba: {  	s30 =	sld [smem:$0x0];
	_ =	sdelay $0x2  }
0xbb: {  	s31 =	sshll.u32 s1, $0xD;
	s1 =	sshrl.u32 s1, $0x2  }
0xbc: {  	s3 =	sand.u32 $0x4000, s31;
	s1 =	sadd.s32 s1, s30  }
0xbd: {  	s0 =	sor.u32 s3, s0;
	s1 =	sshll.u32 s1, $0x11  }
0xbe: {  	s0 =	sor.u32 s1, s0  }
0xbf: {  	s0 =	sadd.s32 $0x8F2B, s0  }
0xc0: {  	[sflag:s0] =	ssyncadd.remote.s32 $0x1  }
0xc1: {  	_ =	sfence.sel $0xFFFF  }
0xc2: {  	[dreg:$0x0] =	wrdreg $0xFFFFFFFF;
	(pc) =	sbr.abs _section_cstart, $3  }
0xc3: {  	[dreg:$0x1] =	wrdreg $0xFFFFFFFF  }
0xc4: {  	_ =	task.clear_ibuf [dreg:s9], $0x2FFFF;
	_ =	strace $0x9FFFFFFF  }
0xc5: {  	(tm) =	ssettm $0x7FFFFFFF  }
tec
execute0_lowered:
.L_overlay_start_1:
0x0: {  	(tag) =	ssettag $0x1  }
0x1: {  	s0 =	srdreg.scid  }
0x2: {  	s1 =	rddreg [dreg:$0x0];
	s3 =	stileid.u32;
	s0 =	sand.u32 $0x1, s0  }
0x3: {  	s2 =	rddreg [dreg:$0x1];
	s4 =	sshll.u32 s3, $0xA;
	s14 =	sshll.u32 s0, $0x9  }
0x4: {  	s5 =	rddreg [dreg:$0x2];
	s6 =	sor.u32 s14, s4  }
0x5: {  	s3 =	simm.s32 $0x0;
	s7 =	sshrl.u32 s6, $0x3;
	s6 =	sshll.u32 s6, $0x8  }
0x6: {  	[smem:$0x7FF] =	sst s3;
	s7 =	sand.u32 $0x1C0, s7;
	s13 =	sadd.s32 s5, s6  }
0x7: {  	_ =	strace $0x80000047;
	s2 =	sadd.s32 s2, s7;
	[smem:$0x7FC] =	sst s13  }
0x8: {  	s15 =	sadd.s32 $0x1000, s13;
	[dreg:$0x4] =	wrdreg s2  }
0x9: {  	s16 =	sadd.s32 $0x2000, s13;
	[dreg:$0x5] =	wrdreg s15  }
0xa: {  	s17 =	sadd.s32 $0x3000, s13;
	[dreg:$0x6] =	wrdreg s16  }
0xb: {  	s18 =	sadd.s32 $0x4000, s13;
	[dreg:$0x7] =	wrdreg s17  }
0xc: {  	s19 =	sadd.s32 $0x5000, s13;
	[dreg:$0x8] =	wrdreg s18  }
0xd: {  	s20 =	sadd.s32 $0x6000, s13;
	[dreg:$0x9] =	wrdreg s19  }
0xe: {  	s21 =	sadd.s32 $0x7000, s13;
	[dreg:$0xa] =	wrdreg s20  }
0xf: {  	s22 =	sadd.s32 $0x8000, s13;
	[dreg:$0xb] =	wrdreg s21  }
0x10: {  	s23 =	sadd.s32 $0x9000, s13;
	[dreg:$0xc] =	wrdreg s22  }
0x11: {  	s24 =	sadd.s32 $0xA000, s13;
	[dreg:$0xd] =	wrdreg s23  }
0x12: {  	s25 =	sadd.s32 $0xB000, s13;
	[dreg:$0xe] =	wrdreg s24  }
0x13: {  	s26 =	sadd.s32 $0xC000, s13;
	[dreg:$0xf] =	wrdreg s25  }
0x14: {  	s5 =	sadd.s32 $0xD000, s13;
	[dreg:$0x10] =	wrdreg s26  }
0x15: {  	s6 =	sadd.s32 $0xE000, s13;
	[dreg:$0x11] =	wrdreg s5  }
0x16: {  	s7 =	sadd.s32 $0xF000, s13;
	[dreg:$0x12] =	wrdreg s6  }
0x17: {  	s28 =	simm.s32 $0x1;
	s8 =	sadd.s32 $0x10000, s13;
	[dreg:$0x13] =	wrdreg s7  }
0x18: {  	s29 =	simm.s32 $0x4;
	s9 =	sadd.s32 $0x11000, s13;
	[dreg:$0x14] =	wrdreg s8  }
0x19: {  	s30 =	simm.s32 $0x2;
	s10 =	sadd.s32 $0x12000, s13;
	[dreg:$0x15] =	wrdreg s9  }
0x1a: {  	s31 =	simm.s32 $0x200;
	s11 =	sadd.s32 $0x13000, s13;
	[dreg:$0x16] =	wrdreg s10  }
0x1b: {  	s0 =	ssub.s32 $0x2, s0;
	s12 =	sadd.s32 $0x14000, s13;
	[dreg:$0x17] =	wrdreg s11  }
0x1c: {  	s14 =	sadd.s32 $0x15000, s13;
	[dreg:$0x18] =	wrdreg s12;
	s15 =	sshrl.u32 s0, $0x1  }
0x1d: {  	[dreg:$0x19] =	wrdreg s14;
	s16 =	sadd.s32 $0x16000, s13;
	s17 =	sadd.s32 $0x17000, s13  }
0x1e: {  	s18 =	sand.u32 $0x3000, s4;
	s19 =	sadd.s32 $0x18000, s13;
	[dreg:$0x1a] =	wrdreg s16  }
0x1f: {  	s5 =	sadd.s32 $0x100, s1;
	s20 =	sadd.s32 $0x19000, s13;
	[dreg:$0x1b] =	wrdreg s17  }
0x20: {  	s6 =	sadd.s32 $0x200, s1;
	s21 =	sadd.s32 $0x1A000, s13;
	[dreg:$0x1c] =	wrdreg s19  }
0x21: {  	s7 =	sadd.s32 $0x300, s1;
	s22 =	sadd.s32 $0x1B000, s13;
	[dreg:$0x1d] =	wrdreg s20  }
0x22: {  	s8 =	sadd.s32 $0x400, s1;
	s23 =	sadd.s32 $0x1C000, s13;
	[dreg:$0x1e] =	wrdreg s21  }
0x23: {  	s9 =	sadd.s32 $0x500, s1;
	s24 =	sadd.s32 $0x1D000, s13;
	[dreg:$0x1f] =	wrdreg s22  }
0x24: {  	s10 =	sadd.s32 $0x600, s1;
	s25 =	sadd.s32 $0x1E000, s13;
	[smem:$0x7F9] =	sst s23  }
0x25: {  	s11 =	sadd.s32 $0x700, s1;
	s26 =	sadd.s32 $0x1F000, s13;
	[smem:$0x7FA] =	sst s24  }
0x26: {  	v3 =	vlaneseq.u32;
	s2 =	simm.s32 $0x5;
	s13 =	simm.s32 $0x6;
	[smem:$0x7FB] =	sst s25  }
0x27: {  	vm0 =	vmmov $0xffff;
	v1 =	vand.u32 $0x7, v3;
	v2 =	vshrl.u32 v3, $0x3;
	s14 =	simm.s32 $0x10200;
	s12 =	ssub.s32 s0, s15;
	[smem:$0x7FD] =	sst s26  }
0x28: {  	v3 =	vor.u32 $0x8, v3;
	v2 =	vmul.u32 $0x8, v2;
	v0 =	vmov s18;
	s0 =	simm.s32 $0x3;
	s4 =	smax.u32 s12, $0x1;
	s12 =	simm.s32 $0x8200  }
.LBB2_1:
0x29: {  	[smem:$0x7F8] =	sst s4  }
0x2a: {  	s22 =	rddreg [dreg:$0x4];
	s23 =	simm.s32 $0x7  }
0x2b: {  	[tilespmem:s3], [sflag:$0x7] =	stream.linear.gather [hbm4b:s22+s3], $0x200, $0x38;
	[tilespmem:$0x18200] =	vst v63  }
0x2c: {  	_ =	swait.ge [sflag:s23], $0x200  }
0x2d: {  	[sflag:s23] =	ssyncset.done $0x0  }
0x2e: {  	[sflag:s23] =	ssyncadd.s32 $0xFFFFFE00  }
0x2f: {  	v4 =	vld [tilespmem:$0x0]  }
0x30: {  	v5 =	vld [tilespmem:$0x10]  }
0x31: {  	v6 =	vld [tilespmem:$0x20]  }
0x32: {  	v7 =	vld [tilespmem:$0x30]  }
0x33: {  	v8 =	vld [tilespmem:$0x40]  }
0x34: {  	v10 =	vld [tilespmem:$0x50];
	v9 =	vadd.s32 v0, v4  }
0x35: {  	v11 =	vld [tilespmem:$0x60];
	v5 =	vadd.s32 v0, v5;
	[tilespmem:$0x0] =	vst v9  }
0x36: {  	v37 =	vld [tilespmem:$0x70];
	[tilespmem:$0x10] =	vst v5;
	v5 =	vadd.s32 v0, v6  }
0x37: {  	v38 =	vld [tilespmem:$0x80];
	[tilespmem:$0x20] =	vst v5;
	v5 =	vadd.s32 v0, v7  }
0x38: {  	v39 =	vld [tilespmem:$0x90];
	[tilespmem:$0x30] =	vst v5;
	v5 =	vadd.s32 v0, v8  }
0x39: {  	v40 =	vld [tilespmem:$0xA0];
	[tilespmem:$0x40] =	vst v5;
	v5 =	vadd.s32 v0, v10  }
0x3a: {  	v41 =	vld [tilespmem:$0xB0];
	[tilespmem:$0x50] =	vst v5;
	v5 =	vadd.s32 v0, v11  }
0x3b: {  	v42 =	vld [tilespmem:$0xC0];
	[tilespmem:$0x60] =	vst v5;
	v5 =	vadd.s32 v0, v37  }
0x3c: {  	v43 =	vld [tilespmem:$0xD0];
	[tilespmem:$0x70] =	vst v5;
	v5 =	vadd.s32 v0, v38  }
0x3d: {  	v44 =	vld [tilespmem:$0xE0];
	[tilespmem:$0x80] =	vst v5;
	v5 =	vadd.s32 v0, v39  }
0x3e: {  	v45 =	vld [tilespmem:$0xF0];
	[tilespmem:$0x90] =	vst v5;
	v5 =	vadd.s32 v0, v40  }
0x3f: {  	v46 =	vld [tilespmem:$0x100];
	[tilespmem:$0xA0] =	vst v5;
	v5 =	vadd.s32 v0, v41  }
0x40: {  	v47 =	vld [tilespmem:$0x110];
	[tilespmem:$0xB0] =	vst v5;
	v5 =	vadd.s32 v0, v42  }
0x41: {  	v48 =	vld [tilespmem:$0x120];
	[tilespmem:$0xC0] =	vst v5;
	v5 =	vadd.s32 v0, v43  }
0x42: {  	v49 =	vld [tilespmem:$0x130];
	[tilespmem:$0xD0] =	vst v5;
	v5 =	vadd.s32 v0, v44  }
0x43: {  	v50 =	vld [tilespmem:$0x140];
	[tilespmem:$0xE0] =	vst v5;
	v5 =	vadd.s32 v0, v45  }
0x44: {  	v51 =	vld [tilespmem:$0x150];
	[tilespmem:$0xF0] =	vst v5;
	v5 =	vadd.s32 v0, v46  }
0x45: {  	v52 =	vld [tilespmem:$0x160];
	[tilespmem:$0x100] =	vst v5;
	v5 =	vadd.s32 v0, v47  }
0x46: {  	v53 =	vld [tilespmem:$0x170];
	[tilespmem:$0x110] =	vst v5;
	v5 =	vadd.s32 v0, v48  }
0x47: {  	v54 =	vld [tilespmem:$0x180];
	[tilespmem:$0x120] =	vst v5;
	v5 =	vadd.s32 v0, v49  }
0x48: {  	v55 =	vld [tilespmem:$0x190];
	[tilespmem:$0x130] =	vst v5;
	v5 =	vadd.s32 v0, v50  }
0x49: {  	v56 =	vld [tilespmem:$0x1A0];
	[tilespmem:$0x140] =	vst v5;
	v5 =	vadd.s32 v0, v51  }
0x4a: {  	v57 =	vld [tilespmem:$0x1B0];
	[tilespmem:$0x150] =	vst v5;
	v5 =	vadd.s32 v0, v52  }
0x4b: {  	v58 =	vld [tilespmem:$0x1C0];
	v9 =	vshll.u32 v9, $0x4;
	[tilespmem:$0x160] =	vst v5;
	v5 =	vadd.s32 v0, v53  }
0x4c: {  	v59 =	vld [tilespmem:$0x1D0];
	v4 =	vand.u32 $0x7, v4;
	v9 =	vand.u32 $0xFFFFFF80, v9;
	[tilespmem:$0x170] =	vst v5;
	v5 =	vadd.s32 v0, v54  }
0x4d: {  	v60 =	vld [tilespmem:$0x1E0];
	v4 =	vor.u32 v4, v9;
	[tilespmem:$0x180] =	vst v5;
	v5 =	vadd.s32 v0, v55  }
0x4e: {  	v61 =	vld [tilespmem:$0x1F0];
	v62 =	vperm.xlane v4, v1;
	[tilespmem:$0x190] =	vst v5;
	v5 =	vadd.s32 v0, v56  }
0x4f: {  	[tilespmem:$0x1A0] =	vst v5;
	v5 =	vadd.s32 v0, v57  }
0x50: {  	v63 =	vadd.s32 v2, v62;
	[tilespmem:$0x1B0] =	vst v5;
	v5 =	vadd.s32 v0, v58  }
0x51: {  	[tilespmem:$0x1C0] =	vst v5;
	v5 =	vadd.s32 v0, v59  }
0x52: {  	[tilespmem:$0x1D0] =	vst v5;
	v5 =	vadd.s32 v0, v60  }
0x53: {  	[tilespmem:$0x1E0] =	vst v5;
	v5 =	vadd.s32 v0, v61  }
0x54: {  	[tilespmem:$0x1F0] =	vst v5  }
0x55: {  	[tilespmem:s31], [sflag:$0x1] =	stream.indirect_vreg.gather [hbm4b:s1+s3], $0x80, v63, vm0, $0xb8;
	[tilespmem:$0x18200] =	vst v63  }
0x56: {  	s24 =	simm.s32 $0xA00  }
0x57: {  	[tilespmem:s24], [sflag:$0x1] =	stream.indirect_vreg.gather [hbm4b:s5+s3], $0x80, v63, vm0, $0xb8;
	[tilespmem:$0x18200] =	vst v63  }
0x58: {  	s25 =	simm.s32 $0x1200  }
0x59: {  	[tilespmem:s25], [sflag:$0x1] =	stream.indirect_vreg.gather [hbm4b:s6+s3], $0x80, v63, vm0, $0xb8;
	[tilespmem:$0x18200] =	vst v63  }
0x5a: {  	s26 =	simm.s32 $0x1A00  }
0x5b: {  	[tilespmem:s26], [sflag:$0x1] =	stream.indirect_vreg.gather [hbm4b:s7+s3], $0x80, v63, vm0, $0xb8;
	[tilespmem:$0x18200] =	vst v63  }
0x5c: {  	s15 =	simm.s32 $0x2200  }
0x5d: {  	[tilespmem:s15], [sflag:$0x1] =	stream.indirect_vreg.gather [hbm4b:s8+s3], $0x80, v63, vm0, $0xb8;
	[tilespmem:$0x18200] =	vst v63  }
0x5e: {  	s16 =	simm.s32 $0x2A00;
	v4 =	vperm.xlane v4, v3  }
0x5f: {  	[tilespmem:s16], [sflag:$0x1] =	stream.indirect_vreg.gather [hbm4b:s9+s3], $0x80, v63, vm0, $0xb8;
	[tilespmem:$0x18200] =	vst v63  }
0x60: {  	s17 =	simm.s32 $0x3200;
	v4 =	vadd.s32 v2, v4  }
0x61: {  	[tilespmem:s17], [sflag:$0x1] =	stream.indirect_vreg.gather [hbm4b:s10+s3], $0x80, v63, vm0, $0xb8;
	[tilespmem:$0x18200] =	vst v63  }
0x62: {  	s18 =	simm.s32 $0x3A00  }
0x63: {  	[tilespmem:s18], [sflag:$0x1] =	stream.indirect_vreg.gather [hbm4b:s11+s3], $0x80, v63, vm0, $0xb8;
	[tilespmem:$0x18200] =	vst v63  }
0x64: {  	s19 =	simm.s32 $0x4200  }
0x65: {  	[tilespmem:s19], [sflag:$0x1] =	stream.indirect_vreg.gather [hbm4b:s1+s3], $0x80, v4, vm0, $0xb8;
	[tilespmem:$0x18200] =	vst v63  }
0x66: {  	s20 =	simm.s32 $0x4A00  }
0x67: {  	[tilespmem:s20], [sflag:$0x1] =	stream.indirect_vreg.gather [hbm4b:s5+s3], $0x80, v4, vm0, $0xb8;
	[tilespmem:$0x18200] =	vst v63  }
0x68: {  	s21 =	simm.s32 $0x5200  }
0x69: {  	[tilespmem:s21], [sflag:$0x1] =	stream.indirect_vreg.gather [hbm4b:s6+s3], $0x80, v4, vm0, $0xb8;
	[tilespmem:$0x18200] =	vst v63  }
0x6a: {  	s22 =	simm.s32 $0x5A00  }
0x6b: {  	[tilespmem:s22], [sflag:$0x1] =	stream.indirect_vreg.gather [hbm4b:s7+s3], $0x80, v4, vm0, $0xb8;
	[tilespmem:$0x18200] =	vst v63  }
0x6c: {  	s23 =	simm.s32 $0x6200  }
0x6d: {  	[tilespmem:s23], [sflag:$0x1] =	stream.indirect_vreg.gather [hbm4b:s8+s3], $0x80, v4, vm0, $0xb8;
	[tilespmem:$0x18200] =	vst v63  }
0x6e: {  	s24 =	simm.s32 $0x6A00  }
0x6f: {  	[tilespmem:s24], [sflag:$0x1] =	stream.indirect_vreg.gather [hbm4b:s9+s3], $0x80, v4, vm0, $0xb8;
	[tilespmem:$0x18200] =	vst v63  }
0x70: {  	s25 =	simm.s32 $0x7200  }
0x71: {  	[tilespmem:s25], [sflag:$0x1] =	stream.indirect_vreg.gather [hbm4b:s10+s3], $0x80, v4, vm0, $0xb8;
	[tilespmem:$0x18200] =	vst v63  }
0x72: {  	s16 =	simm.s32 $0x7A00  }
0x73: {  	[tilespmem:s16], [sflag:$0x1] =	stream.indirect_vreg.gather [hbm4b:s11+s3], $0x80, v4, vm0, $0xb8;
	[tilespmem:$0x18200] =	vst v63  }
0x74: {  	v4 =	vld [tilespmem:$0x10];
	_ =	sdelay $0x4  }
0x75: {  	v5 =	vshll.u32 v4, $0x4  }
0x76: {  	v4 =	vand.u32 $0x7, v4;
	v5 =	vand.u32 $0xFFFFFF80, v5  }
0x77: {  	v4 =	vor.u32 v4, v5  }
0x78: {  	v5 =	vperm.xlane v4, v1;
	_ =	sdelay $0x1  }
0x79: {  	v5 =	vadd.s32 v2, v5;
	_ =	sdelay $0x4  }
0x7a: {  	[tilespmem:s12], [sflag:$0x2] =	stream.indirect_vreg.gather [hbm4b:s1+s3], $0x80, v5, vm0, $0xb8;
	[tilespmem:$0x18200] =	vst v63  }
0x7b: {  	s4 =	simm.s32 $0x8A00  }
0x7c: {  	[tilespmem:s4], [sflag:$0x2] =	stream.indirect_vreg.gather [hbm4b:s5+s3], $0x80, v5, vm0, $0xb8;
	[tilespmem:$0x18200] =	vst v63  }
0x7d: {  	s4 =	simm.s32 $0x9200  }
0x7e: {  	[tilespmem:s4], [sflag:$0x2] =	stream.indirect_vreg.gather [hbm4b:s6+s3], $0x80, v5, vm0, $0xb8;
	[tilespmem:$0x18200] =	vst v63  }
0x7f: {  	s4 =	simm.s32 $0x9A00  }
0x80: {  	[tilespmem:s4], [sflag:$0x2] =	stream.indirect_vreg.gather [hbm4b:s7+s3], $0x80, v5, vm0, $0xb8;
	[tilespmem:$0x18200] =	vst v63  }
0x81: {  	s4 =	simm.s32 $0xA200  }
0x82: {  	[tilespmem:s4], [sflag:$0x2] =	stream.indirect_vreg.gather [hbm4b:s8+s3], $0x80, v5, vm0, $0xb8;
	[tilespmem:$0x18200] =	vst v63  }
0x83: {  	v4 =	vperm.xlane v4, v3;
	s4 =	simm.s32 $0xAA00  }
0x84: {  	[tilespmem:s4], [sflag:$0x2] =	stream.indirect_vreg.gather [hbm4b:s9+s3], $0x80, v5, vm0, $0xb8;
	[tilespmem:$0x18200] =	vst v63  }
0x85: {  	v4 =	vadd.s32 v2, v4;
	s4 =	simm.s32 $0xB200  }
0x86: {  	[tilespmem:s4], [sflag:$0x2] =	stream.indirect_vreg.gather [hbm4b:s10+s3], $0x80, v5, vm0, $0xb8;
	[tilespmem:$0x18200] =	vst v63  }
0x87: {  	s4 =	simm.s32 $0xBA00  }
0x88: {  	[tilespmem:s4], [sflag:$0x2] =	stream.indirect_vreg.gather [hbm4b:s11+s3], $0x80, v5, vm0, $0xb8;
	[tilespmem:$0x18200] =	vst v63  }
0x89: {  	s4 =	simm.s32 $0xC200  }
0x8a: {  	[tilespmem:s4], [sflag:$0x2] =	stream.indirect_vreg.gather [hbm4b:s1+s3], $0x80, v4, vm0, $0xb8;
	[tilespmem:$0x18200] =	vst v63  }
0x8b: {  	s4 =	simm.s32 $0xCA00  }
0x8c: {  	[tilespmem:s4], [sflag:$0x2] =	stream.indirect_vreg.gather [hbm4b:s5+s3], $0x80, v4, vm0, $0xb8;
	[tilespmem:$0x18200] =	vst v63  }
0x8d: {  	s4 =	simm.s32 $0xD200  }
0x8e: {  	[tilespmem:s4], [sflag:$0x2] =	stream.indirect_vreg.gather [hbm4b:s6+s3], $0x80, v4, vm0, $0xb8;
	[tilespmem:$0x18200] =	vst v63  }
0x8f: {  	s4 =	simm.s32 $0xDA00  }
0x90: {  	[tilespmem:s4], [sflag:$0x2] =	stream.indirect_vreg.gather [hbm4b:s7+s3], $0x80, v4, vm0, $0xb8;
	[tilespmem:$0x18200] =	vst v63  }
0x91: {  	s4 =	simm.s32 $0xE200  }
0x92: {  	[tilespmem:s4], [sflag:$0x2] =	stream.indirect_vreg.gather [hbm4b:s8+s3], $0x80, v4, vm0, $0xb8;
	[tilespmem:$0x18200] =	vst v63  }
0x93: {  	s4 =	simm.s32 $0xEA00  }
0x94: {  	[tilespmem:s4], [sflag:$0x2] =	stream.indirect_vreg.gather [hbm4b:s9+s3], $0x80, v4, vm0, $0xb8;
	[tilespmem:$0x18200] =	vst v63  }
0x95: {  	s4 =	simm.s32 $0xF200  }
0x96: {  	[tilespmem:s4], [sflag:$0x2] =	stream.indirect_vreg.gather [hbm4b:s10+s3], $0x80, v4, vm0, $0xb8;
	[tilespmem:$0x18200] =	vst v63  }
0x97: {  	s4 =	simm.s32 $0xFA00  }
0x98: {  	[tilespmem:s4], [sflag:$0x2] =	stream.indirect_vreg.gather [hbm4b:s11+s3], $0x80, v4, vm0, $0xb8;
	[tilespmem:$0x18200] =	vst v63  }
0x99: {  	v4 =	vld [tilespmem:$0x20];
	_ =	sdelay $0x4  }
0x9a: {  	v5 =	vshll.u32 v4, $0x4  }
0x9b: {  	v4 =	vand.u32 $0x7, v4;
	v5 =	vand.u32 $0xFFFFFF80, v5  }
0x9c: {  	v4 =	vor.u32 v4, v5  }
0x9d: {  	v5 =	vperm.xlane v4, v1;
	_ =	sdelay $0x1  }
0x9e: {  	v5 =	vadd.s32 v2, v5;
	_ =	sdelay $0x4  }
0x9f: {  	[tilespmem:s14], [sflag:$0x3] =	stream.indirect_vreg.gather [hbm4b:s1+s3], $0x80, v5, vm0, $0xb8;
	[tilespmem:$0x18200] =	vst v63  }
0xa0: {  	s4 =	simm.s32 $0x10A00  }
0xa1: {  	[tilespmem:s4], [sflag:$0x3] =	stream.indirect_vreg.gather [hbm4b:s5+s3], $0x80, v5, vm0, $0xb8;
	[tilespmem:$0x18200] =	vst v63  }
0xa2: {  	s4 =	simm.s32 $0x11200  }
0xa3: {  	[tilespmem:s4], [sflag:$0x3] =	stream.indirect_vreg.gather [hbm4b:s6+s3], $0x80, v5, vm0, $0xb8;
	[tilespmem:$0x18200] =	vst v63  }
0xa4: {  	s4 =	simm.s32 $0x11A00  }
0xa5: {  	[tilespmem:s4], [sflag:$0x3] =	stream.indirect_vreg.gather [hbm4b:s7+s3], $0x80, v5, vm0, $0xb8;
	[tilespmem:$0x18200] =	vst v63  }
0xa6: {  	s4 =	simm.s32 $0x12200  }
0xa7: {  	[tilespmem:s4], [sflag:$0x3] =	stream.indirect_vreg.gather [hbm4b:s8+s3], $0x80, v5, vm0, $0xb8;
	[tilespmem:$0x18200] =	vst v63  }
0xa8: {  	v4 =	vperm.xlane v4, v3;
	s4 =	simm.s32 $0x12A00  }
0xa9: {  	[tilespmem:s4], [sflag:$0x3] =	stream.indirect_vreg.gather [hbm4b:s9+s3], $0x80, v5, vm0, $0xb8;
	[tilespmem:$0x18200] =	vst v63  }
0xaa: {  	v4 =	vadd.s32 v2, v4;
	s4 =	simm.s32 $0x13200  }
0xab: {  	[tilespmem:s4], [sflag:$0x3] =	stream.indirect_vreg.gather [hbm4b:s10+s3], $0x80, v5, vm0, $0xb8;
	[tilespmem:$0x18200] =	vst v63  }
0xac: {  	s4 =	simm.s32 $0x13A00  }
0xad: {  	[tilespmem:s4], [sflag:$0x3] =	stream.indirect_vreg.gather [hbm4b:s11+s3], $0x80, v5, vm0, $0xb8;
	[tilespmem:$0x18200] =	vst v63  }
0xae: {  	s4 =	simm.s32 $0x14200  }
0xaf: {  	[tilespmem:s4], [sflag:$0x3] =	stream.indirect_vreg.gather [hbm4b:s1+s3], $0x80, v4, vm0, $0xb8;
	[tilespmem:$0x18200] =	vst v63  }
0xb0: {  	s4 =	simm.s32 $0x14A00  }
0xb1: {  	[tilespmem:s4], [sflag:$0x3] =	stream.indirect_vreg.gather [hbm4b:s5+s3], $0x80, v4, vm0, $0xb8;
	[tilespmem:$0x18200] =	vst v63  }
0xb2: {  	s4 =	simm.s32 $0x15200  }
0xb3: {  	[tilespmem:s4], [sflag:$0x3] =	stream.indirect_vreg.gather [hbm4b:s6+s3], $0x80, v4, vm0, $0xb8;
	[tilespmem:$0x18200] =	vst v63  }
0xb4: {  	s4 =	simm.s32 $0x15A00  }
0xb5: {  	[tilespmem:s4], [sflag:$0x3] =	stream.indirect_vreg.gather [hbm4b:s7+s3], $0x80, v4, vm0, $0xb8;
	[tilespmem:$0x18200] =	vst v63  }
0xb6: {  	s4 =	simm.s32 $0x16200  }
0xb7: {  	[tilespmem:s4], [sflag:$0x3] =	stream.indirect_vreg.gather [hbm4b:s8+s3], $0x80, v4, vm0, $0xb8;
	[tilespmem:$0x18200] =	vst v63  }
0xb8: {  	s4 =	simm.s32 $0x16A00  }
0xb9: {  	[tilespmem:s4], [sflag:$0x3] =	stream.indirect_vreg.gather [hbm4b:s9+s3], $0x80, v4, vm0, $0xb8;
	[tilespmem:$0x18200] =	vst v63  }
0xba: {  	s4 =	simm.s32 $0x17200  }
0xbb: {  	[tilespmem:s4], [sflag:$0x3] =	stream.indirect_vreg.gather [hbm4b:s10+s3], $0x80, v4, vm0, $0xb8;
	[tilespmem:$0x18200] =	vst v63  }
0xbc: {  	s4 =	simm.s32 $0x17A00  }
0xbd: {  	[tilespmem:s4], [sflag:$0x3] =	stream.indirect_vreg.gather [hbm4b:s11+s3], $0x80, v4, vm0, $0xb8;
	[tilespmem:$0x18200] =	vst v63  }
0xbe: {  	_ =	swait.ge [sflag:s28], $0x8000  }
0xbf: {  	s4 =	sld [smem:$0x7FC]  }
0xc0: {  	[sflag:s28] =	ssyncset.done $0x0  }
0xc1: {  	[sflag:s28] =	ssyncadd.s32 $0xFFFF8000  }
0xc2: {  	[hbm4b:s4+s3] =	stream.linear.scatter [tilespmem:s31], [sflag:$0x4], $0x8000, $0x38;
	[tilespmem:$0x18200] =	vst v63  }
0xc3: {  	_ =	swait.ge [sflag:s29], $0x8000  }
0xc4: {  	[sflag:s29] =	ssyncset.done $0x0  }
0xc5: {  	[sflag:s29] =	ssyncadd.s32 $0xFFFF8000  }
0xc6: {  	v4 =	vld [tilespmem:$0x30];
	_ =	sdelay $0x4  }
0xc7: {  	v5 =	vshll.u32 v4, $0x4  }
0xc8: {  	v4 =	vand.u32 $0x7, v4;
	v5 =	vand.u32 $0xFFFFFF80, v5  }
0xc9: {  	v4 =	vor.u32 v4, v5  }
0xca: {  	v5 =	vperm.xlane v4, v1;
	_ =	sdelay $0x1  }
0xcb: {  	v5 =	vadd.s32 v2, v5;
	_ =	sdelay $0x4  }
0xcc: {  	[tilespmem:s31], [sflag:$0x1] =	stream.indirect_vreg.gather [hbm4b:s1+s3], $0x80, v5, vm0, $0xb8;
	[tilespmem:$0x18200] =	vst v63  }
0xcd: {  	s4 =	simm.s32 $0xA00  }
0xce: {  	[tilespmem:s4], [sflag:$0x1] =	stream.indirect_vreg.gather [hbm4b:s5+s3], $0x80, v5, vm0, $0xb8;
	[tilespmem:$0x18200] =	vst v63  }
0xcf: {  	s4 =	simm.s32 $0x1200  }
0xd0: {  	[tilespmem:s4], [sflag:$0x1] =	stream.indirect_vreg.gather [hbm4b:s6+s3], $0x80, v5, vm0, $0xb8;
	[tilespmem:$0x18200] =	vst v63  }
0xd1: {  	s4 =	simm.s32 $0x1A00  }
0xd2: {  	[tilespmem:s4], [sflag:$0x1] =	stream.indirect_vreg.gather [hbm4b:s7+s3], $0x80, v5, vm0, $0xb8;
	[tilespmem:$0x18200] =	vst v63  }
0xd3: {  	s26 =	simm.s32 $0x2200  }
0xd4: {  	[tilespmem:s26], [sflag:$0x1] =	stream.indirect_vreg.gather [hbm4b:s8+s3], $0x80, v5, vm0, $0xb8;
	[tilespmem:$0x18200] =	vst v63  }
0xd5: {  	s15 =	simm.s32 $0x2A00;
	v4 =	vperm.xlane v4, v3  }
0xd6: {  	[tilespmem:s15], [sflag:$0x1] =	stream.indirect_vreg.gather [hbm4b:s9+s3], $0x80, v5, vm0, $0xb8;
	[tilespmem:$0x18200] =	vst v63  }
0xd7: {  	s17 =	simm.s32 $0x3200;
	v4 =	vadd.s32 v2, v4  }
0xd8: {  	[tilespmem:s17], [sflag:$0x1] =	stream.indirect_vreg.gather [hbm4b:s10+s3], $0x80, v5, vm0, $0xb8;
	[tilespmem:$0x18200] =	vst v63  }
0xd9: {  	s18 =	simm.s32 $0x3A00  }
0xda: {  	[tilespmem:s18], [sflag:$0x1] =	stream.indirect_vreg.gather [hbm4b:s11+s3], $0x80, v5, vm0, $0xb8;
	[tilespmem:$0x18200] =	vst v63  }
0xdb: {  	s19 =	simm.s32 $0x4200  }
0xdc: {  	[tilespmem:s19], [sflag:$0x1] =	stream.indirect_vreg.gather [hbm4b:s1+s3], $0x80, v4, vm0, $0xb8;
	[tilespmem:$0x18200] =	vst v63  }
0xdd: {  	s20 =	simm.s32 $0x4A00  }
0xde: {  	[tilespmem:s20], [sflag:$0x1] =	stream.indirect_vreg.gather [hbm4b:s5+s3], $0x80, v4, vm0, $0xb8;
	[tilespmem:$0x18200] =	vst v63  }
0xdf: {  	s21 =	simm.s32 $0x5200  }
0xe0: {  	[tilespmem:s21], [sflag:$0x1] =	stream.indirect_vreg.gather [hbm4b:s6+s3], $0x80, v4, vm0, $0xb8;
	[tilespmem:$0x18200] =	vst v63  }
0xe1: {  	s22 =	simm.s32 $0x5A00  }
0xe2: {  	[tilespmem:s22], [sflag:$0x1] =	stream.indirect_vreg.gather [hbm4b:s7+s3], $0x80, v4, vm0, $0xb8;
	[tilespmem:$0x18200] =	vst v63  }
0xe3: {  	s23 =	simm.s32 $0x6200  }
0xe4: {  	[tilespmem:s23], [sflag:$0x1] =	stream.indirect_vreg.gather [hbm4b:s8+s3], $0x80, v4, vm0, $0xb8;
	[tilespmem:$0x18200] =	vst v63  }
0xe5: {  	s24 =	simm.s32 $0x6A00  }
0xe6: {  	[tilespmem:s24], [sflag:$0x1] =	stream.indirect_vreg.gather [hbm4b:s9+s3], $0x80, v4, vm0, $0xb8;
	[tilespmem:$0x18200] =	vst v63  }
0xe7: {  	s25 =	simm.s32 $0x7200  }
0xe8: {  	[tilespmem:s25], [sflag:$0x1] =	stream.indirect_vreg.gather [hbm4b:s10+s3], $0x80, v4, vm0, $0xb8;
	[tilespmem:$0x18200] =	vst v63  }
0xe9: {  	s16 =	simm.s32 $0x7A00  }
0xea: {  	[tilespmem:s16], [sflag:$0x1] =	stream.indirect_vreg.gather [hbm4b:s11+s3], $0x80, v4, vm0, $0xb8;
	[tilespmem:$0x18200] =	vst v63  }
0xeb: {  	_ =	swait.ge [sflag:s30], $0x8000  }
0xec: {  	[sflag:s30] =	ssyncset.done $0x0  }
0xed: {  	s18 =	rddreg [dreg:$0x5];
	[sflag:s30] =	ssyncadd.s32 $0xFFFF8000  }
0xee: {  	[hbm4b:s18+s3] =	stream.linear.scatter [tilespmem:s12], [sflag:$0x5], $0x8000, $0x38;
	[tilespmem:$0x18200] =	vst v63  }
0xef: {  	_ =	swait.ge [sflag:s2], $0x8000  }
0xf0: {  	[sflag:s2] =	ssyncset.done $0x0  }
0xf1: {  	[sflag:s2] =	ssyncadd.s32 $0xFFFF8000  }
0xf2: {  	v4 =	vld [tilespmem:$0x40];
	_ =	sdelay $0x4  }
0xf3: {  	v5 =	vshll.u32 v4, $0x4  }
0xf4: {  	v4 =	vand.u32 $0x7, v4;
	v5 =	vand.u32 $0xFFFFFF80, v5  }
0xf5: {  	v4 =	vor.u32 v4, v5  }
0xf6: {  	v5 =	vperm.xlane v4, v1;
	_ =	sdelay $0x1  }
0xf7: {  	v5 =	vadd.s32 v2, v5;
	_ =	sdelay $0x4  }
0xf8: {  	[tilespmem:s12], [sflag:$0x2] =	stream.indirect_vreg.gather [hbm4b:s1+s3], $0x80, v5, vm0, $0xb8;
	[tilespmem:$0x18200] =	vst v63  }
0xf9: {  	s19 =	simm.s32 $0x8A00  }
0xfa: {  	[tilespmem:s19], [sflag:$0x2] =	stream.indirect_vreg.gather [hbm4b:s5+s3], $0x80, v5, vm0, $0xb8;
	[tilespmem:$0x18200] =	vst v63  }
0xfb: {  	s20 =	simm.s32 $0x9200  }
0xfc: {  	[tilespmem:s20], [sflag:$0x2] =	stream.indirect_vreg.gather [hbm4b:s6+s3], $0x80, v5, vm0, $0xb8;
	[tilespmem:$0x18200] =	vst v63  }
0xfd: {  	s21 =	simm.s32 $0x9A00  }
0xfe: {  	[tilespmem:s21], [sflag:$0x2] =	stream.indirect_vreg.gather [hbm4b:s7+s3], $0x80, v5, vm0, $0xb8;
	[tilespmem:$0x18200] =	vst v63  }
0xff: {  	s22 =	simm.s32 $0xA200  }
0x100: {  	[tilespmem:s22], [sflag:$0x2] =	stream.indirect_vreg.gather [hbm4b:s8+s3], $0x80, v5, vm0, $0xb8;
	[tilespmem:$0x18200] =	vst v63  }
0x101: {  	s23 =	simm.s32 $0xAA00;
	v4 =	vperm.xlane v4, v3  }
0x102: {  	[tilespmem:s23], [sflag:$0x2] =	stream.indirect_vreg.gather [hbm4b:s9+s3], $0x80, v5, vm0, $0xb8;
	[tilespmem:$0x18200] =	vst v63  }
0x103: {  	s24 =	simm.s32 $0xB200;
	v4 =	vadd.s32 v2, v4  }
0x104: {  	[tilespmem:s24], [sflag:$0x2] =	stream.indirect_vreg.gather [hbm4b:s10+s3], $0x80, v5, vm0, $0xb8;
	[tilespmem:$0x18200] =	vst v63  }
0x105: {  	s25 =	simm.s32 $0xBA00  }
0x106: {  	[tilespmem:s25], [sflag:$0x2] =	stream.indirect_vreg.gather [hbm4b:s11+s3], $0x80, v5, vm0, $0xb8;
	[tilespmem:$0x18200] =	vst v63  }
0x107: {  	s19 =	simm.s32 $0xC200  }
0x108: {  	[tilespmem:s19], [sflag:$0x2] =	stream.indirect_vreg.gather [hbm4b:s1+s3], $0x80, v4, vm0, $0xb8;
	[tilespmem:$0x18200] =	vst v63  }
0x109: {  	s20 =	simm.s32 $0xCA00  }
0x10a: {  	[tilespmem:s20], [sflag:$0x2] =	stream.indirect_vreg.gather [hbm4b:s5+s3], $0x80, v4, vm0, $0xb8;
	[tilespmem:$0x18200] =	vst v63  }
0x10b: {  	s21 =	simm.s32 $0xD200  }
0x10c: {  	[tilespmem:s21], [sflag:$0x2] =	stream.indirect_vreg.gather [hbm4b:s6+s3], $0x80, v4, vm0, $0xb8;
	[tilespmem:$0x18200] =	vst v63  }
0x10d: {  	s22 =	simm.s32 $0xDA00  }
0x10e: {  	[tilespmem:s22], [sflag:$0x2] =	stream.indirect_vreg.gather [hbm4b:s7+s3], $0x80, v4, vm0, $0xb8;
	[tilespmem:$0x18200] =	vst v63  }
0x10f: {  	s23 =	simm.s32 $0xE200  }
0x110: {  	[tilespmem:s23], [sflag:$0x2] =	stream.indirect_vreg.gather [hbm4b:s8+s3], $0x80, v4, vm0, $0xb8;
	[tilespmem:$0x18200] =	vst v63  }
0x111: {  	s24 =	simm.s32 $0xEA00  }
0x112: {  	[tilespmem:s24], [sflag:$0x2] =	stream.indirect_vreg.gather [hbm4b:s9+s3], $0x80, v4, vm0, $0xb8;
	[tilespmem:$0x18200] =	vst v63  }
0x113: {  	s25 =	simm.s32 $0xF200  }
0x114: {  	[tilespmem:s25], [sflag:$0x2] =	stream.indirect_vreg.gather [hbm4b:s10+s3], $0x80, v4, vm0, $0xb8;
	[tilespmem:$0x18200] =	vst v63  }
0x115: {  	s4 =	simm.s32 $0xFA00  }
0x116: {  	[tilespmem:s4], [sflag:$0x2] =	stream.indirect_vreg.gather [hbm4b:s11+s3], $0x80, v4, vm0, $0xb8;
	[tilespmem:$0x18200] =	vst v63  }
0x117: {  	_ =	swait.ge [sflag:s0], $0x8000  }
0x118: {  	[sflag:s0] =	ssyncset.done $0x0  }
0x119: {  	s4 =	rddreg [dreg:$0x6];
	[sflag:s0] =	ssyncadd.s32 $0xFFFF8000  }
0x11a: {  	[hbm4b:s4+s3] =	stream.linear.scatter [tilespmem:s14], [sflag:$0x6], $0x8000, $0x38;
	[tilespmem:$0x18200] =	vst v63  }
0x11b: {  	_ =	swait.ge [sflag:s13], $0x8000  }
0x11c: {  	[sflag:s13] =	ssyncset.done $0x0  }
0x11d: {  	[sflag:s13] =	ssyncadd.s32 $0xFFFF8000  }
0x11e: {  	v4 =	vld [tilespmem:$0x50];
	_ =	sdelay $0x4  }
0x11f: {  	v5 =	vshll.u32 v4, $0x4  }
0x120: {  	v4 =	vand.u32 $0x7, v4;
	v5 =	vand.u32 $0xFFFFFF80, v5  }
0x121: {  	v4 =	vor.u32 v4, v5  }
0x122: {  	v5 =	vperm.xlane v4, v1;
	_ =	sdelay $0x1  }
0x123: {  	v5 =	vadd.s32 v2, v5;
	_ =	sdelay $0x4  }
0x124: {  	[tilespmem:s14], [sflag:$0x3] =	stream.indirect_vreg.gather [hbm4b:s1+s3], $0x80, v5, vm0, $0xb8;
	[tilespmem:$0x18200] =	vst v63  }
0x125: {  	s4 =	simm.s32 $0x10A00  }
0x126: {  	[tilespmem:s4], [sflag:$0x3] =	stream.indirect_vreg.gather [hbm4b:s5+s3], $0x80, v5, vm0, $0xb8;
	[tilespmem:$0x18200] =	vst v63  }
0x127: {  	s4 =	simm.s32 $0x11200  }
0x128: {  	[tilespmem:s4], [sflag:$0x3] =	stream.indirect_vreg.gather [hbm4b:s6+s3], $0x80, v5, vm0, $0xb8;
	[tilespmem:$0x18200] =	vst v63  }
0x129: {  	s4 =	simm.s32 $0x11A00  }
0x12a: {  	[tilespmem:s4], [sflag:$0x3] =	stream.indirect_vreg.gather [hbm4b:s7+s3], $0x80, v5, vm0, $0xb8;
	[tilespmem:$0x18200] =	vst v63  }
0x12b: {  	s4 =	simm.s32 $0x12200  }
0x12c: {  	[tilespmem:s4], [sflag:$0x3] =	stream.indirect_vreg.gather [hbm4b:s8+s3], $0x80, v5, vm0, $0xb8;
	[tilespmem:$0x18200] =	vst v63  }
0x12d: {  	v4 =	vperm.xlane v4, v3;
	s4 =	simm.s32 $0x12A00  }
0x12e: {  	[tilespmem:s4], [sflag:$0x3] =	stream.indirect_vreg.gather [hbm4b:s9+s3], $0x80, v5, vm0, $0xb8;
	[tilespmem:$0x18200] =	vst v63  }
0x12f: {  	v4 =	vadd.s32 v2, v4;
	s4 =	simm.s32 $0x13200  }
0x130: {  	[tilespmem:s4], [sflag:$0x3] =	stream.indirect_vreg.gather [hbm4b:s10+s3], $0x80, v5, vm0, $0xb8;
	[tilespmem:$0x18200] =	vst v63  }
0x131: {  	s4 =	simm.s32 $0x13A00  }
0x132: {  	[tilespmem:s4], [sflag:$0x3] =	stream.indirect_vreg.gather [hbm4b:s11+s3], $0x80, v5, vm0, $0xb8;
	[tilespmem:$0x18200] =	vst v63  }
0x133: {  	s4 =	simm.s32 $0x14200  }
0x134: {  	[tilespmem:s4], [sflag:$0x3] =	stream.indirect_vreg.gather [hbm4b:s1+s3], $0x80, v4, vm0, $0xb8;
	[tilespmem:$0x18200] =	vst v63  }
0x135: {  	s4 =	simm.s32 $0x14A00  }
0x136: {  	[tilespmem:s4], [sflag:$0x3] =	stream.indirect_vreg.gather [hbm4b:s5+s3], $0x80, v4, vm0, $0xb8;
	[tilespmem:$0x18200] =	vst v63  }
0x137: {  	s4 =	simm.s32 $0x15200  }
0x138: {  	[tilespmem:s4], [sflag:$0x3] =	stream.indirect_vreg.gather [hbm4b:s6+s3], $0x80, v4, vm0, $0xb8;
	[tilespmem:$0x18200] =	vst v63  }
0x139: {  	s4 =	simm.s32 $0x15A00  }
0x13a: {  	[tilespmem:s4], [sflag:$0x3] =	stream.indirect_vreg.gather [hbm4b:s7+s3], $0x80, v4, vm0, $0xb8;
	[tilespmem:$0x18200] =	vst v63  }
0x13b: {  	s4 =	simm.s32 $0x16200  }
0x13c: {  	[tilespmem:s4], [sflag:$0x3] =	stream.indirect_vreg.gather [hbm4b:s8+s3], $0x80, v4, vm0, $0xb8;
	[tilespmem:$0x18200] =	vst v63  }
0x13d: {  	s4 =	simm.s32 $0x16A00  }
0x13e: {  	[tilespmem:s4], [sflag:$0x3] =	stream.indirect_vreg.gather [hbm4b:s9+s3], $0x80, v4, vm0, $0xb8;
	[tilespmem:$0x18200] =	vst v63  }
0x13f: {  	s4 =	simm.s32 $0x17200  }
0x140: {  	[tilespmem:s4], [sflag:$0x3] =	stream.indirect_vreg.gather [hbm4b:s10+s3], $0x80, v4, vm0, $0xb8;
	[tilespmem:$0x18200] =	vst v63  }
0x141: {  	s4 =	simm.s32 $0x17A00  }
0x142: {  	[tilespmem:s4], [sflag:$0x3] =	stream.indirect_vreg.gather [hbm4b:s11+s3], $0x80, v4, vm0, $0xb8;
	[tilespmem:$0x18200] =	vst v63  }
0x143: {  	_ =	swait.ge [sflag:s28], $0x8000  }
0x144: {  	[sflag:s28] =	ssyncset.done $0x0  }
0x145: {  	s4 =	rddreg [dreg:$0x7];
	[sflag:s28] =	ssyncadd.s32 $0xFFFF8000  }
0x146: {  	[hbm4b:s4+s3] =	stream.linear.scatter [tilespmem:s31], [sflag:$0x4], $0x8000, $0x38;
	[tilespmem:$0x18200] =	vst v63  }
0x147: {  	_ =	swait.ge [sflag:s29], $0x8000  }
0x148: {  	[sflag:s29] =	ssyncset.done $0x0  }
0x149: {  	[sflag:s29] =	ssyncadd.s32 $0xFFFF8000  }
0x14a: {  	v4 =	vld [tilespmem:$0x60];
	_ =	sdelay $0x4  }
0x14b: {  	v5 =	vshll.u32 v4, $0x4  }
0x14c: {  	v4 =	vand.u32 $0x7, v4;
	v5 =	vand.u32 $0xFFFFFF80, v5  }
0x14d: {  	v4 =	vor.u32 v4, v5  }
0x14e: {  	v5 =	vperm.xlane v4, v1;
	_ =	sdelay $0x1  }
0x14f: {  	v5 =	vadd.s32 v2, v5;
	_ =	sdelay $0x4  }
0x150: {  	[tilespmem:s31], [sflag:$0x1] =	stream.indirect_vreg.gather [hbm4b:s1+s3], $0x80, v5, vm0, $0xb8;
	[tilespmem:$0x18200] =	vst v63  }
0x151: {  	s4 =	simm.s32 $0xA00  }
0x152: {  	[tilespmem:s4], [sflag:$0x1] =	stream.indirect_vreg.gather [hbm4b:s5+s3], $0x80, v5, vm0, $0xb8;
	[tilespmem:$0x18200] =	vst v63  }
0x153: {  	s4 =	simm.s32 $0x1200  }
0x154: {  	[tilespmem:s4], [sflag:$0x1] =	stream.indirect_vreg.gather [hbm4b:s6+s3], $0x80, v5, vm0, $0xb8;
	[tilespmem:$0x18200] =	vst v63  }
0x155: {  	s4 =	simm.s32 $0x1A00  }
0x156: {  	[tilespmem:s4], [sflag:$0x1] =	stream.indirect_vreg.gather [hbm4b:s7+s3], $0x80, v5, vm0, $0xb8;
	[tilespmem:$0x18200] =	vst v63  }
0x157: {  	s4 =	simm.s32 $0x2200  }
0x158: {  	[tilespmem:s4], [sflag:$0x1] =	stream.indirect_vreg.gather [hbm4b:s8+s3], $0x80, v5, vm0, $0xb8;
	[tilespmem:$0x18200] =	vst v63  }
0x159: {  	v4 =	vperm.xlane v4, v3;
	s4 =	simm.s32 $0x2A00  }
0x15a: {  	[tilespmem:s4], [sflag:$0x1] =	stream.indirect_vreg.gather [hbm4b:s9+s3], $0x80, v5, vm0, $0xb8;
	[tilespmem:$0x18200] =	vst v63  }
0x15b: {  	v4 =	vadd.s32 v2, v4;
	s4 =	simm.s32 $0x3200  }
0x15c: {  	[tilespmem:s4], [sflag:$0x1] =	stream.indirect_vreg.gather [hbm4b:s10+s3], $0x80, v5, vm0, $0xb8;
	[tilespmem:$0x18200] =	vst v63  }
0x15d: {  	s4 =	simm.s32 $0x3A00  }
0x15e: {  	[tilespmem:s4], [sflag:$0x1] =	stream.indirect_vreg.gather [hbm4b:s11+s3], $0x80, v5, vm0, $0xb8;
	[tilespmem:$0x18200] =	vst v63  }
0x15f: {  	s4 =	simm.s32 $0x4200  }
0x160: {  	[tilespmem:s4], [sflag:$0x1] =	stream.indirect_vreg.gather [hbm4b:s1+s3], $0x80, v4, vm0, $0xb8;
	[tilespmem:$0x18200] =	vst v63  }
0x161: {  	s4 =	simm.s32 $0x4A00  }
0x162: {  	[tilespmem:s4], [sflag:$0x1] =	stream.indirect_vreg.gather [hbm4b:s5+s3], $0x80, v4, vm0, $0xb8;
	[tilespmem:$0x18200] =	vst v63  }
0x163: {  	s4 =	simm.s32 $0x5200  }
0x164: {  	[tilespmem:s4], [sflag:$0x1] =	stream.indirect_vreg.gather [hbm4b:s6+s3], $0x80, v4, vm0, $0xb8;
	[tilespmem:$0x18200] =	vst v63  }
0x165: {  	s4 =	simm.s32 $0x5A00  }
0x166: {  	[tilespmem:s4], [sflag:$0x1] =	stream.indirect_vreg.gather [hbm4b:s7+s3], $0x80, v4, vm0, $0xb8;
	[tilespmem:$0x18200] =	vst v63  }
0x167: {  	s4 =	simm.s32 $0x6200  }
0x168: {  	[tilespmem:s4], [sflag:$0x1] =	stream.indirect_vreg.gather [hbm4b:s8+s3], $0x80, v4, vm0, $0xb8;
	[tilespmem:$0x18200] =	vst v63  }
0x169: {  	s4 =	simm.s32 $0x6A00  }
0x16a: {  	[tilespmem:s4], [sflag:$0x1] =	stream.indirect_vreg.gather [hbm4b:s9+s3], $0x80, v4, vm0, $0xb8;
	[tilespmem:$0x18200] =	vst v63  }
0x16b: {  	s4 =	simm.s32 $0x7200  }
0x16c: {  	[tilespmem:s4], [sflag:$0x1] =	stream.indirect_vreg.gather [hbm4b:s10+s3], $0x80, v4, vm0, $0xb8;
	[tilespmem:$0x18200] =	vst v63  }
0x16d: {  	s4 =	simm.s32 $0x7A00  }
0x16e: {  	[tilespmem:s4], [sflag:$0x1] =	stream.indirect_vreg.gather [hbm4b:s11+s3], $0x80, v4, vm0, $0xb8;
	[tilespmem:$0x18200] =	vst v63  }
0x16f: {  	_ =	swait.ge [sflag:s30], $0x8000  }
0x170: {  	[sflag:s30] =	ssyncset.done $0x0  }
0x171: {  	s4 =	rddreg [dreg:$0x8];
	[sflag:s30] =	ssyncadd.s32 $0xFFFF8000  }
0x172: {  	[hbm4b:s4+s3] =	stream.linear.scatter [tilespmem:s12], [sflag:$0x5], $0x8000, $0x38;
	[tilespmem:$0x18200] =	vst v63  }
0x173: {  	_ =	swait.ge [sflag:s2], $0x8000  }
0x174: {  	[sflag:s2] =	ssyncset.done $0x0  }
0x175: {  	[sflag:s2] =	ssyncadd.s32 $0xFFFF8000  }
0x176: {  	v4 =	vld [tilespmem:$0x70];
	_ =	sdelay $0x4  }
0x177: {  	v5 =	vshll.u32 v4, $0x4  }
0x178: {  	v4 =	vand.u32 $0x7, v4;
	v5 =	vand.u32 $0xFFFFFF80, v5  }
0x179: {  	v4 =	vor.u32 v4, v5  }
0x17a: {  	v5 =	vperm.xlane v4, v1;
	_ =	sdelay $0x1  }
0x17b: {  	v5 =	vadd.s32 v2, v5;
	_ =	sdelay $0x4  }
0x17c: {  	[tilespmem:s12], [sflag:$0x2] =	stream.indirect_vreg.gather [hbm4b:s1+s3], $0x80, v5, vm0, $0xb8;
	[tilespmem:$0x18200] =	vst v63  }
0x17d: {  	s15 =	simm.s32 $0x8A00  }
0x17e: {  	[tilespmem:s15], [sflag:$0x2] =	stream.indirect_vreg.gather [hbm4b:s5+s3], $0x80, v5, vm0, $0xb8;
	[tilespmem:$0x18200] =	vst v63  }
0x17f: {  	s16 =	simm.s32 $0x9200  }
0x180: {  	[tilespmem:s16], [sflag:$0x2] =	stream.indirect_vreg.gather [hbm4b:s6+s3], $0x80, v5, vm0, $0xb8;
	[tilespmem:$0x18200] =	vst v63  }
0x181: {  	s17 =	simm.s32 $0x9A00  }
0x182: {  	[tilespmem:s17], [sflag:$0x2] =	stream.indirect_vreg.gather [hbm4b:s7+s3], $0x80, v5, vm0, $0xb8;
	[tilespmem:$0x18200] =	vst v63  }
0x183: {  	s26 =	simm.s32 $0xA200  }
0x184: {  	[tilespmem:s26], [sflag:$0x2] =	stream.indirect_vreg.gather [hbm4b:s8+s3], $0x80, v5, vm0, $0xb8;
	[tilespmem:$0x18200] =	vst v63  }
0x185: {  	v4 =	vperm.xlane v4, v3;
	s15 =	simm.s32 $0xAA00  }
0x186: {  	[tilespmem:s15], [sflag:$0x2] =	stream.indirect_vreg.gather [hbm4b:s9+s3], $0x80, v5, vm0, $0xb8;
	[tilespmem:$0x18200] =	vst v63  }
0x187: {  	s18 =	simm.s32 $0xB200;
	v4 =	vadd.s32 v2, v4  }
0x188: {  	[tilespmem:s18], [sflag:$0x2] =	stream.indirect_vreg.gather [hbm4b:s10+s3], $0x80, v5, vm0, $0xb8;
	[tilespmem:$0x18200] =	vst v63  }
0x189: {  	s15 =	simm.s32 $0xBA00  }
0x18a: {  	[tilespmem:s15], [sflag:$0x2] =	stream.indirect_vreg.gather [hbm4b:s11+s3], $0x80, v5, vm0, $0xb8;
	[tilespmem:$0x18200] =	vst v63  }
0x18b: {  	s19 =	simm.s32 $0xC200  }
0x18c: {  	[tilespmem:s19], [sflag:$0x2] =	stream.indirect_vreg.gather [hbm4b:s1+s3], $0x80, v4, vm0, $0xb8;
	[tilespmem:$0x18200] =	vst v63  }
0x18d: {  	s20 =	simm.s32 $0xCA00  }
0x18e: {  	[tilespmem:s20], [sflag:$0x2] =	stream.indirect_vreg.gather [hbm4b:s5+s3], $0x80, v4, vm0, $0xb8;
	[tilespmem:$0x18200] =	vst v63  }
0x18f: {  	s21 =	simm.s32 $0xD200  }
0x190: {  	[tilespmem:s21], [sflag:$0x2] =	stream.indirect_vreg.gather [hbm4b:s6+s3], $0x80, v4, vm0, $0xb8;
	[tilespmem:$0x18200] =	vst v63  }
0x191: {  	s22 =	simm.s32 $0xDA00  }
0x192: {  	[tilespmem:s22], [sflag:$0x2] =	stream.indirect_vreg.gather [hbm4b:s7+s3], $0x80, v4, vm0, $0xb8;
	[tilespmem:$0x18200] =	vst v63  }
0x193: {  	s23 =	simm.s32 $0xE200  }
0x194: {  	[tilespmem:s23], [sflag:$0x2] =	stream.indirect_vreg.gather [hbm4b:s8+s3], $0x80, v4, vm0, $0xb8;
	[tilespmem:$0x18200] =	vst v63  }
0x195: {  	s24 =	simm.s32 $0xEA00  }
0x196: {  	[tilespmem:s24], [sflag:$0x2] =	stream.indirect_vreg.gather [hbm4b:s9+s3], $0x80, v4, vm0, $0xb8;
	[tilespmem:$0x18200] =	vst v63  }
0x197: {  	s25 =	simm.s32 $0xF200  }
0x198: {  	[tilespmem:s25], [sflag:$0x2] =	stream.indirect_vreg.gather [hbm4b:s10+s3], $0x80, v4, vm0, $0xb8;
	[tilespmem:$0x18200] =	vst v63  }
0x199: {  	s4 =	simm.s32 $0xFA00  }
0x19a: {  	[tilespmem:s4], [sflag:$0x2] =	stream.indirect_vreg.gather [hbm4b:s11+s3], $0x80, v4, vm0, $0xb8;
	[tilespmem:$0x18200] =	vst v63  }
0x19b: {  	_ =	swait.ge [sflag:s0], $0x8000  }
0x19c: {  	[sflag:s0] =	ssyncset.done $0x0  }
0x19d: {  	s4 =	rddreg [dreg:$0x9];
	[sflag:s0] =	ssyncadd.s32 $0xFFFF8000  }
0x19e: {  	[hbm4b:s4+s3] =	stream.linear.scatter [tilespmem:s14], [sflag:$0x6], $0x8000, $0x38;
	[tilespmem:$0x18200] =	vst v63  }
0x19f: {  	_ =	swait.ge [sflag:s13], $0x8000  }
0x1a0: {  	[sflag:s13] =	ssyncset.done $0x0  }
0x1a1: {  	[sflag:s13] =	ssyncadd.s32 $0xFFFF8000  }
0x1a2: {  	v4 =	vld [tilespmem:$0x80];
	_ =	sdelay $0x4  }
0x1a3: {  	v5 =	vshll.u32 v4, $0x4  }
0x1a4: {  	v4 =	vand.u32 $0x7, v4;
	v5 =	vand.u32 $0xFFFFFF80, v5  }
0x1a5: {  	v4 =	vor.u32 v4, v5  }
0x1a6: {  	v5 =	vperm.xlane v4, v1;
	_ =	sdelay $0x1  }
0x1a7: {  	v5 =	vadd.s32 v2, v5;
	_ =	sdelay $0x4  }
0x1a8: {  	[tilespmem:s14], [sflag:$0x3] =	stream.indirect_vreg.gather [hbm4b:s1+s3], $0x80, v5, vm0, $0xb8;
	[tilespmem:$0x18200] =	vst v63  }
0x1a9: {  	s4 =	simm.s32 $0x10A00  }
0x1aa: {  	[tilespmem:s4], [sflag:$0x3] =	stream.indirect_vreg.gather [hbm4b:s5+s3], $0x80, v5, vm0, $0xb8;
	[tilespmem:$0x18200] =	vst v63  }
0x1ab: {  	s4 =	simm.s32 $0x11200  }
0x1ac: {  	[tilespmem:s4], [sflag:$0x3] =	stream.indirect_vreg.gather [hbm4b:s6+s3], $0x80, v5, vm0, $0xb8;
	[tilespmem:$0x18200] =	vst v63  }
0x1ad: {  	s4 =	simm.s32 $0x11A00  }
0x1ae: {  	[tilespmem:s4], [sflag:$0x3] =	stream.indirect_vreg.gather [hbm4b:s7+s3], $0x80, v5, vm0, $0xb8;
	[tilespmem:$0x18200] =	vst v63  }
0x1af: {  	s4 =	simm.s32 $0x12200  }
0x1b0: {  	[tilespmem:s4], [sflag:$0x3] =	stream.indirect_vreg.gather [hbm4b:s8+s3], $0x80, v5, vm0, $0xb8;
	[tilespmem:$0x18200] =	vst v63  }
0x1b1: {  	v4 =	vperm.xlane v4, v3;
	s4 =	simm.s32 $0x12A00  }
0x1b2: {  	[tilespmem:s4], [sflag:$0x3] =	stream.indirect_vreg.gather [hbm4b:s9+s3], $0x80, v5, vm0, $0xb8;
	[tilespmem:$0x18200] =	vst v63  }
0x1b3: {  	v4 =	vadd.s32 v2, v4;
	s4 =	simm.s32 $0x13200  }
0x1b4: {  	[tilespmem:s4], [sflag:$0x3] =	stream.indirect_vreg.gather [hbm4b:s10+s3], $0x80, v5, vm0, $0xb8;
	[tilespmem:$0x18200] =	vst v63  }
0x1b5: {  	s4 =	simm.s32 $0x13A00  }
0x1b6: {  	[tilespmem:s4], [sflag:$0x3] =	stream.indirect_vreg.gather [hbm4b:s11+s3], $0x80, v5, vm0, $0xb8;
	[tilespmem:$0x18200] =	vst v63  }
0x1b7: {  	s4 =	simm.s32 $0x14200  }
0x1b8: {  	[tilespmem:s4], [sflag:$0x3] =	stream.indirect_vreg.gather [hbm4b:s1+s3], $0x80, v4, vm0, $0xb8;
	[tilespmem:$0x18200] =	vst v63  }
0x1b9: {  	s4 =	simm.s32 $0x14A00  }
0x1ba: {  	[tilespmem:s4], [sflag:$0x3] =	stream.indirect_vreg.gather [hbm4b:s5+s3], $0x80, v4, vm0, $0xb8;
	[tilespmem:$0x18200] =	vst v63  }
0x1bb: {  	s4 =	simm.s32 $0x15200  }
0x1bc: {  	[tilespmem:s4], [sflag:$0x3] =	stream.indirect_vreg.gather [hbm4b:s6+s3], $0x80, v4, vm0, $0xb8;
	[tilespmem:$0x18200] =	vst v63  }
0x1bd: {  	s4 =	simm.s32 $0x15A00  }
0x1be: {  	[tilespmem:s4], [sflag:$0x3] =	stream.indirect_vreg.gather [hbm4b:s7+s3], $0x80, v4, vm0, $0xb8;
	[tilespmem:$0x18200] =	vst v63  }
0x1bf: {  	s4 =	simm.s32 $0x16200  }
0x1c0: {  	[tilespmem:s4], [sflag:$0x3] =	stream.indirect_vreg.gather [hbm4b:s8+s3], $0x80, v4, vm0, $0xb8;
	[tilespmem:$0x18200] =	vst v63  }
0x1c1: {  	s4 =	simm.s32 $0x16A00  }
0x1c2: {  	[tilespmem:s4], [sflag:$0x3] =	stream.indirect_vreg.gather [hbm4b:s9+s3], $0x80, v4, vm0, $0xb8;
	[tilespmem:$0x18200] =	vst v63  }
0x1c3: {  	s4 =	simm.s32 $0x17200  }
0x1c4: {  	[tilespmem:s4], [sflag:$0x3] =	stream.indirect_vreg.gather [hbm4b:s10+s3], $0x80, v4, vm0, $0xb8;
	[tilespmem:$0x18200] =	vst v63  }
0x1c5: {  	s4 =	simm.s32 $0x17A00  }
0x1c6: {  	[tilespmem:s4], [sflag:$0x3] =	stream.indirect_vreg.gather [hbm4b:s11+s3], $0x80, v4, vm0, $0xb8;
	[tilespmem:$0x18200] =	vst v63  }
0x1c7: {  	_ =	swait.ge [sflag:s28], $0x8000  }
0x1c8: {  	[sflag:s28] =	ssyncset.done $0x0  }
0x1c9: {  	s4 =	rddreg [dreg:$0xa];
	[sflag:s28] =	ssyncadd.s32 $0xFFFF8000  }
0x1ca: {  	[hbm4b:s4+s3] =	stream.linear.scatter [tilespmem:s31], [sflag:$0x4], $0x8000, $0x38;
	[tilespmem:$0x18200] =	vst v63  }
0x1cb: {  	_ =	swait.ge [sflag:s29], $0x8000  }
0x1cc: {  	[sflag:s29] =	ssyncset.done $0x0  }
0x1cd: {  	[sflag:s29] =	ssyncadd.s32 $0xFFFF8000  }
0x1ce: {  	v4 =	vld [tilespmem:$0x90];
	_ =	sdelay $0x4  }
0x1cf: {  	v5 =	vshll.u32 v4, $0x4  }
0x1d0: {  	v4 =	vand.u32 $0x7, v4;
	v5 =	vand.u32 $0xFFFFFF80, v5  }
0x1d1: {  	v4 =	vor.u32 v4, v5  }
0x1d2: {  	v5 =	vperm.xlane v4, v1;
	_ =	sdelay $0x1  }
0x1d3: {  	v5 =	vadd.s32 v2, v5;
	_ =	sdelay $0x4  }
0x1d4: {  	[tilespmem:s31], [sflag:$0x1] =	stream.indirect_vreg.gather [hbm4b:s1+s3], $0x80, v5, vm0, $0xb8;
	[tilespmem:$0x18200] =	vst v63  }
0x1d5: {  	s4 =	simm.s32 $0xA00  }
0x1d6: {  	[tilespmem:s4], [sflag:$0x1] =	stream.indirect_vreg.gather [hbm4b:s5+s3], $0x80, v5, vm0, $0xb8;
	[tilespmem:$0x18200] =	vst v63  }
0x1d7: {  	s4 =	simm.s32 $0x1200  }
0x1d8: {  	[tilespmem:s4], [sflag:$0x1] =	stream.indirect_vreg.gather [hbm4b:s6+s3], $0x80, v5, vm0, $0xb8;
	[tilespmem:$0x18200] =	vst v63  }
0x1d9: {  	s4 =	simm.s32 $0x1A00  }
0x1da: {  	[tilespmem:s4], [sflag:$0x1] =	stream.indirect_vreg.gather [hbm4b:s7+s3], $0x80, v5, vm0, $0xb8;
	[tilespmem:$0x18200] =	vst v63  }
0x1db: {  	s4 =	simm.s32 $0x2200  }
0x1dc: {  	[tilespmem:s4], [sflag:$0x1] =	stream.indirect_vreg.gather [hbm4b:s8+s3], $0x80, v5, vm0, $0xb8;
	[tilespmem:$0x18200] =	vst v63  }
0x1dd: {  	v4 =	vperm.xlane v4, v3;
	s4 =	simm.s32 $0x2A00  }
0x1de: {  	[tilespmem:s4], [sflag:$0x1] =	stream.indirect_vreg.gather [hbm4b:s9+s3], $0x80, v5, vm0, $0xb8;
	[tilespmem:$0x18200] =	vst v63  }
0x1df: {  	v4 =	vadd.s32 v2, v4;
	s4 =	simm.s32 $0x3200  }
0x1e0: {  	[tilespmem:s4], [sflag:$0x1] =	stream.indirect_vreg.gather [hbm4b:s10+s3], $0x80, v5, vm0, $0xb8;
	[tilespmem:$0x18200] =	vst v63  }
0x1e1: {  	s4 =	simm.s32 $0x3A00  }
0x1e2: {  	[tilespmem:s4], [sflag:$0x1] =	stream.indirect_vreg.gather [hbm4b:s11+s3], $0x80, v5, vm0, $0xb8;
	[tilespmem:$0x18200] =	vst v63  }
0x1e3: {  	s4 =	simm.s32 $0x4200  }
0x1e4: {  	[tilespmem:s4], [sflag:$0x1] =	stream.indirect_vreg.gather [hbm4b:s1+s3], $0x80, v4, vm0, $0xb8;
	[tilespmem:$0x18200] =	vst v63  }
0x1e5: {  	s4 =	simm.s32 $0x4A00  }
0x1e6: {  	[tilespmem:s4], [sflag:$0x1] =	stream.indirect_vreg.gather [hbm4b:s5+s3], $0x80, v4, vm0, $0xb8;
	[tilespmem:$0x18200] =	vst v63  }
0x1e7: {  	s4 =	simm.s32 $0x5200  }
0x1e8: {  	[tilespmem:s4], [sflag:$0x1] =	stream.indirect_vreg.gather [hbm4b:s6+s3], $0x80, v4, vm0, $0xb8;
	[tilespmem:$0x18200] =	vst v63  }
0x1e9: {  	s4 =	simm.s32 $0x5A00  }
0x1ea: {  	[tilespmem:s4], [sflag:$0x1] =	stream.indirect_vreg.gather [hbm4b:s7+s3], $0x80, v4, vm0, $0xb8;
	[tilespmem:$0x18200] =	vst v63  }
0x1eb: {  	s4 =	simm.s32 $0x6200  }
0x1ec: {  	[tilespmem:s4], [sflag:$0x1] =	stream.indirect_vreg.gather [hbm4b:s8+s3], $0x80, v4, vm0, $0xb8;
	[tilespmem:$0x18200] =	vst v63  }
0x1ed: {  	s4 =	simm.s32 $0x6A00  }
0x1ee: {  	[tilespmem:s4], [sflag:$0x1] =	stream.indirect_vreg.gather [hbm4b:s9+s3], $0x80, v4, vm0, $0xb8;
	[tilespmem:$0x18200] =	vst v63  }
0x1ef: {  	s4 =	simm.s32 $0x7200  }
0x1f0: {  	[tilespmem:s4], [sflag:$0x1] =	stream.indirect_vreg.gather [hbm4b:s10+s3], $0x80, v4, vm0, $0xb8;
	[tilespmem:$0x18200] =	vst v63  }
0x1f1: {  	s4 =	simm.s32 $0x7A00  }
0x1f2: {  	[tilespmem:s4], [sflag:$0x1] =	stream.indirect_vreg.gather [hbm4b:s11+s3], $0x80, v4, vm0, $0xb8;
	[tilespmem:$0x18200] =	vst v63  }
0x1f3: {  	_ =	swait.ge [sflag:s30], $0x8000  }
0x1f4: {  	[sflag:s30] =	ssyncset.done $0x0  }
0x1f5: {  	s4 =	rddreg [dreg:$0xb];
	[sflag:s30] =	ssyncadd.s32 $0xFFFF8000  }
0x1f6: {  	[hbm4b:s4+s3] =	stream.linear.scatter [tilespmem:s12], [sflag:$0x5], $0x8000, $0x38;
	[tilespmem:$0x18200] =	vst v63  }
0x1f7: {  	_ =	swait.ge [sflag:s2], $0x8000  }
0x1f8: {  	[sflag:s2] =	ssyncset.done $0x0  }
0x1f9: {  	[sflag:s2] =	ssyncadd.s32 $0xFFFF8000  }
0x1fa: {  	v4 =	vld [tilespmem:$0xA0];
	_ =	sdelay $0x4  }
0x1fb: {  	v5 =	vshll.u32 v4, $0x4  }
0x1fc: {  	v4 =	vand.u32 $0x7, v4;
	v5 =	vand.u32 $0xFFFFFF80, v5  }
0x1fd: {  	v4 =	vor.u32 v4, v5  }
0x1fe: {  	v5 =	vperm.xlane v4, v1;
	_ =	sdelay $0x1  }
0x1ff: {  	v5 =	vadd.s32 v2, v5;
	_ =	sdelay $0x4  }
0x200: {  	[tilespmem:s12], [sflag:$0x2] =	stream.indirect_vreg.gather [hbm4b:s1+s3], $0x80, v5, vm0, $0xb8;
	[tilespmem:$0x18200] =	vst v63  }
0x201: {  	s4 =	simm.s32 $0x8A00  }
0x202: {  	[tilespmem:s4], [sflag:$0x2] =	stream.indirect_vreg.gather [hbm4b:s5+s3], $0x80, v5, vm0, $0xb8;
	[tilespmem:$0x18200] =	vst v63  }
0x203: {  	s16 =	simm.s32 $0x9200  }
0x204: {  	[tilespmem:s16], [sflag:$0x2] =	stream.indirect_vreg.gather [hbm4b:s6+s3], $0x80, v5, vm0, $0xb8;
	[tilespmem:$0x18200] =	vst v63  }
0x205: {  	s17 =	simm.s32 $0x9A00  }
0x206: {  	[tilespmem:s17], [sflag:$0x2] =	stream.indirect_vreg.gather [hbm4b:s7+s3], $0x80, v5, vm0, $0xb8;
	[tilespmem:$0x18200] =	vst v63  }
0x207: {  	s26 =	simm.s32 $0xA200  }
0x208: {  	[tilespmem:s26], [sflag:$0x2] =	stream.indirect_vreg.gather [hbm4b:s8+s3], $0x80, v5, vm0, $0xb8;
	[tilespmem:$0x18200] =	vst v63  }
0x209: {  	v4 =	vperm.xlane v4, v3;
	s16 =	simm.s32 $0xAA00  }
0x20a: {  	[tilespmem:s16], [sflag:$0x2] =	stream.indirect_vreg.gather [hbm4b:s9+s3], $0x80, v5, vm0, $0xb8;
	[tilespmem:$0x18200] =	vst v63  }
0x20b: {  	s18 =	simm.s32 $0xB200;
	v4 =	vadd.s32 v2, v4  }
0x20c: {  	[tilespmem:s18], [sflag:$0x2] =	stream.indirect_vreg.gather [hbm4b:s10+s3], $0x80, v5, vm0, $0xb8;
	[tilespmem:$0x18200] =	vst v63  }
0x20d: {  	s15 =	simm.s32 $0xBA00  }
0x20e: {  	[tilespmem:s15], [sflag:$0x2] =	stream.indirect_vreg.gather [hbm4b:s11+s3], $0x80, v5, vm0, $0xb8;
	[tilespmem:$0x18200] =	vst v63  }
0x20f: {  	s19 =	simm.s32 $0xC200  }
0x210: {  	[tilespmem:s19], [sflag:$0x2] =	stream.indirect_vreg.gather [hbm4b:s1+s3], $0x80, v4, vm0, $0xb8;
	[tilespmem:$0x18200] =	vst v63  }
0x211: {  	s20 =	simm.s32 $0xCA00  }
0x212: {  	[tilespmem:s20], [sflag:$0x2] =	stream.indirect_vreg.gather [hbm4b:s5+s3], $0x80, v4, vm0, $0xb8;
	[tilespmem:$0x18200] =	vst v63  }
0x213: {  	s21 =	simm.s32 $0xD200  }
0x214: {  	[tilespmem:s21], [sflag:$0x2] =	stream.indirect_vreg.gather [hbm4b:s6+s3], $0x80, v4, vm0, $0xb8;
	[tilespmem:$0x18200] =	vst v63  }
0x215: {  	s22 =	simm.s32 $0xDA00  }
0x216: {  	[tilespmem:s22], [sflag:$0x2] =	stream.indirect_vreg.gather [hbm4b:s7+s3], $0x80, v4, vm0, $0xb8;
	[tilespmem:$0x18200] =	vst v63  }
0x217: {  	s23 =	simm.s32 $0xE200  }
0x218: {  	[tilespmem:s23], [sflag:$0x2] =	stream.indirect_vreg.gather [hbm4b:s8+s3], $0x80, v4, vm0, $0xb8;
	[tilespmem:$0x18200] =	vst v63  }
0x219: {  	s24 =	simm.s32 $0xEA00  }
0x21a: {  	[tilespmem:s24], [sflag:$0x2] =	stream.indirect_vreg.gather [hbm4b:s9+s3], $0x80, v4, vm0, $0xb8;
	[tilespmem:$0x18200] =	vst v63  }
0x21b: {  	s25 =	simm.s32 $0xF200  }
0x21c: {  	[tilespmem:s25], [sflag:$0x2] =	stream.indirect_vreg.gather [hbm4b:s10+s3], $0x80, v4, vm0, $0xb8;
	[tilespmem:$0x18200] =	vst v63  }
0x21d: {  	s25 =	simm.s32 $0xFA00  }
0x21e: {  	[tilespmem:s25], [sflag:$0x2] =	stream.indirect_vreg.gather [hbm4b:s11+s3], $0x80, v4, vm0, $0xb8;
	[tilespmem:$0x18200] =	vst v63  }
0x21f: {  	_ =	swait.ge [sflag:s0], $0x8000  }
0x220: {  	[sflag:s0] =	ssyncset.done $0x0  }
0x221: {  	[sflag:s0] =	ssyncadd.s32 $0xFFFF8000  }
0x222: {  	s4 =	rddreg [dreg:$0xc]  }
0x223: {  	[hbm4b:s4+s3] =	stream.linear.scatter [tilespmem:s14], [sflag:$0x6], $0x8000, $0x38;
	[tilespmem:$0x18200] =	vst v63  }
0x224: {  	_ =	swait.ge [sflag:s13], $0x8000  }
0x225: {  	[sflag:s13] =	ssyncset.done $0x0  }
0x226: {  	[sflag:s13] =	ssyncadd.s32 $0xFFFF8000  }
0x227: {  	v4 =	vld [tilespmem:$0xB0];
	_ =	sdelay $0x4  }
0x228: {  	v5 =	vshll.u32 v4, $0x4  }
0x229: {  	v4 =	vand.u32 $0x7, v4;
	v5 =	vand.u32 $0xFFFFFF80, v5  }
0x22a: {  	v4 =	vor.u32 v4, v5  }
0x22b: {  	v5 =	vperm.xlane v4, v1;
	_ =	sdelay $0x1  }
0x22c: {  	v5 =	vadd.s32 v2, v5;
	_ =	sdelay $0x4  }
0x22d: {  	[tilespmem:s14], [sflag:$0x3] =	stream.indirect_vreg.gather [hbm4b:s1+s3], $0x80, v5, vm0, $0xb8;
	[tilespmem:$0x18200] =	vst v63  }
0x22e: {  	s4 =	simm.s32 $0x10A00  }
0x22f: {  	[tilespmem:s4], [sflag:$0x3] =	stream.indirect_vreg.gather [hbm4b:s5+s3], $0x80, v5, vm0, $0xb8;
	[tilespmem:$0x18200] =	vst v63  }
0x230: {  	s4 =	simm.s32 $0x11200  }
0x231: {  	[tilespmem:s4], [sflag:$0x3] =	stream.indirect_vreg.gather [hbm4b:s6+s3], $0x80, v5, vm0, $0xb8;
	[tilespmem:$0x18200] =	vst v63  }
0x232: {  	s4 =	simm.s32 $0x11A00  }
0x233: {  	[tilespmem:s4], [sflag:$0x3] =	stream.indirect_vreg.gather [hbm4b:s7+s3], $0x80, v5, vm0, $0xb8;
	[tilespmem:$0x18200] =	vst v63  }
0x234: {  	s4 =	simm.s32 $0x12200  }
0x235: {  	[tilespmem:s4], [sflag:$0x3] =	stream.indirect_vreg.gather [hbm4b:s8+s3], $0x80, v5, vm0, $0xb8;
	[tilespmem:$0x18200] =	vst v63  }
0x236: {  	v4 =	vperm.xlane v4, v3;
	s4 =	simm.s32 $0x12A00  }
0x237: {  	[tilespmem:s4], [sflag:$0x3] =	stream.indirect_vreg.gather [hbm4b:s9+s3], $0x80, v5, vm0, $0xb8;
	[tilespmem:$0x18200] =	vst v63  }
0x238: {  	v4 =	vadd.s32 v2, v4;
	s4 =	simm.s32 $0x13200  }
0x239: {  	[tilespmem:s4], [sflag:$0x3] =	stream.indirect_vreg.gather [hbm4b:s10+s3], $0x80, v5, vm0, $0xb8;
	[tilespmem:$0x18200] =	vst v63  }
0x23a: {  	s4 =	simm.s32 $0x13A00  }
0x23b: {  	[tilespmem:s4], [sflag:$0x3] =	stream.indirect_vreg.gather [hbm4b:s11+s3], $0x80, v5, vm0, $0xb8;
	[tilespmem:$0x18200] =	vst v63  }
0x23c: {  	s4 =	simm.s32 $0x14200  }
0x23d: {  	[tilespmem:s4], [sflag:$0x3] =	stream.indirect_vreg.gather [hbm4b:s1+s3], $0x80, v4, vm0, $0xb8;
	[tilespmem:$0x18200] =	vst v63  }
0x23e: {  	s4 =	simm.s32 $0x14A00  }
0x23f: {  	[tilespmem:s4], [sflag:$0x3] =	stream.indirect_vreg.gather [hbm4b:s5+s3], $0x80, v4, vm0, $0xb8;
	[tilespmem:$0x18200] =	vst v63  }
0x240: {  	s4 =	simm.s32 $0x15200  }
0x241: {  	[tilespmem:s4], [sflag:$0x3] =	stream.indirect_vreg.gather [hbm4b:s6+s3], $0x80, v4, vm0, $0xb8;
	[tilespmem:$0x18200] =	vst v63  }
0x242: {  	s4 =	simm.s32 $0x15A00  }
0x243: {  	[tilespmem:s4], [sflag:$0x3] =	stream.indirect_vreg.gather [hbm4b:s7+s3], $0x80, v4, vm0, $0xb8;
	[tilespmem:$0x18200] =	vst v63  }
0x244: {  	s4 =	simm.s32 $0x16200  }
0x245: {  	[tilespmem:s4], [sflag:$0x3] =	stream.indirect_vreg.gather [hbm4b:s8+s3], $0x80, v4, vm0, $0xb8;
	[tilespmem:$0x18200] =	vst v63  }
0x246: {  	s4 =	simm.s32 $0x16A00  }
0x247: {  	[tilespmem:s4], [sflag:$0x3] =	stream.indirect_vreg.gather [hbm4b:s9+s3], $0x80, v4, vm0, $0xb8;
	[tilespmem:$0x18200] =	vst v63  }
0x248: {  	s4 =	simm.s32 $0x17200  }
0x249: {  	[tilespmem:s4], [sflag:$0x3] =	stream.indirect_vreg.gather [hbm4b:s10+s3], $0x80, v4, vm0, $0xb8;
	[tilespmem:$0x18200] =	vst v63  }
0x24a: {  	s4 =	simm.s32 $0x17A00  }
0x24b: {  	[tilespmem:s4], [sflag:$0x3] =	stream.indirect_vreg.gather [hbm4b:s11+s3], $0x80, v4, vm0, $0xb8;
	[tilespmem:$0x18200] =	vst v63  }
0x24c: {  	_ =	swait.ge [sflag:s28], $0x8000  }
0x24d: {  	[sflag:s28] =	ssyncset.done $0x0  }
0x24e: {  	s4 =	rddreg [dreg:$0xd];
	[sflag:s28] =	ssyncadd.s32 $0xFFFF8000  }
0x24f: {  	[hbm4b:s4+s3] =	stream.linear.scatter [tilespmem:s31], [sflag:$0x4], $0x8000, $0x38;
	[tilespmem:$0x18200] =	vst v63  }
0x250: {  	_ =	swait.ge [sflag:s29], $0x8000  }
0x251: {  	[sflag:s29] =	ssyncset.done $0x0  }
0x252: {  	[sflag:s29] =	ssyncadd.s32 $0xFFFF8000  }
0x253: {  	v4 =	vld [tilespmem:$0xC0];
	_ =	sdelay $0x4  }
0x254: {  	v5 =	vshll.u32 v4, $0x4  }
0x255: {  	v4 =	vand.u32 $0x7, v4;
	v5 =	vand.u32 $0xFFFFFF80, v5  }
0x256: {  	v4 =	vor.u32 v4, v5  }
0x257: {  	v5 =	vperm.xlane v4, v1;
	_ =	sdelay $0x1  }
0x258: {  	v5 =	vadd.s32 v2, v5;
	_ =	sdelay $0x4  }
0x259: {  	[tilespmem:s31], [sflag:$0x1] =	stream.indirect_vreg.gather [hbm4b:s1+s3], $0x80, v5, vm0, $0xb8;
	[tilespmem:$0x18200] =	vst v63  }
0x25a: {  	s4 =	simm.s32 $0xA00  }
0x25b: {  	[tilespmem:s4], [sflag:$0x1] =	stream.indirect_vreg.gather [hbm4b:s5+s3], $0x80, v5, vm0, $0xb8;
	[tilespmem:$0x18200] =	vst v63  }
0x25c: {  	s4 =	simm.s32 $0x1200  }
0x25d: {  	[tilespmem:s4], [sflag:$0x1] =	stream.indirect_vreg.gather [hbm4b:s6+s3], $0x80, v5, vm0, $0xb8;
	[tilespmem:$0x18200] =	vst v63  }
0x25e: {  	s4 =	simm.s32 $0x1A00  }
0x25f: {  	[tilespmem:s4], [sflag:$0x1] =	stream.indirect_vreg.gather [hbm4b:s7+s3], $0x80, v5, vm0, $0xb8;
	[tilespmem:$0x18200] =	vst v63  }
0x260: {  	s4 =	simm.s32 $0x2200  }
0x261: {  	[tilespmem:s4], [sflag:$0x1] =	stream.indirect_vreg.gather [hbm4b:s8+s3], $0x80, v5, vm0, $0xb8;
	[tilespmem:$0x18200] =	vst v63  }
0x262: {  	v4 =	vperm.xlane v4, v3;
	s4 =	simm.s32 $0x2A00  }
0x263: {  	[tilespmem:s4], [sflag:$0x1] =	stream.indirect_vreg.gather [hbm4b:s9+s3], $0x80, v5, vm0, $0xb8;
	[tilespmem:$0x18200] =	vst v63  }
0x264: {  	v4 =	vadd.s32 v2, v4;
	s4 =	simm.s32 $0x3200  }
0x265: {  	[tilespmem:s4], [sflag:$0x1] =	stream.indirect_vreg.gather [hbm4b:s10+s3], $0x80, v5, vm0, $0xb8;
	[tilespmem:$0x18200] =	vst v63  }
0x266: {  	s4 =	simm.s32 $0x3A00  }
0x267: {  	[tilespmem:s4], [sflag:$0x1] =	stream.indirect_vreg.gather [hbm4b:s11+s3], $0x80, v5, vm0, $0xb8;
	[tilespmem:$0x18200] =	vst v63  }
0x268: {  	s4 =	simm.s32 $0x4200  }
0x269: {  	[tilespmem:s4], [sflag:$0x1] =	stream.indirect_vreg.gather [hbm4b:s1+s3], $0x80, v4, vm0, $0xb8;
	[tilespmem:$0x18200] =	vst v63  }
0x26a: {  	s4 =	simm.s32 $0x4A00  }
0x26b: {  	[tilespmem:s4], [sflag:$0x1] =	stream.indirect_vreg.gather [hbm4b:s5+s3], $0x80, v4, vm0, $0xb8;
	[tilespmem:$0x18200] =	vst v63  }
0x26c: {  	s4 =	simm.s32 $0x5200  }
0x26d: {  	[tilespmem:s4], [sflag:$0x1] =	stream.indirect_vreg.gather [hbm4b:s6+s3], $0x80, v4, vm0, $0xb8;
	[tilespmem:$0x18200] =	vst v63  }
0x26e: {  	s4 =	simm.s32 $0x5A00  }
0x26f: {  	[tilespmem:s4], [sflag:$0x1] =	stream.indirect_vreg.gather [hbm4b:s7+s3], $0x80, v4, vm0, $0xb8;
	[tilespmem:$0x18200] =	vst v63  }
0x270: {  	s4 =	simm.s32 $0x6200  }
0x271: {  	[tilespmem:s4], [sflag:$0x1] =	stream.indirect_vreg.gather [hbm4b:s8+s3], $0x80, v4, vm0, $0xb8;
	[tilespmem:$0x18200] =	vst v63  }
0x272: {  	s4 =	simm.s32 $0x6A00  }
0x273: {  	[tilespmem:s4], [sflag:$0x1] =	stream.indirect_vreg.gather [hbm4b:s9+s3], $0x80, v4, vm0, $0xb8;
	[tilespmem:$0x18200] =	vst v63  }
0x274: {  	s4 =	simm.s32 $0x7200  }
0x275: {  	[tilespmem:s4], [sflag:$0x1] =	stream.indirect_vreg.gather [hbm4b:s10+s3], $0x80, v4, vm0, $0xb8;
	[tilespmem:$0x18200] =	vst v63  }
0x276: {  	s4 =	simm.s32 $0x7A00  }
0x277: {  	[tilespmem:s4], [sflag:$0x1] =	stream.indirect_vreg.gather [hbm4b:s11+s3], $0x80, v4, vm0, $0xb8;
	[tilespmem:$0x18200] =	vst v63  }
0x278: {  	_ =	swait.ge [sflag:s30], $0x8000  }
0x279: {  	[sflag:s30] =	ssyncset.done $0x0  }
0x27a: {  	s4 =	rddreg [dreg:$0xe];
	[sflag:s30] =	ssyncadd.s32 $0xFFFF8000  }
0x27b: {  	[hbm4b:s4+s3] =	stream.linear.scatter [tilespmem:s12], [sflag:$0x5], $0x8000, $0x38;
	[tilespmem:$0x18200] =	vst v63  }
0x27c: {  	_ =	swait.ge [sflag:s2], $0x8000  }
0x27d: {  	[sflag:s2] =	ssyncset.done $0x0  }
0x27e: {  	[sflag:s2] =	ssyncadd.s32 $0xFFFF8000  }
0x27f: {  	v4 =	vld [tilespmem:$0xD0];
	_ =	sdelay $0x4  }
0x280: {  	v5 =	vshll.u32 v4, $0x4  }
0x281: {  	v4 =	vand.u32 $0x7, v4;
	v5 =	vand.u32 $0xFFFFFF80, v5  }
0x282: {  	v4 =	vor.u32 v4, v5  }
0x283: {  	v5 =	vperm.xlane v4, v1;
	_ =	sdelay $0x1  }
0x284: {  	v5 =	vadd.s32 v2, v5;
	_ =	sdelay $0x4  }
0x285: {  	[tilespmem:s12], [sflag:$0x2] =	stream.indirect_vreg.gather [hbm4b:s1+s3], $0x80, v5, vm0, $0xb8;
	[tilespmem:$0x18200] =	vst v63  }
0x286: {  	s4 =	simm.s32 $0x8A00  }
0x287: {  	[tilespmem:s4], [sflag:$0x2] =	stream.indirect_vreg.gather [hbm4b:s5+s3], $0x80, v5, vm0, $0xb8;
	[tilespmem:$0x18200] =	vst v63  }
0x288: {  	s4 =	simm.s32 $0x9200  }
0x289: {  	[tilespmem:s4], [sflag:$0x2] =	stream.indirect_vreg.gather [hbm4b:s6+s3], $0x80, v5, vm0, $0xb8;
	[tilespmem:$0x18200] =	vst v63  }
0x28a: {  	s17 =	simm.s32 $0x9A00  }
0x28b: {  	[tilespmem:s17], [sflag:$0x2] =	stream.indirect_vreg.gather [hbm4b:s7+s3], $0x80, v5, vm0, $0xb8;
	[tilespmem:$0x18200] =	vst v63  }
0x28c: {  	s26 =	simm.s32 $0xA200  }
0x28d: {  	[tilespmem:s26], [sflag:$0x2] =	stream.indirect_vreg.gather [hbm4b:s8+s3], $0x80, v5, vm0, $0xb8;
	[tilespmem:$0x18200] =	vst v63  }
0x28e: {  	v4 =	vperm.xlane v4, v3;
	s4 =	simm.s32 $0xAA00  }
0x28f: {  	[tilespmem:s4], [sflag:$0x2] =	stream.indirect_vreg.gather [hbm4b:s9+s3], $0x80, v5, vm0, $0xb8;
	[tilespmem:$0x18200] =	vst v63  }
0x290: {  	s18 =	simm.s32 $0xB200;
	v4 =	vadd.s32 v2, v4  }
0x291: {  	[tilespmem:s18], [sflag:$0x2] =	stream.indirect_vreg.gather [hbm4b:s10+s3], $0x80, v5, vm0, $0xb8;
	[tilespmem:$0x18200] =	vst v63  }
0x292: {  	s16 =	simm.s32 $0xBA00  }
0x293: {  	[tilespmem:s16], [sflag:$0x2] =	stream.indirect_vreg.gather [hbm4b:s11+s3], $0x80, v5, vm0, $0xb8;
	[tilespmem:$0x18200] =	vst v63  }
0x294: {  	s15 =	simm.s32 $0xC200  }
0x295: {  	[tilespmem:s15], [sflag:$0x2] =	stream.indirect_vreg.gather [hbm4b:s1+s3], $0x80, v4, vm0, $0xb8;
	[tilespmem:$0x18200] =	vst v63  }
0x296: {  	s19 =	simm.s32 $0xCA00  }
0x297: {  	[tilespmem:s19], [sflag:$0x2] =	stream.indirect_vreg.gather [hbm4b:s5+s3], $0x80, v4, vm0, $0xb8;
	[tilespmem:$0x18200] =	vst v63  }
0x298: {  	s20 =	simm.s32 $0xD200  }
0x299: {  	[tilespmem:s20], [sflag:$0x2] =	stream.indirect_vreg.gather [hbm4b:s6+s3], $0x80, v4, vm0, $0xb8;
	[tilespmem:$0x18200] =	vst v63  }
0x29a: {  	s21 =	simm.s32 $0xDA00  }
0x29b: {  	[tilespmem:s21], [sflag:$0x2] =	stream.indirect_vreg.gather [hbm4b:s7+s3], $0x80, v4, vm0, $0xb8;
	[tilespmem:$0x18200] =	vst v63  }
0x29c: {  	s22 =	simm.s32 $0xE200  }
0x29d: {  	[tilespmem:s22], [sflag:$0x2] =	stream.indirect_vreg.gather [hbm4b:s8+s3], $0x80, v4, vm0, $0xb8;
	[tilespmem:$0x18200] =	vst v63  }
0x29e: {  	s23 =	simm.s32 $0xEA00  }
0x29f: {  	[tilespmem:s23], [sflag:$0x2] =	stream.indirect_vreg.gather [hbm4b:s9+s3], $0x80, v4, vm0, $0xb8;
	[tilespmem:$0x18200] =	vst v63  }
0x2a0: {  	s24 =	simm.s32 $0xF200  }
0x2a1: {  	[tilespmem:s24], [sflag:$0x2] =	stream.indirect_vreg.gather [hbm4b:s10+s3], $0x80, v4, vm0, $0xb8;
	[tilespmem:$0x18200] =	vst v63  }
0x2a2: {  	s25 =	simm.s32 $0xFA00  }
0x2a3: {  	[tilespmem:s25], [sflag:$0x2] =	stream.indirect_vreg.gather [hbm4b:s11+s3], $0x80, v4, vm0, $0xb8;
	[tilespmem:$0x18200] =	vst v63  }
0x2a4: {  	_ =	swait.ge [sflag:s0], $0x8000  }
0x2a5: {  	[sflag:s0] =	ssyncset.done $0x0  }
0x2a6: {  	s4 =	rddreg [dreg:$0xf];
	[sflag:s0] =	ssyncadd.s32 $0xFFFF8000  }
0x2a7: {  	[hbm4b:s4+s3] =	stream.linear.scatter [tilespmem:s14], [sflag:$0x6], $0x8000, $0x38;
	[tilespmem:$0x18200] =	vst v63  }
0x2a8: {  	_ =	swait.ge [sflag:s13], $0x8000  }
0x2a9: {  	[sflag:s13] =	ssyncset.done $0x0  }
0x2aa: {  	[sflag:s13] =	ssyncadd.s32 $0xFFFF8000  }
0x2ab: {  	v4 =	vld [tilespmem:$0xE0];
	_ =	sdelay $0x4  }
0x2ac: {  	v5 =	vshll.u32 v4, $0x4  }
0x2ad: {  	v4 =	vand.u32 $0x7, v4;
	v5 =	vand.u32 $0xFFFFFF80, v5  }
0x2ae: {  	v4 =	vor.u32 v4, v5  }
0x2af: {  	v5 =	vperm.xlane v4, v1;
	_ =	sdelay $0x1  }
0x2b0: {  	v5 =	vadd.s32 v2, v5;
	_ =	sdelay $0x4  }
0x2b1: {  	[tilespmem:s14], [sflag:$0x3] =	stream.indirect_vreg.gather [hbm4b:s1+s3], $0x80, v5, vm0, $0xb8;
	[tilespmem:$0x18200] =	vst v63  }
0x2b2: {  	s4 =	simm.s32 $0x10A00  }
0x2b3: {  	[tilespmem:s4], [sflag:$0x3] =	stream.indirect_vreg.gather [hbm4b:s5+s3], $0x80, v5, vm0, $0xb8;
	[tilespmem:$0x18200] =	vst v63  }
0x2b4: {  	s4 =	simm.s32 $0x11200  }
0x2b5: {  	[tilespmem:s4], [sflag:$0x3] =	stream.indirect_vreg.gather [hbm4b:s6+s3], $0x80, v5, vm0, $0xb8;
	[tilespmem:$0x18200] =	vst v63  }
0x2b6: {  	s4 =	simm.s32 $0x11A00  }
0x2b7: {  	[tilespmem:s4], [sflag:$0x3] =	stream.indirect_vreg.gather [hbm4b:s7+s3], $0x80, v5, vm0, $0xb8;
	[tilespmem:$0x18200] =	vst v63  }
0x2b8: {  	s4 =	simm.s32 $0x12200  }
0x2b9: {  	[tilespmem:s4], [sflag:$0x3] =	stream.indirect_vreg.gather [hbm4b:s8+s3], $0x80, v5, vm0, $0xb8;
	[tilespmem:$0x18200] =	vst v63  }
0x2ba: {  	v4 =	vperm.xlane v4, v3;
	s4 =	simm.s32 $0x12A00  }
0x2bb: {  	[tilespmem:s4], [sflag:$0x3] =	stream.indirect_vreg.gather [hbm4b:s9+s3], $0x80, v5, vm0, $0xb8;
	[tilespmem:$0x18200] =	vst v63  }
0x2bc: {  	v4 =	vadd.s32 v2, v4;
	s4 =	simm.s32 $0x13200  }
0x2bd: {  	[tilespmem:s4], [sflag:$0x3] =	stream.indirect_vreg.gather [hbm4b:s10+s3], $0x80, v5, vm0, $0xb8;
	[tilespmem:$0x18200] =	vst v63  }
0x2be: {  	s4 =	simm.s32 $0x13A00  }
0x2bf: {  	[tilespmem:s4], [sflag:$0x3] =	stream.indirect_vreg.gather [hbm4b:s11+s3], $0x80, v5, vm0, $0xb8;
	[tilespmem:$0x18200] =	vst v63  }
0x2c0: {  	s4 =	simm.s32 $0x14200  }
0x2c1: {  	[tilespmem:s4], [sflag:$0x3] =	stream.indirect_vreg.gather [hbm4b:s1+s3], $0x80, v4, vm0, $0xb8;
	[tilespmem:$0x18200] =	vst v63  }
0x2c2: {  	s4 =	simm.s32 $0x14A00  }
0x2c3: {  	[tilespmem:s4], [sflag:$0x3] =	stream.indirect_vreg.gather [hbm4b:s5+s3], $0x80, v4, vm0, $0xb8;
	[tilespmem:$0x18200] =	vst v63  }
0x2c4: {  	s4 =	simm.s32 $0x15200  }
0x2c5: {  	[tilespmem:s4], [sflag:$0x3] =	stream.indirect_vreg.gather [hbm4b:s6+s3], $0x80, v4, vm0, $0xb8;
	[tilespmem:$0x18200] =	vst v63  }
0x2c6: {  	s4 =	simm.s32 $0x15A00  }
0x2c7: {  	[tilespmem:s4], [sflag:$0x3] =	stream.indirect_vreg.gather [hbm4b:s7+s3], $0x80, v4, vm0, $0xb8;
	[tilespmem:$0x18200] =	vst v63  }
0x2c8: {  	s4 =	simm.s32 $0x16200  }
0x2c9: {  	[tilespmem:s4], [sflag:$0x3] =	stream.indirect_vreg.gather [hbm4b:s8+s3], $0x80, v4, vm0, $0xb8;
	[tilespmem:$0x18200] =	vst v63  }
0x2ca: {  	s4 =	simm.s32 $0x16A00  }
0x2cb: {  	[tilespmem:s4], [sflag:$0x3] =	stream.indirect_vreg.gather [hbm4b:s9+s3], $0x80, v4, vm0, $0xb8;
	[tilespmem:$0x18200] =	vst v63  }
0x2cc: {  	s4 =	simm.s32 $0x17200  }
0x2cd: {  	[tilespmem:s4], [sflag:$0x3] =	stream.indirect_vreg.gather [hbm4b:s10+s3], $0x80, v4, vm0, $0xb8;
	[tilespmem:$0x18200] =	vst v63  }
0x2ce: {  	s4 =	simm.s32 $0x17A00  }
0x2cf: {  	[tilespmem:s4], [sflag:$0x3] =	stream.indirect_vreg.gather [hbm4b:s11+s3], $0x80, v4, vm0, $0xb8;
	[tilespmem:$0x18200] =	vst v63  }
0x2d0: {  	_ =	swait.ge [sflag:s28], $0x8000  }
0x2d1: {  	[sflag:s28] =	ssyncset.done $0x0  }
0x2d2: {  	s4 =	rddreg [dreg:$0x10];
	[sflag:s28] =	ssyncadd.s32 $0xFFFF8000  }
0x2d3: {  	[hbm4b:s4+s3] =	stream.linear.scatter [tilespmem:s31], [sflag:$0x4], $0x8000, $0x38;
	[tilespmem:$0x18200] =	vst v63  }
0x2d4: {  	_ =	swait.ge [sflag:s29], $0x8000  }
0x2d5: {  	[sflag:s29] =	ssyncset.done $0x0  }
0x2d6: {  	[sflag:s29] =	ssyncadd.s32 $0xFFFF8000  }
0x2d7: {  	v4 =	vld [tilespmem:$0xF0];
	_ =	sdelay $0x4  }
0x2d8: {  	v5 =	vshll.u32 v4, $0x4  }
0x2d9: {  	v4 =	vand.u32 $0x7, v4;
	v5 =	vand.u32 $0xFFFFFF80, v5  }
0x2da: {  	v4 =	vor.u32 v4, v5  }
0x2db: {  	v5 =	vperm.xlane v4, v1;
	_ =	sdelay $0x1  }
0x2dc: {  	v5 =	vadd.s32 v2, v5;
	_ =	sdelay $0x4  }
0x2dd: {  	[tilespmem:s31], [sflag:$0x1] =	stream.indirect_vreg.gather [hbm4b:s1+s3], $0x80, v5, vm0, $0xb8;
	[tilespmem:$0x18200] =	vst v63  }
0x2de: {  	s4 =	simm.s32 $0xA00  }
0x2df: {  	[tilespmem:s4], [sflag:$0x1] =	stream.indirect_vreg.gather [hbm4b:s5+s3], $0x80, v5, vm0, $0xb8;
	[tilespmem:$0x18200] =	vst v63  }
0x2e0: {  	s4 =	simm.s32 $0x1200  }
0x2e1: {  	[tilespmem:s4], [sflag:$0x1] =	stream.indirect_vreg.gather [hbm4b:s6+s3], $0x80, v5, vm0, $0xb8;
	[tilespmem:$0x18200] =	vst v63  }
0x2e2: {  	s4 =	simm.s32 $0x1A00  }
0x2e3: {  	[tilespmem:s4], [sflag:$0x1] =	stream.indirect_vreg.gather [hbm4b:s7+s3], $0x80, v5, vm0, $0xb8;
	[tilespmem:$0x18200] =	vst v63  }
0x2e4: {  	s4 =	simm.s32 $0x2200  }
0x2e5: {  	[tilespmem:s4], [sflag:$0x1] =	stream.indirect_vreg.gather [hbm4b:s8+s3], $0x80, v5, vm0, $0xb8;
	[tilespmem:$0x18200] =	vst v63  }
0x2e6: {  	v4 =	vperm.xlane v4, v3;
	s4 =	simm.s32 $0x2A00  }
0x2e7: {  	[tilespmem:s4], [sflag:$0x1] =	stream.indirect_vreg.gather [hbm4b:s9+s3], $0x80, v5, vm0, $0xb8;
	[tilespmem:$0x18200] =	vst v63  }
0x2e8: {  	v4 =	vadd.s32 v2, v4;
	s4 =	simm.s32 $0x3200  }
0x2e9: {  	[tilespmem:s4], [sflag:$0x1] =	stream.indirect_vreg.gather [hbm4b:s10+s3], $0x80, v5, vm0, $0xb8;
	[tilespmem:$0x18200] =	vst v63  }
0x2ea: {  	s4 =	simm.s32 $0x3A00  }
0x2eb: {  	[tilespmem:s4], [sflag:$0x1] =	stream.indirect_vreg.gather [hbm4b:s11+s3], $0x80, v5, vm0, $0xb8;
	[tilespmem:$0x18200] =	vst v63  }
0x2ec: {  	s4 =	simm.s32 $0x4200  }
0x2ed: {  	[tilespmem:s4], [sflag:$0x1] =	stream.indirect_vreg.gather [hbm4b:s1+s3], $0x80, v4, vm0, $0xb8;
	[tilespmem:$0x18200] =	vst v63  }
0x2ee: {  	s4 =	simm.s32 $0x4A00  }
0x2ef: {  	[tilespmem:s4], [sflag:$0x1] =	stream.indirect_vreg.gather [hbm4b:s5+s3], $0x80, v4, vm0, $0xb8;
	[tilespmem:$0x18200] =	vst v63  }
0x2f0: {  	s4 =	simm.s32 $0x5200  }
0x2f1: {  	[tilespmem:s4], [sflag:$0x1] =	stream.indirect_vreg.gather [hbm4b:s6+s3], $0x80, v4, vm0, $0xb8;
	[tilespmem:$0x18200] =	vst v63  }
0x2f2: {  	s4 =	simm.s32 $0x5A00  }
0x2f3: {  	[tilespmem:s4], [sflag:$0x1] =	stream.indirect_vreg.gather [hbm4b:s7+s3], $0x80, v4, vm0, $0xb8;
	[tilespmem:$0x18200] =	vst v63  }
0x2f4: {  	s4 =	simm.s32 $0x6200  }
0x2f5: {  	[tilespmem:s4], [sflag:$0x1] =	stream.indirect_vreg.gather [hbm4b:s8+s3], $0x80, v4, vm0, $0xb8;
	[tilespmem:$0x18200] =	vst v63  }
0x2f6: {  	s4 =	simm.s32 $0x6A00  }
0x2f7: {  	[tilespmem:s4], [sflag:$0x1] =	stream.indirect_vreg.gather [hbm4b:s9+s3], $0x80, v4, vm0, $0xb8;
	[tilespmem:$0x18200] =	vst v63  }
0x2f8: {  	s4 =	simm.s32 $0x7200  }
0x2f9: {  	[tilespmem:s4], [sflag:$0x1] =	stream.indirect_vreg.gather [hbm4b:s10+s3], $0x80, v4, vm0, $0xb8;
	[tilespmem:$0x18200] =	vst v63  }
0x2fa: {  	s4 =	simm.s32 $0x7A00  }
0x2fb: {  	[tilespmem:s4], [sflag:$0x1] =	stream.indirect_vreg.gather [hbm4b:s11+s3], $0x80, v4, vm0, $0xb8;
	[tilespmem:$0x18200] =	vst v63  }
0x2fc: {  	_ =	swait.ge [sflag:s30], $0x8000  }
0x2fd: {  	[sflag:s30] =	ssyncset.done $0x0  }
0x2fe: {  	s4 =	rddreg [dreg:$0x11];
	[sflag:s30] =	ssyncadd.s32 $0xFFFF8000  }
0x2ff: {  	[hbm4b:s4+s3] =	stream.linear.scatter [tilespmem:s12], [sflag:$0x5], $0x8000, $0x38;
	[tilespmem:$0x18200] =	vst v63  }
0x300: {  	_ =	swait.ge [sflag:s2], $0x8000  }
0x301: {  	[sflag:s2] =	ssyncset.done $0x0  }
0x302: {  	[sflag:s2] =	ssyncadd.s32 $0xFFFF8000  }
0x303: {  	v4 =	vld [tilespmem:$0x100];
	_ =	sdelay $0x4  }
0x304: {  	v5 =	vshll.u32 v4, $0x4  }
0x305: {  	v4 =	vand.u32 $0x7, v4;
	v5 =	vand.u32 $0xFFFFFF80, v5  }
0x306: {  	v4 =	vor.u32 v4, v5  }
0x307: {  	v5 =	vperm.xlane v4, v1;
	_ =	sdelay $0x1  }
0x308: {  	v5 =	vadd.s32 v2, v5;
	_ =	sdelay $0x4  }
0x309: {  	[tilespmem:s12], [sflag:$0x2] =	stream.indirect_vreg.gather [hbm4b:s1+s3], $0x80, v5, vm0, $0xb8;
	[tilespmem:$0x18200] =	vst v63  }
0x30a: {  	s4 =	simm.s32 $0x8A00  }
0x30b: {  	[tilespmem:s4], [sflag:$0x2] =	stream.indirect_vreg.gather [hbm4b:s5+s3], $0x80, v5, vm0, $0xb8;
	[tilespmem:$0x18200] =	vst v63  }
0x30c: {  	s4 =	simm.s32 $0x9200  }
0x30d: {  	[tilespmem:s4], [sflag:$0x2] =	stream.indirect_vreg.gather [hbm4b:s6+s3], $0x80, v5, vm0, $0xb8;
	[tilespmem:$0x18200] =	vst v63  }
0x30e: {  	s17 =	simm.s32 $0x9A00  }
0x30f: {  	[tilespmem:s17], [sflag:$0x2] =	stream.indirect_vreg.gather [hbm4b:s7+s3], $0x80, v5, vm0, $0xb8;
	[tilespmem:$0x18200] =	vst v63  }
0x310: {  	s26 =	simm.s32 $0xA200  }
0x311: {  	[tilespmem:s26], [sflag:$0x2] =	stream.indirect_vreg.gather [hbm4b:s8+s3], $0x80, v5, vm0, $0xb8;
	[tilespmem:$0x18200] =	vst v63  }
0x312: {  	v4 =	vperm.xlane v4, v3;
	s4 =	simm.s32 $0xAA00  }
0x313: {  	[tilespmem:s4], [sflag:$0x2] =	stream.indirect_vreg.gather [hbm4b:s9+s3], $0x80, v5, vm0, $0xb8;
	[tilespmem:$0x18200] =	vst v63  }
0x314: {  	s18 =	simm.s32 $0xB200;
	v4 =	vadd.s32 v2, v4  }
0x315: {  	[tilespmem:s18], [sflag:$0x2] =	stream.indirect_vreg.gather [hbm4b:s10+s3], $0x80, v5, vm0, $0xb8;
	[tilespmem:$0x18200] =	vst v63  }
0x316: {  	s16 =	simm.s32 $0xBA00  }
0x317: {  	[tilespmem:s16], [sflag:$0x2] =	stream.indirect_vreg.gather [hbm4b:s11+s3], $0x80, v5, vm0, $0xb8;
	[tilespmem:$0x18200] =	vst v63  }
0x318: {  	s15 =	simm.s32 $0xC200  }
0x319: {  	[tilespmem:s15], [sflag:$0x2] =	stream.indirect_vreg.gather [hbm4b:s1+s3], $0x80, v4, vm0, $0xb8;
	[tilespmem:$0x18200] =	vst v63  }
0x31a: {  	s19 =	simm.s32 $0xCA00  }
0x31b: {  	[tilespmem:s19], [sflag:$0x2] =	stream.indirect_vreg.gather [hbm4b:s5+s3], $0x80, v4, vm0, $0xb8;
	[tilespmem:$0x18200] =	vst v63  }
0x31c: {  	s20 =	simm.s32 $0xD200  }
0x31d: {  	[tilespmem:s20], [sflag:$0x2] =	stream.indirect_vreg.gather [hbm4b:s6+s3], $0x80, v4, vm0, $0xb8;
	[tilespmem:$0x18200] =	vst v63  }
0x31e: {  	s21 =	simm.s32 $0xDA00  }
0x31f: {  	[tilespmem:s21], [sflag:$0x2] =	stream.indirect_vreg.gather [hbm4b:s7+s3], $0x80, v4, vm0, $0xb8;
	[tilespmem:$0x18200] =	vst v63  }
0x320: {  	s22 =	simm.s32 $0xE200  }
0x321: {  	[tilespmem:s22], [sflag:$0x2] =	stream.indirect_vreg.gather [hbm4b:s8+s3], $0x80, v4, vm0, $0xb8;
	[tilespmem:$0x18200] =	vst v63  }
0x322: {  	s23 =	simm.s32 $0xEA00  }
0x323: {  	[tilespmem:s23], [sflag:$0x2] =	stream.indirect_vreg.gather [hbm4b:s9+s3], $0x80, v4, vm0, $0xb8;
	[tilespmem:$0x18200] =	vst v63  }
0x324: {  	s24 =	simm.s32 $0xF200  }
0x325: {  	[tilespmem:s24], [sflag:$0x2] =	stream.indirect_vreg.gather [hbm4b:s10+s3], $0x80, v4, vm0, $0xb8;
	[tilespmem:$0x18200] =	vst v63  }
0x326: {  	s25 =	simm.s32 $0xFA00  }
0x327: {  	[tilespmem:s25], [sflag:$0x2] =	stream.indirect_vreg.gather [hbm4b:s11+s3], $0x80, v4, vm0, $0xb8;
	[tilespmem:$0x18200] =	vst v63  }
0x328: {  	_ =	swait.ge [sflag:s0], $0x8000  }
0x329: {  	[sflag:s0] =	ssyncset.done $0x0  }
0x32a: {  	s4 =	rddreg [dreg:$0x12];
	[sflag:s0] =	ssyncadd.s32 $0xFFFF8000  }
0x32b: {  	[hbm4b:s4+s3] =	stream.linear.scatter [tilespmem:s14], [sflag:$0x6], $0x8000, $0x38;
	[tilespmem:$0x18200] =	vst v63  }
0x32c: {  	_ =	swait.ge [sflag:s13], $0x8000  }
0x32d: {  	[sflag:s13] =	ssyncset.done $0x0  }
0x32e: {  	[sflag:s13] =	ssyncadd.s32 $0xFFFF8000  }
0x32f: {  	v4 =	vld [tilespmem:$0x110];
	_ =	sdelay $0x4  }
0x330: {  	v5 =	vshll.u32 v4, $0x4  }
0x331: {  	v4 =	vand.u32 $0x7, v4;
	v5 =	vand.u32 $0xFFFFFF80, v5  }
0x332: {  	v4 =	vor.u32 v4, v5  }
0x333: {  	v5 =	vperm.xlane v4, v1;
	_ =	sdelay $0x1  }
0x334: {  	v5 =	vadd.s32 v2, v5;
	_ =	sdelay $0x4  }
0x335: {  	[tilespmem:s14], [sflag:$0x3] =	stream.indirect_vreg.gather [hbm4b:s1+s3], $0x80, v5, vm0, $0xb8;
	[tilespmem:$0x18200] =	vst v63  }
0x336: {  	s4 =	simm.s32 $0x10A00  }
0x337: {  	[tilespmem:s4], [sflag:$0x3] =	stream.indirect_vreg.gather [hbm4b:s5+s3], $0x80, v5, vm0, $0xb8;
	[tilespmem:$0x18200] =	vst v63  }
0x338: {  	s4 =	simm.s32 $0x11200  }
0x339: {  	[tilespmem:s4], [sflag:$0x3] =	stream.indirect_vreg.gather [hbm4b:s6+s3], $0x80, v5, vm0, $0xb8;
	[tilespmem:$0x18200] =	vst v63  }
0x33a: {  	s4 =	simm.s32 $0x11A00  }
0x33b: {  	[tilespmem:s4], [sflag:$0x3] =	stream.indirect_vreg.gather [hbm4b:s7+s3], $0x80, v5, vm0, $0xb8;
	[tilespmem:$0x18200] =	vst v63  }
0x33c: {  	s4 =	simm.s32 $0x12200  }
0x33d: {  	[tilespmem:s4], [sflag:$0x3] =	stream.indirect_vreg.gather [hbm4b:s8+s3], $0x80, v5, vm0, $0xb8;
	[tilespmem:$0x18200] =	vst v63  }
0x33e: {  	v4 =	vperm.xlane v4, v3;
	s4 =	simm.s32 $0x12A00  }
0x33f: {  	[tilespmem:s4], [sflag:$0x3] =	stream.indirect_vreg.gather [hbm4b:s9+s3], $0x80, v5, vm0, $0xb8;
	[tilespmem:$0x18200] =	vst v63  }
0x340: {  	v4 =	vadd.s32 v2, v4;
	s4 =	simm.s32 $0x13200  }
0x341: {  	[tilespmem:s4], [sflag:$0x3] =	stream.indirect_vreg.gather [hbm4b:s10+s3], $0x80, v5, vm0, $0xb8;
	[tilespmem:$0x18200] =	vst v63  }
0x342: {  	s4 =	simm.s32 $0x13A00  }
0x343: {  	[tilespmem:s4], [sflag:$0x3] =	stream.indirect_vreg.gather [hbm4b:s11+s3], $0x80, v5, vm0, $0xb8;
	[tilespmem:$0x18200] =	vst v63  }
0x344: {  	s4 =	simm.s32 $0x14200  }
0x345: {  	[tilespmem:s4], [sflag:$0x3] =	stream.indirect_vreg.gather [hbm4b:s1+s3], $0x80, v4, vm0, $0xb8;
	[tilespmem:$0x18200] =	vst v63  }
0x346: {  	s4 =	simm.s32 $0x14A00  }
0x347: {  	[tilespmem:s4], [sflag:$0x3] =	stream.indirect_vreg.gather [hbm4b:s5+s3], $0x80, v4, vm0, $0xb8;
	[tilespmem:$0x18200] =	vst v63  }
0x348: {  	s4 =	simm.s32 $0x15200  }
0x349: {  	[tilespmem:s4], [sflag:$0x3] =	stream.indirect_vreg.gather [hbm4b:s6+s3], $0x80, v4, vm0, $0xb8;
	[tilespmem:$0x18200] =	vst v63  }
0x34a: {  	s4 =	simm.s32 $0x15A00  }
0x34b: {  	[tilespmem:s4], [sflag:$0x3] =	stream.indirect_vreg.gather [hbm4b:s7+s3], $0x80, v4, vm0, $0xb8;
	[tilespmem:$0x18200] =	vst v63  }
0x34c: {  	s4 =	simm.s32 $0x16200  }
0x34d: {  	[tilespmem:s4], [sflag:$0x3] =	stream.indirect_vreg.gather [hbm4b:s8+s3], $0x80, v4, vm0, $0xb8;
	[tilespmem:$0x18200] =	vst v63  }
0x34e: {  	s4 =	simm.s32 $0x16A00  }
0x34f: {  	[tilespmem:s4], [sflag:$0x3] =	stream.indirect_vreg.gather [hbm4b:s9+s3], $0x80, v4, vm0, $0xb8;
	[tilespmem:$0x18200] =	vst v63  }
0x350: {  	s4 =	simm.s32 $0x17200  }
0x351: {  	[tilespmem:s4], [sflag:$0x3] =	stream.indirect_vreg.gather [hbm4b:s10+s3], $0x80, v4, vm0, $0xb8;
	[tilespmem:$0x18200] =	vst v63  }
0x352: {  	s4 =	simm.s32 $0x17A00  }
0x353: {  	[tilespmem:s4], [sflag:$0x3] =	stream.indirect_vreg.gather [hbm4b:s11+s3], $0x80, v4, vm0, $0xb8;
	[tilespmem:$0x18200] =	vst v63  }
0x354: {  	_ =	swait.ge [sflag:s28], $0x8000  }
0x355: {  	[sflag:s28] =	ssyncset.done $0x0  }
0x356: {  	s4 =	rddreg [dreg:$0x13];
	[sflag:s28] =	ssyncadd.s32 $0xFFFF8000  }
0x357: {  	[hbm4b:s4+s3] =	stream.linear.scatter [tilespmem:s31], [sflag:$0x4], $0x8000, $0x38;
	[tilespmem:$0x18200] =	vst v63  }
0x358: {  	_ =	swait.ge [sflag:s29], $0x8000  }
0x359: {  	[sflag:s29] =	ssyncset.done $0x0  }
0x35a: {  	[sflag:s29] =	ssyncadd.s32 $0xFFFF8000  }
0x35b: {  	v4 =	vld [tilespmem:$0x120];
	_ =	sdelay $0x4  }
0x35c: {  	v5 =	vshll.u32 v4, $0x4  }
0x35d: {  	v4 =	vand.u32 $0x7, v4;
	v5 =	vand.u32 $0xFFFFFF80, v5  }
0x35e: {  	v4 =	vor.u32 v4, v5  }
0x35f: {  	v5 =	vperm.xlane v4, v1;
	_ =	sdelay $0x1  }
0x360: {  	v5 =	vadd.s32 v2, v5;
	_ =	sdelay $0x4  }
0x361: {  	[tilespmem:s31], [sflag:$0x1] =	stream.indirect_vreg.gather [hbm4b:s1+s3], $0x80, v5, vm0, $0xb8;
	[tilespmem:$0x18200] =	vst v63  }
0x362: {  	s4 =	simm.s32 $0xA00  }
0x363: {  	[tilespmem:s4], [sflag:$0x1] =	stream.indirect_vreg.gather [hbm4b:s5+s3], $0x80, v5, vm0, $0xb8;
	[tilespmem:$0x18200] =	vst v63  }
0x364: {  	s4 =	simm.s32 $0x1200  }
0x365: {  	[tilespmem:s4], [sflag:$0x1] =	stream.indirect_vreg.gather [hbm4b:s6+s3], $0x80, v5, vm0, $0xb8;
	[tilespmem:$0x18200] =	vst v63  }
0x366: {  	s4 =	simm.s32 $0x1A00  }
0x367: {  	[tilespmem:s4], [sflag:$0x1] =	stream.indirect_vreg.gather [hbm4b:s7+s3], $0x80, v5, vm0, $0xb8;
	[tilespmem:$0x18200] =	vst v63  }
0x368: {  	s4 =	simm.s32 $0x2200  }
0x369: {  	[tilespmem:s4], [sflag:$0x1] =	stream.indirect_vreg.gather [hbm4b:s8+s3], $0x80, v5, vm0, $0xb8;
	[tilespmem:$0x18200] =	vst v63  }
0x36a: {  	v4 =	vperm.xlane v4, v3;
	s4 =	simm.s32 $0x2A00  }
0x36b: {  	[tilespmem:s4], [sflag:$0x1] =	stream.indirect_vreg.gather [hbm4b:s9+s3], $0x80, v5, vm0, $0xb8;
	[tilespmem:$0x18200] =	vst v63  }
0x36c: {  	v4 =	vadd.s32 v2, v4;
	s4 =	simm.s32 $0x3200  }
0x36d: {  	[tilespmem:s4], [sflag:$0x1] =	stream.indirect_vreg.gather [hbm4b:s10+s3], $0x80, v5, vm0, $0xb8;
	[tilespmem:$0x18200] =	vst v63  }
0x36e: {  	s4 =	simm.s32 $0x3A00  }
0x36f: {  	[tilespmem:s4], [sflag:$0x1] =	stream.indirect_vreg.gather [hbm4b:s11+s3], $0x80, v5, vm0, $0xb8;
	[tilespmem:$0x18200] =	vst v63  }
0x370: {  	s4 =	simm.s32 $0x4200  }
0x371: {  	[tilespmem:s4], [sflag:$0x1] =	stream.indirect_vreg.gather [hbm4b:s1+s3], $0x80, v4, vm0, $0xb8;
	[tilespmem:$0x18200] =	vst v63  }
0x372: {  	s4 =	simm.s32 $0x4A00  }
0x373: {  	[tilespmem:s4], [sflag:$0x1] =	stream.indirect_vreg.gather [hbm4b:s5+s3], $0x80, v4, vm0, $0xb8;
	[tilespmem:$0x18200] =	vst v63  }
0x374: {  	s4 =	simm.s32 $0x5200  }
0x375: {  	[tilespmem:s4], [sflag:$0x1] =	stream.indirect_vreg.gather [hbm4b:s6+s3], $0x80, v4, vm0, $0xb8;
	[tilespmem:$0x18200] =	vst v63  }
0x376: {  	s4 =	simm.s32 $0x5A00  }
0x377: {  	[tilespmem:s4], [sflag:$0x1] =	stream.indirect_vreg.gather [hbm4b:s7+s3], $0x80, v4, vm0, $0xb8;
	[tilespmem:$0x18200] =	vst v63  }
0x378: {  	s4 =	simm.s32 $0x6200  }
0x379: {  	[tilespmem:s4], [sflag:$0x1] =	stream.indirect_vreg.gather [hbm4b:s8+s3], $0x80, v4, vm0, $0xb8;
	[tilespmem:$0x18200] =	vst v63  }
0x37a: {  	s4 =	simm.s32 $0x6A00  }
0x37b: {  	[tilespmem:s4], [sflag:$0x1] =	stream.indirect_vreg.gather [hbm4b:s9+s3], $0x80, v4, vm0, $0xb8;
	[tilespmem:$0x18200] =	vst v63  }
0x37c: {  	s4 =	simm.s32 $0x7200  }
0x37d: {  	[tilespmem:s4], [sflag:$0x1] =	stream.indirect_vreg.gather [hbm4b:s10+s3], $0x80, v4, vm0, $0xb8;
	[tilespmem:$0x18200] =	vst v63  }
0x37e: {  	s4 =	simm.s32 $0x7A00  }
0x37f: {  	[tilespmem:s4], [sflag:$0x1] =	stream.indirect_vreg.gather [hbm4b:s11+s3], $0x80, v4, vm0, $0xb8;
	[tilespmem:$0x18200] =	vst v63  }
0x380: {  	_ =	swait.ge [sflag:s30], $0x8000  }
0x381: {  	[sflag:s30] =	ssyncset.done $0x0  }
0x382: {  	s4 =	rddreg [dreg:$0x14];
	[sflag:s30] =	ssyncadd.s32 $0xFFFF8000  }
0x383: {  	[hbm4b:s4+s3] =	stream.linear.scatter [tilespmem:s12], [sflag:$0x5], $0x8000, $0x38;
	[tilespmem:$0x18200] =	vst v63  }
0x384: {  	_ =	swait.ge [sflag:s2], $0x8000  }
0x385: {  	[sflag:s2] =	ssyncset.done $0x0  }
0x386: {  	[sflag:s2] =	ssyncadd.s32 $0xFFFF8000  }
0x387: {  	v4 =	vld [tilespmem:$0x130];
	_ =	sdelay $0x4  }
0x388: {  	v5 =	vshll.u32 v4, $0x4  }
0x389: {  	v4 =	vand.u32 $0x7, v4;
	v5 =	vand.u32 $0xFFFFFF80, v5  }
0x38a: {  	v4 =	vor.u32 v4, v5  }
0x38b: {  	v5 =	vperm.xlane v4, v1;
	_ =	sdelay $0x1  }
0x38c: {  	v5 =	vadd.s32 v2, v5;
	_ =	sdelay $0x4  }
0x38d: {  	[tilespmem:s12], [sflag:$0x2] =	stream.indirect_vreg.gather [hbm4b:s1+s3], $0x80, v5, vm0, $0xb8;
	[tilespmem:$0x18200] =	vst v63  }
0x38e: {  	s4 =	simm.s32 $0x8A00  }
0x38f: {  	[tilespmem:s4], [sflag:$0x2] =	stream.indirect_vreg.gather [hbm4b:s5+s3], $0x80, v5, vm0, $0xb8;
	[tilespmem:$0x18200] =	vst v63  }
0x390: {  	s4 =	simm.s32 $0x9200  }
0x391: {  	[tilespmem:s4], [sflag:$0x2] =	stream.indirect_vreg.gather [hbm4b:s6+s3], $0x80, v5, vm0, $0xb8;
	[tilespmem:$0x18200] =	vst v63  }
0x392: {  	s17 =	simm.s32 $0x9A00  }
0x393: {  	[tilespmem:s17], [sflag:$0x2] =	stream.indirect_vreg.gather [hbm4b:s7+s3], $0x80, v5, vm0, $0xb8;
	[tilespmem:$0x18200] =	vst v63  }
0x394: {  	s26 =	simm.s32 $0xA200  }
0x395: {  	[tilespmem:s26], [sflag:$0x2] =	stream.indirect_vreg.gather [hbm4b:s8+s3], $0x80, v5, vm0, $0xb8;
	[tilespmem:$0x18200] =	vst v63  }
0x396: {  	v4 =	vperm.xlane v4, v3;
	s4 =	simm.s32 $0xAA00  }
0x397: {  	[tilespmem:s4], [sflag:$0x2] =	stream.indirect_vreg.gather [hbm4b:s9+s3], $0x80, v5, vm0, $0xb8;
	[tilespmem:$0x18200] =	vst v63  }
0x398: {  	s18 =	simm.s32 $0xB200;
	v4 =	vadd.s32 v2, v4  }
0x399: {  	[tilespmem:s18], [sflag:$0x2] =	stream.indirect_vreg.gather [hbm4b:s10+s3], $0x80, v5, vm0, $0xb8;
	[tilespmem:$0x18200] =	vst v63  }
0x39a: {  	s16 =	simm.s32 $0xBA00  }
0x39b: {  	[tilespmem:s16], [sflag:$0x2] =	stream.indirect_vreg.gather [hbm4b:s11+s3], $0x80, v5, vm0, $0xb8;
	[tilespmem:$0x18200] =	vst v63  }
0x39c: {  	s15 =	simm.s32 $0xC200  }
0x39d: {  	[tilespmem:s15], [sflag:$0x2] =	stream.indirect_vreg.gather [hbm4b:s1+s3], $0x80, v4, vm0, $0xb8;
	[tilespmem:$0x18200] =	vst v63  }
0x39e: {  	s19 =	simm.s32 $0xCA00  }
0x39f: {  	[tilespmem:s19], [sflag:$0x2] =	stream.indirect_vreg.gather [hbm4b:s5+s3], $0x80, v4, vm0, $0xb8;
	[tilespmem:$0x18200] =	vst v63  }
0x3a0: {  	s20 =	simm.s32 $0xD200  }
0x3a1: {  	[tilespmem:s20], [sflag:$0x2] =	stream.indirect_vreg.gather [hbm4b:s6+s3], $0x80, v4, vm0, $0xb8;
	[tilespmem:$0x18200] =	vst v63  }
0x3a2: {  	s21 =	simm.s32 $0xDA00  }
0x3a3: {  	[tilespmem:s21], [sflag:$0x2] =	stream.indirect_vreg.gather [hbm4b:s7+s3], $0x80, v4, vm0, $0xb8;
	[tilespmem:$0x18200] =	vst v63  }
0x3a4: {  	s22 =	simm.s32 $0xE200  }
0x3a5: {  	[tilespmem:s22], [sflag:$0x2] =	stream.indirect_vreg.gather [hbm4b:s8+s3], $0x80, v4, vm0, $0xb8;
	[tilespmem:$0x18200] =	vst v63  }
0x3a6: {  	s23 =	simm.s32 $0xEA00  }
0x3a7: {  	[tilespmem:s23], [sflag:$0x2] =	stream.indirect_vreg.gather [hbm4b:s9+s3], $0x80, v4, vm0, $0xb8;
	[tilespmem:$0x18200] =	vst v63  }
0x3a8: {  	s24 =	simm.s32 $0xF200  }
0x3a9: {  	[tilespmem:s24], [sflag:$0x2] =	stream.indirect_vreg.gather [hbm4b:s10+s3], $0x80, v4, vm0, $0xb8;
	[tilespmem:$0x18200] =	vst v63  }
0x3aa: {  	s25 =	simm.s32 $0xFA00  }
0x3ab: {  	[tilespmem:s25], [sflag:$0x2] =	stream.indirect_vreg.gather [hbm4b:s11+s3], $0x80, v4, vm0, $0xb8;
	[tilespmem:$0x18200] =	vst v63  }
0x3ac: {  	_ =	swait.ge [sflag:s0], $0x8000  }
0x3ad: {  	[sflag:s0] =	ssyncset.done $0x0  }
0x3ae: {  	s4 =	rddreg [dreg:$0x15];
	[sflag:s0] =	ssyncadd.s32 $0xFFFF8000  }
0x3af: {  	[hbm4b:s4+s3] =	stream.linear.scatter [tilespmem:s14], [sflag:$0x6], $0x8000, $0x38;
	[tilespmem:$0x18200] =	vst v63  }
0x3b0: {  	_ =	swait.ge [sflag:s13], $0x8000  }
0x3b1: {  	[sflag:s13] =	ssyncset.done $0x0  }
0x3b2: {  	[sflag:s13] =	ssyncadd.s32 $0xFFFF8000  }
0x3b3: {  	v4 =	vld [tilespmem:$0x140];
	_ =	sdelay $0x4  }
0x3b4: {  	v5 =	vshll.u32 v4, $0x4  }
0x3b5: {  	v4 =	vand.u32 $0x7, v4;
	v5 =	vand.u32 $0xFFFFFF80, v5  }
0x3b6: {  	v4 =	vor.u32 v4, v5  }
0x3b7: {  	v5 =	vperm.xlane v4, v1;
	_ =	sdelay $0x1  }
0x3b8: {  	v5 =	vadd.s32 v2, v5;
	_ =	sdelay $0x4  }
0x3b9: {  	[tilespmem:s14], [sflag:$0x3] =	stream.indirect_vreg.gather [hbm4b:s1+s3], $0x80, v5, vm0, $0xb8;
	[tilespmem:$0x18200] =	vst v63  }
0x3ba: {  	s4 =	simm.s32 $0x10A00  }
0x3bb: {  	[tilespmem:s4], [sflag:$0x3] =	stream.indirect_vreg.gather [hbm4b:s5+s3], $0x80, v5, vm0, $0xb8;
	[tilespmem:$0x18200] =	vst v63  }
0x3bc: {  	s4 =	simm.s32 $0x11200  }
0x3bd: {  	[tilespmem:s4], [sflag:$0x3] =	stream.indirect_vreg.gather [hbm4b:s6+s3], $0x80, v5, vm0, $0xb8;
	[tilespmem:$0x18200] =	vst v63  }
0x3be: {  	s4 =	simm.s32 $0x11A00  }
0x3bf: {  	[tilespmem:s4], [sflag:$0x3] =	stream.indirect_vreg.gather [hbm4b:s7+s3], $0x80, v5, vm0, $0xb8;
	[tilespmem:$0x18200] =	vst v63  }
0x3c0: {  	s4 =	simm.s32 $0x12200  }
0x3c1: {  	[tilespmem:s4], [sflag:$0x3] =	stream.indirect_vreg.gather [hbm4b:s8+s3], $0x80, v5, vm0, $0xb8;
	[tilespmem:$0x18200] =	vst v63  }
0x3c2: {  	v4 =	vperm.xlane v4, v3;
	s4 =	simm.s32 $0x12A00  }
0x3c3: {  	[tilespmem:s4], [sflag:$0x3] =	stream.indirect_vreg.gather [hbm4b:s9+s3], $0x80, v5, vm0, $0xb8;
	[tilespmem:$0x18200] =	vst v63  }
0x3c4: {  	v4 =	vadd.s32 v2, v4;
	s4 =	simm.s32 $0x13200  }
0x3c5: {  	[tilespmem:s4], [sflag:$0x3] =	stream.indirect_vreg.gather [hbm4b:s10+s3], $0x80, v5, vm0, $0xb8;
	[tilespmem:$0x18200] =	vst v63  }
0x3c6: {  	s4 =	simm.s32 $0x13A00  }
0x3c7: {  	[tilespmem:s4], [sflag:$0x3] =	stream.indirect_vreg.gather [hbm4b:s11+s3], $0x80, v5, vm0, $0xb8;
	[tilespmem:$0x18200] =	vst v63  }
0x3c8: {  	s4 =	simm.s32 $0x14200  }
0x3c9: {  	[tilespmem:s4], [sflag:$0x3] =	stream.indirect_vreg.gather [hbm4b:s1+s3], $0x80, v4, vm0, $0xb8;
	[tilespmem:$0x18200] =	vst v63  }
0x3ca: {  	s4 =	simm.s32 $0x14A00  }
0x3cb: {  	[tilespmem:s4], [sflag:$0x3] =	stream.indirect_vreg.gather [hbm4b:s5+s3], $0x80, v4, vm0, $0xb8;
	[tilespmem:$0x18200] =	vst v63  }
0x3cc: {  	s4 =	simm.s32 $0x15200  }
0x3cd: {  	[tilespmem:s4], [sflag:$0x3] =	stream.indirect_vreg.gather [hbm4b:s6+s3], $0x80, v4, vm0, $0xb8;
	[tilespmem:$0x18200] =	vst v63  }
0x3ce: {  	s4 =	simm.s32 $0x15A00  }
0x3cf: {  	[tilespmem:s4], [sflag:$0x3] =	stream.indirect_vreg.gather [hbm4b:s7+s3], $0x80, v4, vm0, $0xb8;
	[tilespmem:$0x18200] =	vst v63  }
0x3d0: {  	s4 =	simm.s32 $0x16200  }
0x3d1: {  	[tilespmem:s4], [sflag:$0x3] =	stream.indirect_vreg.gather [hbm4b:s8+s3], $0x80, v4, vm0, $0xb8;
	[tilespmem:$0x18200] =	vst v63  }
0x3d2: {  	s4 =	simm.s32 $0x16A00  }
0x3d3: {  	[tilespmem:s4], [sflag:$0x3] =	stream.indirect_vreg.gather [hbm4b:s9+s3], $0x80, v4, vm0, $0xb8;
	[tilespmem:$0x18200] =	vst v63  }
0x3d4: {  	s4 =	simm.s32 $0x17200  }
0x3d5: {  	[tilespmem:s4], [sflag:$0x3] =	stream.indirect_vreg.gather [hbm4b:s10+s3], $0x80, v4, vm0, $0xb8;
	[tilespmem:$0x18200] =	vst v63  }
0x3d6: {  	s4 =	simm.s32 $0x17A00  }
0x3d7: {  	[tilespmem:s4], [sflag:$0x3] =	stream.indirect_vreg.gather [hbm4b:s11+s3], $0x80, v4, vm0, $0xb8;
	[tilespmem:$0x18200] =	vst v63  }
0x3d8: {  	_ =	swait.ge [sflag:s28], $0x8000  }
0x3d9: {  	[sflag:s28] =	ssyncset.done $0x0  }
0x3da: {  	s4 =	rddreg [dreg:$0x16];
	[sflag:s28] =	ssyncadd.s32 $0xFFFF8000  }
0x3db: {  	[hbm4b:s4+s3] =	stream.linear.scatter [tilespmem:s31], [sflag:$0x4], $0x8000, $0x38;
	[tilespmem:$0x18200] =	vst v63  }
0x3dc: {  	_ =	swait.ge [sflag:s29], $0x8000  }
0x3dd: {  	[sflag:s29] =	ssyncset.done $0x0  }
0x3de: {  	[sflag:s29] =	ssyncadd.s32 $0xFFFF8000  }
0x3df: {  	v4 =	vld [tilespmem:$0x150];
	_ =	sdelay $0x4  }
0x3e0: {  	v5 =	vshll.u32 v4, $0x4  }
0x3e1: {  	v4 =	vand.u32 $0x7, v4;
	v5 =	vand.u32 $0xFFFFFF80, v5  }
0x3e2: {  	v4 =	vor.u32 v4, v5  }
0x3e3: {  	v5 =	vperm.xlane v4, v1;
	_ =	sdelay $0x1  }
0x3e4: {  	v5 =	vadd.s32 v2, v5;
	_ =	sdelay $0x4  }
0x3e5: {  	[tilespmem:s31], [sflag:$0x1] =	stream.indirect_vreg.gather [hbm4b:s1+s3], $0x80, v5, vm0, $0xb8;
	[tilespmem:$0x18200] =	vst v63  }
0x3e6: {  	s4 =	simm.s32 $0xA00  }
0x3e7: {  	[tilespmem:s4], [sflag:$0x1] =	stream.indirect_vreg.gather [hbm4b:s5+s3], $0x80, v5, vm0, $0xb8;
	[tilespmem:$0x18200] =	vst v63  }
0x3e8: {  	s4 =	simm.s32 $0x1200  }
0x3e9: {  	[tilespmem:s4], [sflag:$0x1] =	stream.indirect_vreg.gather [hbm4b:s6+s3], $0x80, v5, vm0, $0xb8;
	[tilespmem:$0x18200] =	vst v63  }
0x3ea: {  	s4 =	simm.s32 $0x1A00  }
0x3eb: {  	[tilespmem:s4], [sflag:$0x1] =	stream.indirect_vreg.gather [hbm4b:s7+s3], $0x80, v5, vm0, $0xb8;
	[tilespmem:$0x18200] =	vst v63  }
0x3ec: {  	s4 =	simm.s32 $0x2200  }
0x3ed: {  	[tilespmem:s4], [sflag:$0x1] =	stream.indirect_vreg.gather [hbm4b:s8+s3], $0x80, v5, vm0, $0xb8;
	[tilespmem:$0x18200] =	vst v63  }
0x3ee: {  	v4 =	vperm.xlane v4, v3;
	s4 =	simm.s32 $0x2A00  }
0x3ef: {  	[tilespmem:s4], [sflag:$0x1] =	stream.indirect_vreg.gather [hbm4b:s9+s3], $0x80, v5, vm0, $0xb8;
	[tilespmem:$0x18200] =	vst v63  }
0x3f0: {  	v4 =	vadd.s32 v2, v4;
	s4 =	simm.s32 $0x3200  }
0x3f1: {  	[tilespmem:s4], [sflag:$0x1] =	stream.indirect_vreg.gather [hbm4b:s10+s3], $0x80, v5, vm0, $0xb8;
	[tilespmem:$0x18200] =	vst v63  }
0x3f2: {  	s4 =	simm.s32 $0x3A00  }
0x3f3: {  	[tilespmem:s4], [sflag:$0x1] =	stream.indirect_vreg.gather [hbm4b:s11+s3], $0x80, v5, vm0, $0xb8;
	[tilespmem:$0x18200] =	vst v63  }
0x3f4: {  	s4 =	simm.s32 $0x4200  }
0x3f5: {  	[tilespmem:s4], [sflag:$0x1] =	stream.indirect_vreg.gather [hbm4b:s1+s3], $0x80, v4, vm0, $0xb8;
	[tilespmem:$0x18200] =	vst v63  }
0x3f6: {  	s4 =	simm.s32 $0x4A00  }
0x3f7: {  	[tilespmem:s4], [sflag:$0x1] =	stream.indirect_vreg.gather [hbm4b:s5+s3], $0x80, v4, vm0, $0xb8;
	[tilespmem:$0x18200] =	vst v63  }
0x3f8: {  	s4 =	simm.s32 $0x5200  }
0x3f9: {  	[tilespmem:s4], [sflag:$0x1] =	stream.indirect_vreg.gather [hbm4b:s6+s3], $0x80, v4, vm0, $0xb8;
	[tilespmem:$0x18200] =	vst v63  }
0x3fa: {  	s4 =	simm.s32 $0x5A00  }
0x3fb: {  	[tilespmem:s4], [sflag:$0x1] =	stream.indirect_vreg.gather [hbm4b:s7+s3], $0x80, v4, vm0, $0xb8;
	[tilespmem:$0x18200] =	vst v63  }
0x3fc: {  	s4 =	simm.s32 $0x6200  }
0x3fd: {  	[tilespmem:s4], [sflag:$0x1] =	stream.indirect_vreg.gather [hbm4b:s8+s3], $0x80, v4, vm0, $0xb8;
	[tilespmem:$0x18200] =	vst v63  }
0x3fe: {  	s4 =	simm.s32 $0x6A00  }
0x3ff: {  	[tilespmem:s4], [sflag:$0x1] =	stream.indirect_vreg.gather [hbm4b:s9+s3], $0x80, v4, vm0, $0xb8;
	[tilespmem:$0x18200] =	vst v63  }
0x400: {  	s4 =	simm.s32 $0x7200  }
0x401: {  	[tilespmem:s4], [sflag:$0x1] =	stream.indirect_vreg.gather [hbm4b:s10+s3], $0x80, v4, vm0, $0xb8;
	[tilespmem:$0x18200] =	vst v63  }
0x402: {  	s4 =	simm.s32 $0x7A00  }
0x403: {  	[tilespmem:s4], [sflag:$0x1] =	stream.indirect_vreg.gather [hbm4b:s11+s3], $0x80, v4, vm0, $0xb8;
	[tilespmem:$0x18200] =	vst v63  }
0x404: {  	_ =	swait.ge [sflag:s30], $0x8000  }
0x405: {  	[sflag:s30] =	ssyncset.done $0x0  }
0x406: {  	s4 =	rddreg [dreg:$0x17];
	[sflag:s30] =	ssyncadd.s32 $0xFFFF8000  }
0x407: {  	[hbm4b:s4+s3] =	stream.linear.scatter [tilespmem:s12], [sflag:$0x5], $0x8000, $0x38;
	[tilespmem:$0x18200] =	vst v63  }
0x408: {  	_ =	swait.ge [sflag:s2], $0x8000  }
0x409: {  	[sflag:s2] =	ssyncset.done $0x0  }
0x40a: {  	[sflag:s2] =	ssyncadd.s32 $0xFFFF8000  }
0x40b: {  	v4 =	vld [tilespmem:$0x160];
	_ =	sdelay $0x4  }
0x40c: {  	v5 =	vshll.u32 v4, $0x4  }
0x40d: {  	v4 =	vand.u32 $0x7, v4;
	v5 =	vand.u32 $0xFFFFFF80, v5  }
0x40e: {  	v4 =	vor.u32 v4, v5  }
0x40f: {  	v5 =	vperm.xlane v4, v1;
	_ =	sdelay $0x1  }
0x410: {  	v5 =	vadd.s32 v2, v5;
	_ =	sdelay $0x4  }
0x411: {  	[tilespmem:s12], [sflag:$0x2] =	stream.indirect_vreg.gather [hbm4b:s1+s3], $0x80, v5, vm0, $0xb8;
	[tilespmem:$0x18200] =	vst v63  }
0x412: {  	s4 =	simm.s32 $0x8A00  }
0x413: {  	[tilespmem:s4], [sflag:$0x2] =	stream.indirect_vreg.gather [hbm4b:s5+s3], $0x80, v5, vm0, $0xb8;
	[tilespmem:$0x18200] =	vst v63  }
0x414: {  	s4 =	simm.s32 $0x9200  }
0x415: {  	[tilespmem:s4], [sflag:$0x2] =	stream.indirect_vreg.gather [hbm4b:s6+s3], $0x80, v5, vm0, $0xb8;
	[tilespmem:$0x18200] =	vst v63  }
0x416: {  	s17 =	simm.s32 $0x9A00  }
0x417: {  	[tilespmem:s17], [sflag:$0x2] =	stream.indirect_vreg.gather [hbm4b:s7+s3], $0x80, v5, vm0, $0xb8;
	[tilespmem:$0x18200] =	vst v63  }
0x418: {  	s26 =	simm.s32 $0xA200  }
0x419: {  	[tilespmem:s26], [sflag:$0x2] =	stream.indirect_vreg.gather [hbm4b:s8+s3], $0x80, v5, vm0, $0xb8;
	[tilespmem:$0x18200] =	vst v63  }
0x41a: {  	v4 =	vperm.xlane v4, v3;
	s4 =	simm.s32 $0xAA00  }
0x41b: {  	[tilespmem:s4], [sflag:$0x2] =	stream.indirect_vreg.gather [hbm4b:s9+s3], $0x80, v5, vm0, $0xb8;
	[tilespmem:$0x18200] =	vst v63  }
0x41c: {  	s18 =	simm.s32 $0xB200;
	v4 =	vadd.s32 v2, v4  }
0x41d: {  	[tilespmem:s18], [sflag:$0x2] =	stream.indirect_vreg.gather [hbm4b:s10+s3], $0x80, v5, vm0, $0xb8;
	[tilespmem:$0x18200] =	vst v63  }
0x41e: {  	s16 =	simm.s32 $0xBA00  }
0x41f: {  	[tilespmem:s16], [sflag:$0x2] =	stream.indirect_vreg.gather [hbm4b:s11+s3], $0x80, v5, vm0, $0xb8;
	[tilespmem:$0x18200] =	vst v63  }
0x420: {  	s15 =	simm.s32 $0xC200  }
0x421: {  	[tilespmem:s15], [sflag:$0x2] =	stream.indirect_vreg.gather [hbm4b:s1+s3], $0x80, v4, vm0, $0xb8;
	[tilespmem:$0x18200] =	vst v63  }
0x422: {  	s19 =	simm.s32 $0xCA00  }
0x423: {  	[tilespmem:s19], [sflag:$0x2] =	stream.indirect_vreg.gather [hbm4b:s5+s3], $0x80, v4, vm0, $0xb8;
	[tilespmem:$0x18200] =	vst v63  }
0x424: {  	s20 =	simm.s32 $0xD200  }
0x425: {  	[tilespmem:s20], [sflag:$0x2] =	stream.indirect_vreg.gather [hbm4b:s6+s3], $0x80, v4, vm0, $0xb8;
	[tilespmem:$0x18200] =	vst v63  }
0x426: {  	s21 =	simm.s32 $0xDA00  }
0x427: {  	[tilespmem:s21], [sflag:$0x2] =	stream.indirect_vreg.gather [hbm4b:s7+s3], $0x80, v4, vm0, $0xb8;
	[tilespmem:$0x18200] =	vst v63  }
0x428: {  	s22 =	simm.s32 $0xE200  }
0x429: {  	[tilespmem:s22], [sflag:$0x2] =	stream.indirect_vreg.gather [hbm4b:s8+s3], $0x80, v4, vm0, $0xb8;
	[tilespmem:$0x18200] =	vst v63  }
0x42a: {  	s23 =	simm.s32 $0xEA00  }
0x42b: {  	[tilespmem:s23], [sflag:$0x2] =	stream.indirect_vreg.gather [hbm4b:s9+s3], $0x80, v4, vm0, $0xb8;
	[tilespmem:$0x18200] =	vst v63  }
0x42c: {  	s24 =	simm.s32 $0xF200  }
0x42d: {  	[tilespmem:s24], [sflag:$0x2] =	stream.indirect_vreg.gather [hbm4b:s10+s3], $0x80, v4, vm0, $0xb8;
	[tilespmem:$0x18200] =	vst v63  }
0x42e: {  	s25 =	simm.s32 $0xFA00  }
0x42f: {  	[tilespmem:s25], [sflag:$0x2] =	stream.indirect_vreg.gather [hbm4b:s11+s3], $0x80, v4, vm0, $0xb8;
	[tilespmem:$0x18200] =	vst v63  }
0x430: {  	_ =	swait.ge [sflag:s0], $0x8000  }
0x431: {  	[sflag:s0] =	ssyncset.done $0x0  }
0x432: {  	s4 =	rddreg [dreg:$0x18];
	[sflag:s0] =	ssyncadd.s32 $0xFFFF8000  }
0x433: {  	[hbm4b:s4+s3] =	stream.linear.scatter [tilespmem:s14], [sflag:$0x6], $0x8000, $0x38;
	[tilespmem:$0x18200] =	vst v63  }
0x434: {  	_ =	swait.ge [sflag:s13], $0x8000  }
0x435: {  	[sflag:s13] =	ssyncset.done $0x0  }
0x436: {  	[sflag:s13] =	ssyncadd.s32 $0xFFFF8000  }
0x437: {  	v4 =	vld [tilespmem:$0x170];
	_ =	sdelay $0x4  }
0x438: {  	v5 =	vshll.u32 v4, $0x4  }
0x439: {  	v4 =	vand.u32 $0x7, v4;
	v5 =	vand.u32 $0xFFFFFF80, v5  }
0x43a: {  	v4 =	vor.u32 v4, v5  }
0x43b: {  	v5 =	vperm.xlane v4, v1;
	_ =	sdelay $0x1  }
0x43c: {  	v5 =	vadd.s32 v2, v5;
	_ =	sdelay $0x4  }
0x43d: {  	[tilespmem:s14], [sflag:$0x3] =	stream.indirect_vreg.gather [hbm4b:s1+s3], $0x80, v5, vm0, $0xb8;
	[tilespmem:$0x18200] =	vst v63  }
0x43e: {  	s4 =	simm.s32 $0x10A00  }
0x43f: {  	[tilespmem:s4], [sflag:$0x3] =	stream.indirect_vreg.gather [hbm4b:s5+s3], $0x80, v5, vm0, $0xb8;
	[tilespmem:$0x18200] =	vst v63  }
0x440: {  	s4 =	simm.s32 $0x11200  }
0x441: {  	[tilespmem:s4], [sflag:$0x3] =	stream.indirect_vreg.gather [hbm4b:s6+s3], $0x80, v5, vm0, $0xb8;
	[tilespmem:$0x18200] =	vst v63  }
0x442: {  	s4 =	simm.s32 $0x11A00  }
0x443: {  	[tilespmem:s4], [sflag:$0x3] =	stream.indirect_vreg.gather [hbm4b:s7+s3], $0x80, v5, vm0, $0xb8;
	[tilespmem:$0x18200] =	vst v63  }
0x444: {  	s4 =	simm.s32 $0x12200  }
0x445: {  	[tilespmem:s4], [sflag:$0x3] =	stream.indirect_vreg.gather [hbm4b:s8+s3], $0x80, v5, vm0, $0xb8;
	[tilespmem:$0x18200] =	vst v63  }
0x446: {  	v4 =	vperm.xlane v4, v3;
	s4 =	simm.s32 $0x12A00  }
0x447: {  	[tilespmem:s4], [sflag:$0x3] =	stream.indirect_vreg.gather [hbm4b:s9+s3], $0x80, v5, vm0, $0xb8;
	[tilespmem:$0x18200] =	vst v63  }
0x448: {  	v4 =	vadd.s32 v2, v4;
	s4 =	simm.s32 $0x13200  }
0x449: {  	[tilespmem:s4], [sflag:$0x3] =	stream.indirect_vreg.gather [hbm4b:s10+s3], $0x80, v5, vm0, $0xb8;
	[tilespmem:$0x18200] =	vst v63  }
0x44a: {  	s4 =	simm.s32 $0x13A00  }
0x44b: {  	[tilespmem:s4], [sflag:$0x3] =	stream.indirect_vreg.gather [hbm4b:s11+s3], $0x80, v5, vm0, $0xb8;
	[tilespmem:$0x18200] =	vst v63  }
0x44c: {  	s4 =	simm.s32 $0x14200  }
0x44d: {  	[tilespmem:s4], [sflag:$0x3] =	stream.indirect_vreg.gather [hbm4b:s1+s3], $0x80, v4, vm0, $0xb8;
	[tilespmem:$0x18200] =	vst v63  }
0x44e: {  	s4 =	simm.s32 $0x14A00  }
0x44f: {  	[tilespmem:s4], [sflag:$0x3] =	stream.indirect_vreg.gather [hbm4b:s5+s3], $0x80, v4, vm0, $0xb8;
	[tilespmem:$0x18200] =	vst v63  }
0x450: {  	s4 =	simm.s32 $0x15200  }
0x451: {  	[tilespmem:s4], [sflag:$0x3] =	stream.indirect_vreg.gather [hbm4b:s6+s3], $0x80, v4, vm0, $0xb8;
	[tilespmem:$0x18200] =	vst v63  }
0x452: {  	s4 =	simm.s32 $0x15A00  }
0x453: {  	[tilespmem:s4], [sflag:$0x3] =	stream.indirect_vreg.gather [hbm4b:s7+s3], $0x80, v4, vm0, $0xb8;
	[tilespmem:$0x18200] =	vst v63  }
0x454: {  	s4 =	simm.s32 $0x16200  }
0x455: {  	[tilespmem:s4], [sflag:$0x3] =	stream.indirect_vreg.gather [hbm4b:s8+s3], $0x80, v4, vm0, $0xb8;
	[tilespmem:$0x18200] =	vst v63  }
0x456: {  	s4 =	simm.s32 $0x16A00  }
0x457: {  	[tilespmem:s4], [sflag:$0x3] =	stream.indirect_vreg.gather [hbm4b:s9+s3], $0x80, v4, vm0, $0xb8;
	[tilespmem:$0x18200] =	vst v63  }
0x458: {  	s4 =	simm.s32 $0x17200  }
0x459: {  	[tilespmem:s4], [sflag:$0x3] =	stream.indirect_vreg.gather [hbm4b:s10+s3], $0x80, v4, vm0, $0xb8;
	[tilespmem:$0x18200] =	vst v63  }
0x45a: {  	s4 =	simm.s32 $0x17A00  }
0x45b: {  	[tilespmem:s4], [sflag:$0x3] =	stream.indirect_vreg.gather [hbm4b:s11+s3], $0x80, v4, vm0, $0xb8;
	[tilespmem:$0x18200] =	vst v63  }
0x45c: {  	_ =	swait.ge [sflag:s28], $0x8000  }
0x45d: {  	[sflag:s28] =	ssyncset.done $0x0  }
0x45e: {  	s4 =	rddreg [dreg:$0x19];
	[sflag:s28] =	ssyncadd.s32 $0xFFFF8000  }
0x45f: {  	[hbm4b:s4+s3] =	stream.linear.scatter [tilespmem:s31], [sflag:$0x4], $0x8000, $0x38;
	[tilespmem:$0x18200] =	vst v63  }
0x460: {  	_ =	swait.ge [sflag:s29], $0x8000  }
0x461: {  	[sflag:s29] =	ssyncset.done $0x0  }
0x462: {  	[sflag:s29] =	ssyncadd.s32 $0xFFFF8000  }
0x463: {  	v4 =	vld [tilespmem:$0x180];
	_ =	sdelay $0x4  }
0x464: {  	v5 =	vshll.u32 v4, $0x4  }
0x465: {  	v4 =	vand.u32 $0x7, v4;
	v5 =	vand.u32 $0xFFFFFF80, v5  }
0x466: {  	v4 =	vor.u32 v4, v5  }
0x467: {  	v5 =	vperm.xlane v4, v1;
	_ =	sdelay $0x1  }
0x468: {  	v5 =	vadd.s32 v2, v5;
	_ =	sdelay $0x4  }
0x469: {  	[tilespmem:s31], [sflag:$0x1] =	stream.indirect_vreg.gather [hbm4b:s1+s3], $0x80, v5, vm0, $0xb8;
	[tilespmem:$0x18200] =	vst v63  }
0x46a: {  	s4 =	simm.s32 $0xA00  }
0x46b: {  	[tilespmem:s4], [sflag:$0x1] =	stream.indirect_vreg.gather [hbm4b:s5+s3], $0x80, v5, vm0, $0xb8;
	[tilespmem:$0x18200] =	vst v63  }
0x46c: {  	s4 =	simm.s32 $0x1200  }
0x46d: {  	[tilespmem:s4], [sflag:$0x1] =	stream.indirect_vreg.gather [hbm4b:s6+s3], $0x80, v5, vm0, $0xb8;
	[tilespmem:$0x18200] =	vst v63  }
0x46e: {  	s4 =	simm.s32 $0x1A00  }
0x46f: {  	[tilespmem:s4], [sflag:$0x1] =	stream.indirect_vreg.gather [hbm4b:s7+s3], $0x80, v5, vm0, $0xb8;
	[tilespmem:$0x18200] =	vst v63  }
0x470: {  	s4 =	simm.s32 $0x2200  }
0x471: {  	[tilespmem:s4], [sflag:$0x1] =	stream.indirect_vreg.gather [hbm4b:s8+s3], $0x80, v5, vm0, $0xb8;
	[tilespmem:$0x18200] =	vst v63  }
0x472: {  	v4 =	vperm.xlane v4, v3;
	s4 =	simm.s32 $0x2A00  }
0x473: {  	[tilespmem:s4], [sflag:$0x1] =	stream.indirect_vreg.gather [hbm4b:s9+s3], $0x80, v5, vm0, $0xb8;
	[tilespmem:$0x18200] =	vst v63  }
0x474: {  	v4 =	vadd.s32 v2, v4;
	s4 =	simm.s32 $0x3200  }
0x475: {  	[tilespmem:s4], [sflag:$0x1] =	stream.indirect_vreg.gather [hbm4b:s10+s3], $0x80, v5, vm0, $0xb8;
	[tilespmem:$0x18200] =	vst v63  }
0x476: {  	s4 =	simm.s32 $0x3A00  }
0x477: {  	[tilespmem:s4], [sflag:$0x1] =	stream.indirect_vreg.gather [hbm4b:s11+s3], $0x80, v5, vm0, $0xb8;
	[tilespmem:$0x18200] =	vst v63  }
0x478: {  	s4 =	simm.s32 $0x4200  }
0x479: {  	[tilespmem:s4], [sflag:$0x1] =	stream.indirect_vreg.gather [hbm4b:s1+s3], $0x80, v4, vm0, $0xb8;
	[tilespmem:$0x18200] =	vst v63  }
0x47a: {  	s4 =	simm.s32 $0x4A00  }
0x47b: {  	[tilespmem:s4], [sflag:$0x1] =	stream.indirect_vreg.gather [hbm4b:s5+s3], $0x80, v4, vm0, $0xb8;
	[tilespmem:$0x18200] =	vst v63  }
0x47c: {  	s4 =	simm.s32 $0x5200  }
0x47d: {  	[tilespmem:s4], [sflag:$0x1] =	stream.indirect_vreg.gather [hbm4b:s6+s3], $0x80, v4, vm0, $0xb8;
	[tilespmem:$0x18200] =	vst v63  }
0x47e: {  	s4 =	simm.s32 $0x5A00  }
0x47f: {  	[tilespmem:s4], [sflag:$0x1] =	stream.indirect_vreg.gather [hbm4b:s7+s3], $0x80, v4, vm0, $0xb8;
	[tilespmem:$0x18200] =	vst v63  }
0x480: {  	s4 =	simm.s32 $0x6200  }
0x481: {  	[tilespmem:s4], [sflag:$0x1] =	stream.indirect_vreg.gather [hbm4b:s8+s3], $0x80, v4, vm0, $0xb8;
	[tilespmem:$0x18200] =	vst v63  }
0x482: {  	s4 =	simm.s32 $0x6A00  }
0x483: {  	[tilespmem:s4], [sflag:$0x1] =	stream.indirect_vreg.gather [hbm4b:s9+s3], $0x80, v4, vm0, $0xb8;
	[tilespmem:$0x18200] =	vst v63  }
0x484: {  	s4 =	simm.s32 $0x7200  }
0x485: {  	[tilespmem:s4], [sflag:$0x1] =	stream.indirect_vreg.gather [hbm4b:s10+s3], $0x80, v4, vm0, $0xb8;
	[tilespmem:$0x18200] =	vst v63  }
0x486: {  	s4 =	simm.s32 $0x7A00  }
0x487: {  	[tilespmem:s4], [sflag:$0x1] =	stream.indirect_vreg.gather [hbm4b:s11+s3], $0x80, v4, vm0, $0xb8;
	[tilespmem:$0x18200] =	vst v63  }
0x488: {  	_ =	swait.ge [sflag:s30], $0x8000  }
0x489: {  	[sflag:s30] =	ssyncset.done $0x0  }
0x48a: {  	s4 =	rddreg [dreg:$0x1a];
	[sflag:s30] =	ssyncadd.s32 $0xFFFF8000  }
0x48b: {  	[hbm4b:s4+s3] =	stream.linear.scatter [tilespmem:s12], [sflag:$0x5], $0x8000, $0x38;
	[tilespmem:$0x18200] =	vst v63  }
0x48c: {  	_ =	swait.ge [sflag:s2], $0x8000  }
0x48d: {  	[sflag:s2] =	ssyncset.done $0x0  }
0x48e: {  	[sflag:s2] =	ssyncadd.s32 $0xFFFF8000  }
0x48f: {  	v4 =	vld [tilespmem:$0x190];
	_ =	sdelay $0x4  }
0x490: {  	v5 =	vshll.u32 v4, $0x4  }
0x491: {  	v4 =	vand.u32 $0x7, v4;
	v5 =	vand.u32 $0xFFFFFF80, v5  }
0x492: {  	v4 =	vor.u32 v4, v5  }
0x493: {  	v5 =	vperm.xlane v4, v1;
	_ =	sdelay $0x1  }
0x494: {  	v5 =	vadd.s32 v2, v5;
	_ =	sdelay $0x4  }
0x495: {  	[tilespmem:s12], [sflag:$0x2] =	stream.indirect_vreg.gather [hbm4b:s1+s3], $0x80, v5, vm0, $0xb8;
	[tilespmem:$0x18200] =	vst v63  }
0x496: {  	s4 =	simm.s32 $0x8A00  }
0x497: {  	[tilespmem:s4], [sflag:$0x2] =	stream.indirect_vreg.gather [hbm4b:s5+s3], $0x80, v5, vm0, $0xb8;
	[tilespmem:$0x18200] =	vst v63  }
0x498: {  	s4 =	simm.s32 $0x9200  }
0x499: {  	[tilespmem:s4], [sflag:$0x2] =	stream.indirect_vreg.gather [hbm4b:s6+s3], $0x80, v5, vm0, $0xb8;
	[tilespmem:$0x18200] =	vst v63  }
0x49a: {  	s17 =	simm.s32 $0x9A00  }
0x49b: {  	[tilespmem:s17], [sflag:$0x2] =	stream.indirect_vreg.gather [hbm4b:s7+s3], $0x80, v5, vm0, $0xb8;
	[tilespmem:$0x18200] =	vst v63  }
0x49c: {  	s26 =	simm.s32 $0xA200  }
0x49d: {  	[tilespmem:s26], [sflag:$0x2] =	stream.indirect_vreg.gather [hbm4b:s8+s3], $0x80, v5, vm0, $0xb8;
	[tilespmem:$0x18200] =	vst v63  }
0x49e: {  	v4 =	vperm.xlane v4, v3;
	s26 =	simm.s32 $0xAA00  }
0x49f: {  	[tilespmem:s26], [sflag:$0x2] =	stream.indirect_vreg.gather [hbm4b:s9+s3], $0x80, v5, vm0, $0xb8;
	[tilespmem:$0x18200] =	vst v63  }
0x4a0: {  	s18 =	simm.s32 $0xB200;
	v4 =	vadd.s32 v2, v4  }
0x4a1: {  	[tilespmem:s18], [sflag:$0x2] =	stream.indirect_vreg.gather [hbm4b:s10+s3], $0x80, v5, vm0, $0xb8;
	[tilespmem:$0x18200] =	vst v63  }
0x4a2: {  	s16 =	simm.s32 $0xBA00  }
0x4a3: {  	[tilespmem:s16], [sflag:$0x2] =	stream.indirect_vreg.gather [hbm4b:s11+s3], $0x80, v5, vm0, $0xb8;
	[tilespmem:$0x18200] =	vst v63  }
0x4a4: {  	s15 =	simm.s32 $0xC200  }
0x4a5: {  	[tilespmem:s15], [sflag:$0x2] =	stream.indirect_vreg.gather [hbm4b:s1+s3], $0x80, v4, vm0, $0xb8;
	[tilespmem:$0x18200] =	vst v63  }
0x4a6: {  	s19 =	simm.s32 $0xCA00  }
0x4a7: {  	[tilespmem:s19], [sflag:$0x2] =	stream.indirect_vreg.gather [hbm4b:s5+s3], $0x80, v4, vm0, $0xb8;
	[tilespmem:$0x18200] =	vst v63  }
0x4a8: {  	s20 =	simm.s32 $0xD200  }
0x4a9: {  	[tilespmem:s20], [sflag:$0x2] =	stream.indirect_vreg.gather [hbm4b:s6+s3], $0x80, v4, vm0, $0xb8;
	[tilespmem:$0x18200] =	vst v63  }
0x4aa: {  	s21 =	simm.s32 $0xDA00  }
0x4ab: {  	[tilespmem:s21], [sflag:$0x2] =	stream.indirect_vreg.gather [hbm4b:s7+s3], $0x80, v4, vm0, $0xb8;
	[tilespmem:$0x18200] =	vst v63  }
0x4ac: {  	s22 =	simm.s32 $0xE200  }
0x4ad: {  	[tilespmem:s22], [sflag:$0x2] =	stream.indirect_vreg.gather [hbm4b:s8+s3], $0x80, v4, vm0, $0xb8;
	[tilespmem:$0x18200] =	vst v63  }
0x4ae: {  	s23 =	simm.s32 $0xEA00  }
0x4af: {  	[tilespmem:s23], [sflag:$0x2] =	stream.indirect_vreg.gather [hbm4b:s9+s3], $0x80, v4, vm0, $0xb8;
	[tilespmem:$0x18200] =	vst v63  }
0x4b0: {  	s24 =	simm.s32 $0xF200  }
0x4b1: {  	[tilespmem:s24], [sflag:$0x2] =	stream.indirect_vreg.gather [hbm4b:s10+s3], $0x80, v4, vm0, $0xb8;
	[tilespmem:$0x18200] =	vst v63  }
0x4b2: {  	s25 =	simm.s32 $0xFA00  }
0x4b3: {  	[tilespmem:s25], [sflag:$0x2] =	stream.indirect_vreg.gather [hbm4b:s11+s3], $0x80, v4, vm0, $0xb8;
	[tilespmem:$0x18200] =	vst v63  }
0x4b4: {  	_ =	swait.ge [sflag:s0], $0x8000  }
0x4b5: {  	[sflag:s0] =	ssyncset.done $0x0  }
0x4b6: {  	s25 =	rddreg [dreg:$0x1b];
	[sflag:s0] =	ssyncadd.s32 $0xFFFF8000  }
0x4b7: {  	[hbm4b:s25+s3] =	stream.linear.scatter [tilespmem:s14], [sflag:$0x6], $0x8000, $0x38;
	[tilespmem:$0x18200] =	vst v63  }
0x4b8: {  	_ =	swait.ge [sflag:s13], $0x8000  }
0x4b9: {  	[sflag:s13] =	ssyncset.done $0x0  }
0x4ba: {  	[sflag:s13] =	ssyncadd.s32 $0xFFFF8000  }
0x4bb: {  	v4 =	vld [tilespmem:$0x1A0];
	_ =	sdelay $0x4  }
0x4bc: {  	v5 =	vshll.u32 v4, $0x4  }
0x4bd: {  	v4 =	vand.u32 $0x7, v4;
	v5 =	vand.u32 $0xFFFFFF80, v5  }
0x4be: {  	v4 =	vor.u32 v4, v5  }
0x4bf: {  	v5 =	vperm.xlane v4, v1;
	_ =	sdelay $0x1  }
0x4c0: {  	v5 =	vadd.s32 v2, v5;
	_ =	sdelay $0x4  }
0x4c1: {  	[tilespmem:s14], [sflag:$0x3] =	stream.indirect_vreg.gather [hbm4b:s1+s3], $0x80, v5, vm0, $0xb8;
	[tilespmem:$0x18200] =	vst v63  }
0x4c2: {  	s15 =	simm.s32 $0x10A00  }
0x4c3: {  	[tilespmem:s15], [sflag:$0x3] =	stream.indirect_vreg.gather [hbm4b:s5+s3], $0x80, v5, vm0, $0xb8;
	[tilespmem:$0x18200] =	vst v63  }
0x4c4: {  	s16 =	simm.s32 $0x11200  }
0x4c5: {  	[tilespmem:s16], [sflag:$0x3] =	stream.indirect_vreg.gather [hbm4b:s6+s3], $0x80, v5, vm0, $0xb8;
	[tilespmem:$0x18200] =	vst v63  }
0x4c6: {  	s19 =	simm.s32 $0x11A00  }
0x4c7: {  	[tilespmem:s19], [sflag:$0x3] =	stream.indirect_vreg.gather [hbm4b:s7+s3], $0x80, v5, vm0, $0xb8;
	[tilespmem:$0x18200] =	vst v63  }
0x4c8: {  	s25 =	simm.s32 $0x12200  }
0x4c9: {  	[tilespmem:s25], [sflag:$0x3] =	stream.indirect_vreg.gather [hbm4b:s8+s3], $0x80, v5, vm0, $0xb8;
	[tilespmem:$0x18200] =	vst v63  }
0x4ca: {  	v4 =	vperm.xlane v4, v3;
	s15 =	simm.s32 $0x12A00  }
0x4cb: {  	[tilespmem:s15], [sflag:$0x3] =	stream.indirect_vreg.gather [hbm4b:s9+s3], $0x80, v5, vm0, $0xb8;
	[tilespmem:$0x18200] =	vst v63  }
0x4cc: {  	v4 =	vadd.s32 v2, v4;
	s16 =	simm.s32 $0x13200  }
0x4cd: {  	[tilespmem:s16], [sflag:$0x3] =	stream.indirect_vreg.gather [hbm4b:s10+s3], $0x80, v5, vm0, $0xb8;
	[tilespmem:$0x18200] =	vst v63  }
0x4ce: {  	s19 =	simm.s32 $0x13A00  }
0x4cf: {  	[tilespmem:s19], [sflag:$0x3] =	stream.indirect_vreg.gather [hbm4b:s11+s3], $0x80, v5, vm0, $0xb8;
	[tilespmem:$0x18200] =	vst v63  }
0x4d0: {  	s25 =	simm.s32 $0x14200  }
0x4d1: {  	[tilespmem:s25], [sflag:$0x3] =	stream.indirect_vreg.gather [hbm4b:s1+s3], $0x80, v4, vm0, $0xb8;
	[tilespmem:$0x18200] =	vst v63  }
0x4d2: {  	s15 =	simm.s32 $0x14A00  }
0x4d3: {  	[tilespmem:s15], [sflag:$0x3] =	stream.indirect_vreg.gather [hbm4b:s5+s3], $0x80, v4, vm0, $0xb8;
	[tilespmem:$0x18200] =	vst v63  }
0x4d4: {  	s16 =	simm.s32 $0x15200  }
0x4d5: {  	[tilespmem:s16], [sflag:$0x3] =	stream.indirect_vreg.gather [hbm4b:s6+s3], $0x80, v4, vm0, $0xb8;
	[tilespmem:$0x18200] =	vst v63  }
0x4d6: {  	s19 =	simm.s32 $0x15A00  }
0x4d7: {  	[tilespmem:s19], [sflag:$0x3] =	stream.indirect_vreg.gather [hbm4b:s7+s3], $0x80, v4, vm0, $0xb8;
	[tilespmem:$0x18200] =	vst v63  }
0x4d8: {  	s25 =	simm.s32 $0x16200  }
0x4d9: {  	[tilespmem:s25], [sflag:$0x3] =	stream.indirect_vreg.gather [hbm4b:s8+s3], $0x80, v4, vm0, $0xb8;
	[tilespmem:$0x18200] =	vst v63  }
0x4da: {  	s15 =	simm.s32 $0x16A00  }
0x4db: {  	[tilespmem:s15], [sflag:$0x3] =	stream.indirect_vreg.gather [hbm4b:s9+s3], $0x80, v4, vm0, $0xb8;
	[tilespmem:$0x18200] =	vst v63  }
0x4dc: {  	s16 =	simm.s32 $0x17200  }
0x4dd: {  	[tilespmem:s16], [sflag:$0x3] =	stream.indirect_vreg.gather [hbm4b:s10+s3], $0x80, v4, vm0, $0xb8;
	[tilespmem:$0x18200] =	vst v63  }
0x4de: {  	s19 =	simm.s32 $0x17A00  }
0x4df: {  	[tilespmem:s19], [sflag:$0x3] =	stream.indirect_vreg.gather [hbm4b:s11+s3], $0x80, v4, vm0, $0xb8;
	[tilespmem:$0x18200] =	vst v63  }
0x4e0: {  	_ =	swait.ge [sflag:s28], $0x8000  }
0x4e1: {  	[sflag:s28] =	ssyncset.done $0x0  }
0x4e2: {  	s25 =	rddreg [dreg:$0x1c];
	[sflag:s28] =	ssyncadd.s32 $0xFFFF8000  }
0x4e3: {  	[hbm4b:s25+s3] =	stream.linear.scatter [tilespmem:s31], [sflag:$0x4], $0x8000, $0x38;
	[tilespmem:$0x18200] =	vst v63  }
0x4e4: {  	_ =	swait.ge [sflag:s29], $0x8000  }
0x4e5: {  	[sflag:s29] =	ssyncset.done $0x0  }
0x4e6: {  	[sflag:s29] =	ssyncadd.s32 $0xFFFF8000  }
0x4e7: {  	v4 =	vld [tilespmem:$0x1B0];
	_ =	sdelay $0x4  }
0x4e8: {  	v5 =	vshll.u32 v4, $0x4  }
0x4e9: {  	v4 =	vand.u32 $0x7, v4;
	v5 =	vand.u32 $0xFFFFFF80, v5  }
0x4ea: {  	v4 =	vor.u32 v4, v5  }
0x4eb: {  	v5 =	vperm.xlane v4, v1;
	_ =	sdelay $0x1  }
0x4ec: {  	v5 =	vadd.s32 v2, v5;
	_ =	sdelay $0x4  }
0x4ed: {  	[tilespmem:s31], [sflag:$0x1] =	stream.indirect_vreg.gather [hbm4b:s1+s3], $0x80, v5, vm0, $0xb8;
	[tilespmem:$0x18200] =	vst v63  }
0x4ee: {  	s15 =	simm.s32 $0xA00  }
0x4ef: {  	[tilespmem:s15], [sflag:$0x1] =	stream.indirect_vreg.gather [hbm4b:s5+s3], $0x80, v5, vm0, $0xb8;
	[tilespmem:$0x18200] =	vst v63  }
0x4f0: {  	s16 =	simm.s32 $0x1200  }
0x4f1: {  	[tilespmem:s16], [sflag:$0x1] =	stream.indirect_vreg.gather [hbm4b:s6+s3], $0x80, v5, vm0, $0xb8;
	[tilespmem:$0x18200] =	vst v63  }
0x4f2: {  	s19 =	simm.s32 $0x1A00  }
0x4f3: {  	[tilespmem:s19], [sflag:$0x1] =	stream.indirect_vreg.gather [hbm4b:s7+s3], $0x80, v5, vm0, $0xb8;
	[tilespmem:$0x18200] =	vst v63  }
0x4f4: {  	s25 =	simm.s32 $0x2200  }
0x4f5: {  	[tilespmem:s25], [sflag:$0x1] =	stream.indirect_vreg.gather [hbm4b:s8+s3], $0x80, v5, vm0, $0xb8;
	[tilespmem:$0x18200] =	vst v63  }
0x4f6: {  	v4 =	vperm.xlane v4, v3;
	s15 =	simm.s32 $0x2A00  }
0x4f7: {  	[tilespmem:s15], [sflag:$0x1] =	stream.indirect_vreg.gather [hbm4b:s9+s3], $0x80, v5, vm0, $0xb8;
	[tilespmem:$0x18200] =	vst v63  }
0x4f8: {  	v4 =	vadd.s32 v2, v4;
	s16 =	simm.s32 $0x3200  }
0x4f9: {  	[tilespmem:s16], [sflag:$0x1] =	stream.indirect_vreg.gather [hbm4b:s10+s3], $0x80, v5, vm0, $0xb8;
	[tilespmem:$0x18200] =	vst v63  }
0x4fa: {  	s19 =	simm.s32 $0x3A00  }
0x4fb: {  	[tilespmem:s19], [sflag:$0x1] =	stream.indirect_vreg.gather [hbm4b:s11+s3], $0x80, v5, vm0, $0xb8;
	[tilespmem:$0x18200] =	vst v63  }
0x4fc: {  	s25 =	simm.s32 $0x4200  }
0x4fd: {  	[tilespmem:s25], [sflag:$0x1] =	stream.indirect_vreg.gather [hbm4b:s1+s3], $0x80, v4, vm0, $0xb8;
	[tilespmem:$0x18200] =	vst v63  }
0x4fe: {  	s15 =	simm.s32 $0x4A00  }
0x4ff: {  	[tilespmem:s15], [sflag:$0x1] =	stream.indirect_vreg.gather [hbm4b:s5+s3], $0x80, v4, vm0, $0xb8;
	[tilespmem:$0x18200] =	vst v63  }
0x500: {  	s16 =	simm.s32 $0x5200  }
0x501: {  	[tilespmem:s16], [sflag:$0x1] =	stream.indirect_vreg.gather [hbm4b:s6+s3], $0x80, v4, vm0, $0xb8;
	[tilespmem:$0x18200] =	vst v63  }
0x502: {  	s19 =	simm.s32 $0x5A00  }
0x503: {  	[tilespmem:s19], [sflag:$0x1] =	stream.indirect_vreg.gather [hbm4b:s7+s3], $0x80, v4, vm0, $0xb8;
	[tilespmem:$0x18200] =	vst v63  }
0x504: {  	s25 =	simm.s32 $0x6200  }
0x505: {  	[tilespmem:s25], [sflag:$0x1] =	stream.indirect_vreg.gather [hbm4b:s8+s3], $0x80, v4, vm0, $0xb8;
	[tilespmem:$0x18200] =	vst v63  }
0x506: {  	s15 =	simm.s32 $0x6A00  }
0x507: {  	[tilespmem:s15], [sflag:$0x1] =	stream.indirect_vreg.gather [hbm4b:s9+s3], $0x80, v4, vm0, $0xb8;
	[tilespmem:$0x18200] =	vst v63  }
0x508: {  	s16 =	simm.s32 $0x7200  }
0x509: {  	[tilespmem:s16], [sflag:$0x1] =	stream.indirect_vreg.gather [hbm4b:s10+s3], $0x80, v4, vm0, $0xb8;
	[tilespmem:$0x18200] =	vst v63  }
0x50a: {  	s19 =	simm.s32 $0x7A00  }
0x50b: {  	[tilespmem:s19], [sflag:$0x1] =	stream.indirect_vreg.gather [hbm4b:s11+s3], $0x80, v4, vm0, $0xb8;
	[tilespmem:$0x18200] =	vst v63  }
0x50c: {  	_ =	swait.ge [sflag:s30], $0x8000  }
0x50d: {  	[sflag:s30] =	ssyncset.done $0x0  }
0x50e: {  	s25 =	rddreg [dreg:$0x1d];
	[sflag:s30] =	ssyncadd.s32 $0xFFFF8000  }
0x50f: {  	[hbm4b:s25+s3] =	stream.linear.scatter [tilespmem:s12], [sflag:$0x5], $0x8000, $0x38;
	[tilespmem:$0x18200] =	vst v63  }
0x510: {  	_ =	swait.ge [sflag:s2], $0x8000  }
0x511: {  	[sflag:s2] =	ssyncset.done $0x0  }
0x512: {  	[sflag:s2] =	ssyncadd.s32 $0xFFFF8000  }
0x513: {  	v4 =	vld [tilespmem:$0x1C0];
	_ =	sdelay $0x4  }
0x514: {  	v5 =	vshll.u32 v4, $0x4  }
0x515: {  	v4 =	vand.u32 $0x7, v4;
	v5 =	vand.u32 $0xFFFFFF80, v5  }
0x516: {  	v4 =	vor.u32 v4, v5  }
0x517: {  	v5 =	vperm.xlane v4, v1;
	_ =	sdelay $0x1  }
0x518: {  	v5 =	vadd.s32 v2, v5;
	_ =	sdelay $0x4  }
0x519: {  	[tilespmem:s12], [sflag:$0x2] =	stream.indirect_vreg.gather [hbm4b:s1+s3], $0x80, v5, vm0, $0xb8;
	[tilespmem:$0x18200] =	vst v63  }
0x51a: {  	s15 =	simm.s32 $0x8A00  }
0x51b: {  	[tilespmem:s15], [sflag:$0x2] =	stream.indirect_vreg.gather [hbm4b:s5+s3], $0x80, v5, vm0, $0xb8;
	[tilespmem:$0x18200] =	vst v63  }
0x51c: {  	s16 =	simm.s32 $0x9200  }
0x51d: {  	[tilespmem:s16], [sflag:$0x2] =	stream.indirect_vreg.gather [hbm4b:s6+s3], $0x80, v5, vm0, $0xb8;
	[tilespmem:$0x18200] =	vst v63  }
0x51e: {  	s17 =	simm.s32 $0x9A00  }
0x51f: {  	[tilespmem:s17], [sflag:$0x2] =	stream.indirect_vreg.gather [hbm4b:s7+s3], $0x80, v5, vm0, $0xb8;
	[tilespmem:$0x18200] =	vst v63  }
0x520: {  	s19 =	simm.s32 $0xA200  }
0x521: {  	[tilespmem:s19], [sflag:$0x2] =	stream.indirect_vreg.gather [hbm4b:s8+s3], $0x80, v5, vm0, $0xb8;
	[tilespmem:$0x18200] =	vst v63  }
0x522: {  	v4 =	vperm.xlane v4, v3;
	s17 =	simm.s32 $0xAA00  }
0x523: {  	[tilespmem:s17], [sflag:$0x2] =	stream.indirect_vreg.gather [hbm4b:s9+s3], $0x80, v5, vm0, $0xb8;
	[tilespmem:$0x18200] =	vst v63  }
0x524: {  	s26 =	simm.s32 $0xB200;
	v4 =	vadd.s32 v2, v4  }
0x525: {  	[tilespmem:s26], [sflag:$0x2] =	stream.indirect_vreg.gather [hbm4b:s10+s3], $0x80, v5, vm0, $0xb8;
	[tilespmem:$0x18200] =	vst v63  }
0x526: {  	s18 =	simm.s32 $0xBA00  }
0x527: {  	[tilespmem:s18], [sflag:$0x2] =	stream.indirect_vreg.gather [hbm4b:s11+s3], $0x80, v5, vm0, $0xb8;
	[tilespmem:$0x18200] =	vst v63  }
0x528: {  	s18 =	simm.s32 $0xC200  }
0x529: {  	[tilespmem:s18], [sflag:$0x2] =	stream.indirect_vreg.gather [hbm4b:s1+s3], $0x80, v4, vm0, $0xb8;
	[tilespmem:$0x18200] =	vst v63  }
0x52a: {  	s26 =	simm.s32 $0xCA00  }
0x52b: {  	[tilespmem:s26], [sflag:$0x2] =	stream.indirect_vreg.gather [hbm4b:s5+s3], $0x80, v4, vm0, $0xb8;
	[tilespmem:$0x18200] =	vst v63  }
0x52c: {  	s20 =	simm.s32 $0xD200  }
0x52d: {  	[tilespmem:s20], [sflag:$0x2] =	stream.indirect_vreg.gather [hbm4b:s6+s3], $0x80, v4, vm0, $0xb8;
	[tilespmem:$0x18200] =	vst v63  }
0x52e: {  	s21 =	simm.s32 $0xDA00  }
0x52f: {  	[tilespmem:s21], [sflag:$0x2] =	stream.indirect_vreg.gather [hbm4b:s7+s3], $0x80, v4, vm0, $0xb8;
	[tilespmem:$0x18200] =	vst v63  }
0x530: {  	s22 =	simm.s32 $0xE200  }
0x531: {  	[tilespmem:s22], [sflag:$0x2] =	stream.indirect_vreg.gather [hbm4b:s8+s3], $0x80, v4, vm0, $0xb8;
	[tilespmem:$0x18200] =	vst v63  }
0x532: {  	s23 =	simm.s32 $0xEA00  }
0x533: {  	[tilespmem:s23], [sflag:$0x2] =	stream.indirect_vreg.gather [hbm4b:s9+s3], $0x80, v4, vm0, $0xb8;
	[tilespmem:$0x18200] =	vst v63  }
0x534: {  	s24 =	simm.s32 $0xF200  }
0x535: {  	[tilespmem:s24], [sflag:$0x2] =	stream.indirect_vreg.gather [hbm4b:s10+s3], $0x80, v4, vm0, $0xb8;
	[tilespmem:$0x18200] =	vst v63  }
0x536: {  	s4 =	simm.s32 $0xFA00  }
0x537: {  	[tilespmem:s4], [sflag:$0x2] =	stream.indirect_vreg.gather [hbm4b:s11+s3], $0x80, v4, vm0, $0xb8;
	[tilespmem:$0x18200] =	vst v63  }
0x538: {  	_ =	swait.ge [sflag:s0], $0x8000  }
0x539: {  	[sflag:s0] =	ssyncset.done $0x0  }
0x53a: {  	s4 =	rddreg [dreg:$0x1e];
	[sflag:s0] =	ssyncadd.s32 $0xFFFF8000  }
0x53b: {  	[hbm4b:s4+s3] =	stream.linear.scatter [tilespmem:s14], [sflag:$0x6], $0x8000, $0x38;
	[tilespmem:$0x18200] =	vst v63  }
0x53c: {  	_ =	swait.ge [sflag:s13], $0x8000  }
0x53d: {  	[sflag:s13] =	ssyncset.done $0x0  }
0x53e: {  	[sflag:s13] =	ssyncadd.s32 $0xFFFF8000  }
0x53f: {  	v4 =	vld [tilespmem:$0x1D0];
	_ =	sdelay $0x4  }
0x540: {  	v5 =	vshll.u32 v4, $0x4  }
0x541: {  	v4 =	vand.u32 $0x7, v4;
	v5 =	vand.u32 $0xFFFFFF80, v5  }
0x542: {  	v4 =	vor.u32 v4, v5  }
0x543: {  	v5 =	vperm.xlane v4, v1;
	_ =	sdelay $0x1  }
0x544: {  	v5 =	vadd.s32 v2, v5;
	_ =	sdelay $0x4  }
0x545: {  	[tilespmem:s14], [sflag:$0x3] =	stream.indirect_vreg.gather [hbm4b:s1+s3], $0x80, v5, vm0, $0xb8;
	[tilespmem:$0x18200] =	vst v63  }
0x546: {  	s4 =	simm.s32 $0x10A00  }
0x547: {  	[tilespmem:s4], [sflag:$0x3] =	stream.indirect_vreg.gather [hbm4b:s5+s3], $0x80, v5, vm0, $0xb8;
	[tilespmem:$0x18200] =	vst v63  }
0x548: {  	s4 =	simm.s32 $0x11200  }
0x549: {  	[tilespmem:s4], [sflag:$0x3] =	stream.indirect_vreg.gather [hbm4b:s6+s3], $0x80, v5, vm0, $0xb8;
	[tilespmem:$0x18200] =	vst v63  }
0x54a: {  	s4 =	simm.s32 $0x11A00  }
0x54b: {  	[tilespmem:s4], [sflag:$0x3] =	stream.indirect_vreg.gather [hbm4b:s7+s3], $0x80, v5, vm0, $0xb8;
	[tilespmem:$0x18200] =	vst v63  }
0x54c: {  	s4 =	simm.s32 $0x12200  }
0x54d: {  	[tilespmem:s4], [sflag:$0x3] =	stream.indirect_vreg.gather [hbm4b:s8+s3], $0x80, v5, vm0, $0xb8;
	[tilespmem:$0x18200] =	vst v63  }
0x54e: {  	v4 =	vperm.xlane v4, v3;
	s4 =	simm.s32 $0x12A00  }
0x54f: {  	[tilespmem:s4], [sflag:$0x3] =	stream.indirect_vreg.gather [hbm4b:s9+s3], $0x80, v5, vm0, $0xb8;
	[tilespmem:$0x18200] =	vst v63  }
0x550: {  	v4 =	vadd.s32 v2, v4;
	s4 =	simm.s32 $0x13200  }
0x551: {  	[tilespmem:s4], [sflag:$0x3] =	stream.indirect_vreg.gather [hbm4b:s10+s3], $0x80, v5, vm0, $0xb8;
	[tilespmem:$0x18200] =	vst v63  }
0x552: {  	s4 =	simm.s32 $0x13A00  }
0x553: {  	[tilespmem:s4], [sflag:$0x3] =	stream.indirect_vreg.gather [hbm4b:s11+s3], $0x80, v5, vm0, $0xb8;
	[tilespmem:$0x18200] =	vst v63  }
0x554: {  	s4 =	simm.s32 $0x14200  }
0x555: {  	[tilespmem:s4], [sflag:$0x3] =	stream.indirect_vreg.gather [hbm4b:s1+s3], $0x80, v4, vm0, $0xb8;
	[tilespmem:$0x18200] =	vst v63  }
0x556: {  	s4 =	simm.s32 $0x14A00  }
0x557: {  	[tilespmem:s4], [sflag:$0x3] =	stream.indirect_vreg.gather [hbm4b:s5+s3], $0x80, v4, vm0, $0xb8;
	[tilespmem:$0x18200] =	vst v63  }
0x558: {  	s4 =	simm.s32 $0x15200  }
0x559: {  	[tilespmem:s4], [sflag:$0x3] =	stream.indirect_vreg.gather [hbm4b:s6+s3], $0x80, v4, vm0, $0xb8;
	[tilespmem:$0x18200] =	vst v63  }
0x55a: {  	s4 =	simm.s32 $0x15A00  }
0x55b: {  	[tilespmem:s4], [sflag:$0x3] =	stream.indirect_vreg.gather [hbm4b:s7+s3], $0x80, v4, vm0, $0xb8;
	[tilespmem:$0x18200] =	vst v63  }
0x55c: {  	s4 =	simm.s32 $0x16200  }
0x55d: {  	[tilespmem:s4], [sflag:$0x3] =	stream.indirect_vreg.gather [hbm4b:s8+s3], $0x80, v4, vm0, $0xb8;
	[tilespmem:$0x18200] =	vst v63  }
0x55e: {  	s4 =	simm.s32 $0x16A00  }
0x55f: {  	[tilespmem:s4], [sflag:$0x3] =	stream.indirect_vreg.gather [hbm4b:s9+s3], $0x80, v4, vm0, $0xb8;
	[tilespmem:$0x18200] =	vst v63  }
0x560: {  	s4 =	simm.s32 $0x17200  }
0x561: {  	[tilespmem:s4], [sflag:$0x3] =	stream.indirect_vreg.gather [hbm4b:s10+s3], $0x80, v4, vm0, $0xb8;
	[tilespmem:$0x18200] =	vst v63  }
0x562: {  	s4 =	simm.s32 $0x17A00  }
0x563: {  	[tilespmem:s4], [sflag:$0x3] =	stream.indirect_vreg.gather [hbm4b:s11+s3], $0x80, v4, vm0, $0xb8;
	[tilespmem:$0x18200] =	vst v63  }
0x564: {  	_ =	swait.ge [sflag:s28], $0x8000  }
0x565: {  	[sflag:s28] =	ssyncset.done $0x0  }
0x566: {  	s4 =	rddreg [dreg:$0x1f];
	[sflag:s28] =	ssyncadd.s32 $0xFFFF8000  }
0x567: {  	[hbm4b:s4+s3] =	stream.linear.scatter [tilespmem:s31], [sflag:$0x4], $0x8000, $0x38;
	[tilespmem:$0x18200] =	vst v63  }
0x568: {  	_ =	swait.ge [sflag:s29], $0x8000  }
0x569: {  	[sflag:s29] =	ssyncset.done $0x0  }
0x56a: {  	[sflag:s29] =	ssyncadd.s32 $0xFFFF8000  }
0x56b: {  	v4 =	vld [tilespmem:$0x1E0];
	_ =	sdelay $0x4  }
0x56c: {  	v5 =	vshll.u32 v4, $0x4  }
0x56d: {  	v4 =	vand.u32 $0x7, v4;
	v5 =	vand.u32 $0xFFFFFF80, v5  }
0x56e: {  	v4 =	vor.u32 v4, v5  }
0x56f: {  	v5 =	vperm.xlane v4, v1;
	_ =	sdelay $0x1  }
0x570: {  	v5 =	vadd.s32 v2, v5;
	_ =	sdelay $0x4  }
0x571: {  	[tilespmem:s31], [sflag:$0x1] =	stream.indirect_vreg.gather [hbm4b:s1+s3], $0x80, v5, vm0, $0xb8;
	[tilespmem:$0x18200] =	vst v63  }
0x572: {  	s4 =	simm.s32 $0xA00  }
0x573: {  	[tilespmem:s4], [sflag:$0x1] =	stream.indirect_vreg.gather [hbm4b:s5+s3], $0x80, v5, vm0, $0xb8;
	[tilespmem:$0x18200] =	vst v63  }
0x574: {  	s4 =	simm.s32 $0x1200  }
0x575: {  	[tilespmem:s4], [sflag:$0x1] =	stream.indirect_vreg.gather [hbm4b:s6+s3], $0x80, v5, vm0, $0xb8;
	[tilespmem:$0x18200] =	vst v63  }
0x576: {  	s4 =	simm.s32 $0x1A00  }
0x577: {  	[tilespmem:s4], [sflag:$0x1] =	stream.indirect_vreg.gather [hbm4b:s7+s3], $0x80, v5, vm0, $0xb8;
	[tilespmem:$0x18200] =	vst v63  }
0x578: {  	s4 =	simm.s32 $0x2200  }
0x579: {  	[tilespmem:s4], [sflag:$0x1] =	stream.indirect_vreg.gather [hbm4b:s8+s3], $0x80, v5, vm0, $0xb8;
	[tilespmem:$0x18200] =	vst v63  }
0x57a: {  	v4 =	vperm.xlane v4, v3;
	s4 =	simm.s32 $0x2A00  }
0x57b: {  	[tilespmem:s4], [sflag:$0x1] =	stream.indirect_vreg.gather [hbm4b:s9+s3], $0x80, v5, vm0, $0xb8;
	[tilespmem:$0x18200] =	vst v63  }
0x57c: {  	v4 =	vadd.s32 v2, v4;
	s4 =	simm.s32 $0x3200  }
0x57d: {  	[tilespmem:s4], [sflag:$0x1] =	stream.indirect_vreg.gather [hbm4b:s10+s3], $0x80, v5, vm0, $0xb8;
	[tilespmem:$0x18200] =	vst v63  }
0x57e: {  	s4 =	simm.s32 $0x3A00  }
0x57f: {  	[tilespmem:s4], [sflag:$0x1] =	stream.indirect_vreg.gather [hbm4b:s11+s3], $0x80, v5, vm0, $0xb8;
	[tilespmem:$0x18200] =	vst v63  }
0x580: {  	s4 =	simm.s32 $0x4200  }
0x581: {  	[tilespmem:s4], [sflag:$0x1] =	stream.indirect_vreg.gather [hbm4b:s1+s3], $0x80, v4, vm0, $0xb8;
	[tilespmem:$0x18200] =	vst v63  }
0x582: {  	s4 =	simm.s32 $0x4A00  }
0x583: {  	[tilespmem:s4], [sflag:$0x1] =	stream.indirect_vreg.gather [hbm4b:s5+s3], $0x80, v4, vm0, $0xb8;
	[tilespmem:$0x18200] =	vst v63  }
0x584: {  	s4 =	simm.s32 $0x5200  }
0x585: {  	[tilespmem:s4], [sflag:$0x1] =	stream.indirect_vreg.gather [hbm4b:s6+s3], $0x80, v4, vm0, $0xb8;
	[tilespmem:$0x18200] =	vst v63  }
0x586: {  	s4 =	simm.s32 $0x5A00  }
0x587: {  	[tilespmem:s4], [sflag:$0x1] =	stream.indirect_vreg.gather [hbm4b:s7+s3], $0x80, v4, vm0, $0xb8;
	[tilespmem:$0x18200] =	vst v63  }
0x588: {  	s4 =	simm.s32 $0x6200  }
0x589: {  	[tilespmem:s4], [sflag:$0x1] =	stream.indirect_vreg.gather [hbm4b:s8+s3], $0x80, v4, vm0, $0xb8;
	[tilespmem:$0x18200] =	vst v63  }
0x58a: {  	s4 =	simm.s32 $0x6A00  }
0x58b: {  	[tilespmem:s4], [sflag:$0x1] =	stream.indirect_vreg.gather [hbm4b:s9+s3], $0x80, v4, vm0, $0xb8;
	[tilespmem:$0x18200] =	vst v63  }
0x58c: {  	s4 =	simm.s32 $0x7200  }
0x58d: {  	[tilespmem:s4], [sflag:$0x1] =	stream.indirect_vreg.gather [hbm4b:s10+s3], $0x80, v4, vm0, $0xb8;
	[tilespmem:$0x18200] =	vst v63  }
0x58e: {  	s4 =	simm.s32 $0x7A00  }
0x58f: {  	[tilespmem:s4], [sflag:$0x1] =	stream.indirect_vreg.gather [hbm4b:s11+s3], $0x80, v4, vm0, $0xb8;
	[tilespmem:$0x18200] =	vst v63  }
0x590: {  	_ =	swait.ge [sflag:s30], $0x8000  }
0x591: {  	s4 =	sld [smem:$0x7F9]  }
0x592: {  	[sflag:s30] =	ssyncset.done $0x0  }
0x593: {  	[sflag:s30] =	ssyncadd.s32 $0xFFFF8000  }
0x594: {  	[hbm4b:s4+s3] =	stream.linear.scatter [tilespmem:s12], [sflag:$0x5], $0x8000, $0x38;
	[tilespmem:$0x18200] =	vst v63  }
0x595: {  	_ =	swait.ge [sflag:s2], $0x8000  }
0x596: {  	[sflag:s2] =	ssyncset.done $0x0  }
0x597: {  	[sflag:s2] =	ssyncadd.s32 $0xFFFF8000  }
0x598: {  	v4 =	vld [tilespmem:$0x1F0];
	_ =	sdelay $0x4  }
0x599: {  	v5 =	vshll.u32 v4, $0x4  }
0x59a: {  	v4 =	vand.u32 $0x7, v4;
	v5 =	vand.u32 $0xFFFFFF80, v5  }
0x59b: {  	v4 =	vor.u32 v4, v5  }
0x59c: {  	v5 =	vperm.xlane v4, v1;
	_ =	sdelay $0x1  }
0x59d: {  	v5 =	vadd.s32 v2, v5;
	_ =	sdelay $0x4  }
0x59e: {  	[tilespmem:s12], [sflag:$0x2] =	stream.indirect_vreg.gather [hbm4b:s1+s3], $0x80, v5, vm0, $0xb8;
	[tilespmem:$0x18200] =	vst v63  }
0x59f: {  	s25 =	simm.s32 $0x8A00  }
0x5a0: {  	[tilespmem:s25], [sflag:$0x2] =	stream.indirect_vreg.gather [hbm4b:s5+s3], $0x80, v5, vm0, $0xb8;
	[tilespmem:$0x18200] =	vst v63  }
0x5a1: {  	s15 =	simm.s32 $0x9200  }
0x5a2: {  	[tilespmem:s15], [sflag:$0x2] =	stream.indirect_vreg.gather [hbm4b:s6+s3], $0x80, v5, vm0, $0xb8;
	[tilespmem:$0x18200] =	vst v63  }
0x5a3: {  	s16 =	simm.s32 $0x9A00  }
0x5a4: {  	[tilespmem:s16], [sflag:$0x2] =	stream.indirect_vreg.gather [hbm4b:s7+s3], $0x80, v5, vm0, $0xb8;
	[tilespmem:$0x18200] =	vst v63  }
0x5a5: {  	s15 =	simm.s32 $0xA200  }
0x5a6: {  	[tilespmem:s15], [sflag:$0x2] =	stream.indirect_vreg.gather [hbm4b:s8+s3], $0x80, v5, vm0, $0xb8;
	[tilespmem:$0x18200] =	vst v63  }
0x5a7: {  	v4 =	vperm.xlane v4, v3;
	s16 =	simm.s32 $0xAA00  }
0x5a8: {  	[tilespmem:s16], [sflag:$0x2] =	stream.indirect_vreg.gather [hbm4b:s9+s3], $0x80, v5, vm0, $0xb8;
	[tilespmem:$0x18200] =	vst v63  }
0x5a9: {  	s19 =	simm.s32 $0xB200;
	v4 =	vadd.s32 v2, v4  }
0x5aa: {  	[tilespmem:s19], [sflag:$0x2] =	stream.indirect_vreg.gather [hbm4b:s10+s3], $0x80, v5, vm0, $0xb8;
	[tilespmem:$0x18200] =	vst v63  }
0x5ab: {  	s17 =	simm.s32 $0xBA00  }
0x5ac: {  	[tilespmem:s17], [sflag:$0x2] =	stream.indirect_vreg.gather [hbm4b:s11+s3], $0x80, v5, vm0, $0xb8;
	[tilespmem:$0x18200] =	vst v63  }
0x5ad: {  	s18 =	simm.s32 $0xC200  }
0x5ae: {  	[tilespmem:s18], [sflag:$0x2] =	stream.indirect_vreg.gather [hbm4b:s1+s3], $0x80, v4, vm0, $0xb8;
	[tilespmem:$0x18200] =	vst v63  }
0x5af: {  	s26 =	simm.s32 $0xCA00  }
0x5b0: {  	[tilespmem:s26], [sflag:$0x2] =	stream.indirect_vreg.gather [hbm4b:s5+s3], $0x80, v4, vm0, $0xb8;
	[tilespmem:$0x18200] =	vst v63  }
0x5b1: {  	s20 =	simm.s32 $0xD200  }
0x5b2: {  	[tilespmem:s20], [sflag:$0x2] =	stream.indirect_vreg.gather [hbm4b:s6+s3], $0x80, v4, vm0, $0xb8;
	[tilespmem:$0x18200] =	vst v63  }
0x5b3: {  	s21 =	simm.s32 $0xDA00  }
0x5b4: {  	[tilespmem:s21], [sflag:$0x2] =	stream.indirect_vreg.gather [hbm4b:s7+s3], $0x80, v4, vm0, $0xb8;
	[tilespmem:$0x18200] =	vst v63  }
0x5b5: {  	s22 =	simm.s32 $0xE200  }
0x5b6: {  	[tilespmem:s22], [sflag:$0x2] =	stream.indirect_vreg.gather [hbm4b:s8+s3], $0x80, v4, vm0, $0xb8;
	[tilespmem:$0x18200] =	vst v63  }
0x5b7: {  	s23 =	simm.s32 $0xEA00  }
0x5b8: {  	[tilespmem:s23], [sflag:$0x2] =	stream.indirect_vreg.gather [hbm4b:s9+s3], $0x80, v4, vm0, $0xb8;
	[tilespmem:$0x18200] =	vst v63  }
0x5b9: {  	s24 =	simm.s32 $0xF200  }
0x5ba: {  	[tilespmem:s24], [sflag:$0x2] =	stream.indirect_vreg.gather [hbm4b:s10+s3], $0x80, v4, vm0, $0xb8;
	[tilespmem:$0x18200] =	vst v63  }
0x5bb: {  	s22 =	simm.s32 $0xFA00  }
0x5bc: {  	[tilespmem:s22], [sflag:$0x2] =	stream.indirect_vreg.gather [hbm4b:s11+s3], $0x80, v4, vm0, $0xb8;
	[tilespmem:$0x18200] =	vst v63  }
0x5bd: {  	_ =	swait.ge [sflag:s0], $0x8000  }
0x5be: {  	s23 =	sld [smem:$0x7FA]  }
0x5bf: {  	[sflag:s0] =	ssyncset.done $0x0  }
0x5c0: {  	[sflag:s0] =	ssyncadd.s32 $0xFFFF8000  }
0x5c1: {  	[hbm4b:s23+s3] =	stream.linear.scatter [tilespmem:s14], [sflag:$0x6], $0x8000, $0x38;
	[tilespmem:$0x18200] =	vst v63  }
0x5c2: {  	_ =	swait.ge [sflag:s28], $0x8000  }
0x5c3: {  	s24 =	sld [smem:$0x7FB]  }
0x5c4: {  	[sflag:s28] =	ssyncset.done $0x0  }
0x5c5: {  	[sflag:s28] =	ssyncadd.s32 $0xFFFF8000  }
0x5c6: {  	[hbm4b:s24+s3] =	stream.linear.scatter [tilespmem:s31], [sflag:$0x4], $0x8000, $0x38;
	[tilespmem:$0x18200] =	vst v63  }
0x5c7: {  	_ =	swait.ge [sflag:s30], $0x8000  }
0x5c8: {  	s25 =	sld [smem:$0x7FD]  }
0x5c9: {  	[sflag:s30] =	ssyncset.done $0x0  }
0x5ca: {  	[sflag:s30] =	ssyncadd.s32 $0xFFFF8000  }
0x5cb: {  	[hbm4b:s25+s3] =	stream.linear.scatter [tilespmem:s12], [sflag:$0x5], $0x8000, $0x38;
	[tilespmem:$0x18200] =	vst v63  }
0x5cc: {  	s26 =	sld [smem:$0x7F8];
	_ =	swait.ge [sflag:s13], $0x8000  }
0x5cd: {  	[sflag:s13] =	ssyncset.done $0x0  }
0x5ce: {  	[sflag:s13] =	ssyncadd.s32 $0xFFFF8000  }
0x5cf: {  	p0 =	sne.s32 s26, $0x1;
	_ =	swait.ge [sflag:s29], $0x8000  }
.Ltmp0:
0x5d0: {  	[sflag:s29] =	ssyncset.done $0x0;
	(pc) =	sbr.rel @p0 .LBB2_1-.Ltmp0, $4  }
0x5d1: {  	[sflag:s29] =	ssyncadd.s32 $0xFFFF8000  }
0x5d2: {  	_ =	swait.ge [sflag:s2], $0x8000  }
0x5d3: {  	[sflag:s2] =	ssyncset.done $0x0  }
0x5d4: {  	s4 =	sadd.s32 $0xFFFFFFFF, s26;
	[sflag:s2] =	ssyncadd.s32 $0xFFFF8000  }
0x5d5: {  	_ =	sfence.sel $0x180000  }
0x5d6: {  	[bflag:$0x0] =	sbarrier.arrive $0xFFFF  }
0x5d7: {  	_ =	strace $0x90000047  }
0x5d8: {  	s0 =	stileid.u32;
	[bflag:$0x2] =	sbarrier.arrive $0xFFFF  }
0x5d9: {  	p0 =	sne.s32 s0, $0x0;
	s0 =	rddreg [dreg:$0x3]  }
0x5da: {  	s0 =	sadd.s32 @!p0 $0x100000, s0  }
0x5db: {  	[sflag:s0] =	ssyncadd.tile.s32 @!p0 $0x1;
	_ =	shalt  }
.Lfunc_end2:
_tile_overlayer_lowered:
.L_overlay_start_2:
0x5dc: {  	(tag) =	ssettag $0x2  }
0x5dd: {  	s0 =	rddreg [dreg:$0x0];
	s2 =	stileid.u32  }
0x5de: {  	s1 =	rddreg [dreg:$0x1];
	p0 =	sne.s32 s2, $0x0  }
0x5df: {  	s3 =	rddreg [dreg:$0x2];
	[bflag:$0x3] =	sbarrier.arrive $0xFFFF;
	s2 =	simm.s32 @!p0 $0x1C07  }
0x5e0: {  	[timem:s3], [sflag:s2] =	dma.local @!p0 [hbm:s0], s1  }
0x5e1: {  	s0 =	simm.s32 @!p0 $0x7  }
0x5e2: {  	_ =	swait.ge @!p0 [sflag:s0], s1  }
0x5e3: {  	s1 =	ssub.s32 @!p0 $0x0, s1;
	[sflag:s0] =	ssyncset.done @!p0 $0x0  }
0x5e4: {  	[sflag:s0] =	ssyncadd.s32 @!p0 s1  }
0x5e5: {  	[bflag:$0x3] =	sbarrier.arrive $0xFFFF  }
0x5e6: {  	_ =	shalt  }

</sc_bundles>
